<compile_context>
chip_gen: v7x
topology: tpu7x:2x2x1
jax: 0.10.2.dev20260603
libtpu: 0.0.44.dev20260713+nightly
codegen_flags: <defaults>
</compile_context>

<pallas_src>
import functools

import jax
import jax.numpy as jnp
from jax import lax
from jax.experimental import pallas as pl
from jax.experimental.pallas import tpu as pltpu
from jax.experimental.pallas import tpu_sc as plsc

N = 10000
E = 160000
EH = E // 2
D = 256

NC = 2
NS = 16
NW = NC * NS
CHUNK = 64
NCHUNKS = EH // CHUNK
NSETS = 3
NP = 10240
ZROWS = NP // NS


def _sc_gather_body(half, hs_hbm, dst_hbm, src_hbm, gsum_hbm, cnt0_hbm, cnt1_hbm,
                    idx_d0, idx_d1, idx_d2, idx_s0, idx_s1, idx_s2,
                    buf_d0, buf_d1, buf_d2, buf_s0, buf_s1, buf_s2,
                    ones_v, zbuf, counts_sh,
                    gd0, gd1, gd2, gs0, gs1, gs2,
                    w0, w1, w2, ss0, ss1, ss2):
  idx_d = (idx_d0, idx_d1, idx_d2)
  idx_s = (idx_s0, idx_s1, idx_s2)
  buf_d = (buf_d0, buf_d1, buf_d2)
  buf_s = (buf_s0, buf_s1, buf_s2)
  gdsem = (gd0, gd1, gd2)
  gssem = (gs0, gs1, gs2)
  wsem = (w0, w1, w2)
  ssem = (ss0, ss1, ss2)

  c = lax.axis_index("c")
  s = lax.axis_index("s")
  wid = c * NS + s
  n = (NCHUNKS + NW - 1 - wid) // NW

  def fill_ones(i, _):
    ones_v[pl.ds(i * 16, 16)] = jnp.full((16,), 1.0, dtype=jnp.float32)
    return 0
  lax.fori_loop(0, CHUNK // 16, fill_ones, 0)

  def fill_zeros(i, _):
    zbuf[pl.ds(i * 16, 16)] = jnp.zeros((16,), dtype=jnp.float32)
    return 0
  lax.fori_loop(0, ZROWS // 16, fill_zeros, 0)

  pltpu.sync_copy(zbuf, counts_sh.at[pl.ds(s * ZROWS, ZROWS)])
  plsc.subcore_barrier()

  def cbase(k):
    return (half * NCHUNKS + wid + k * NW) * CHUNK

  def obase(k):
    return (wid + k * NW) * CHUNK

  def issue(k, q):
    pltpu.sync_copy(dst_hbm.at[pl.ds(cbase(k), CHUNK)], idx_d[q])
    pltpu.sync_copy(src_hbm.at[pl.ds(cbase(k), CHUNK)], idx_s[q])
    pltpu.async_copy(hs_hbm.at[idx_d[q]], buf_d[q], gdsem[q])
    pltpu.async_copy(hs_hbm.at[idx_s[q]], buf_s[q], gssem[q])

    @pl.when(k < n - NSETS)
    def _():
      pltpu.async_copy(ones_v, counts_sh.at[idx_d[q]], ssem[q], add=True)

    @pl.when(k >= n - NSETS)
    def _():
      pltpu.sync_copy(ones_v, counts_sh.at[idx_d[q]], add=True)

  def substep(k, p):
    q = (p + 1) % NSETS

    @pl.when(k < n)
    def _():
      @pl.when(k + 1 < n)
      def _():
        @pl.when(k >= 2)
        def _():
          pltpu.make_async_copy(
              buf_d[q], gsum_hbm.at[pl.ds(0, CHUNK)], wsem[q]).wait()
          pltpu.make_async_copy(
              cnt0_hbm.at[pl.ds(0, CHUNK)], ones_v, ssem[q]).wait()
        issue(k + 1, q)

      pltpu.make_async_copy(hs_hbm.at[idx_d[p]], buf_d[p], gdsem[p]).wait()
      pltpu.make_async_copy(hs_hbm.at[idx_s[p]], buf_s[p], gssem[p]).wait()

      def row_add(r, _):
        for j in range(D // 16):
          sl = pl.ds(j * 16, 16)
          buf_d[p][r, sl] = buf_d[p][r, sl] + buf_s[p][r, sl]
        return 0
      lax.fori_loop(0, CHUNK, row_add, 0)

      @pl.when(k < n - NSETS)
      def _():
        pltpu.async_copy(buf_d[p], gsum_hbm.at[pl.ds(obase(k), CHUNK)], wsem[p])

      @pl.when(k >= n - NSETS)
      def _():
        pltpu.sync_copy(buf_d[p], gsum_hbm.at[pl.ds(obase(k), CHUNK)])

  issue(0, 0)

  def ring_body(g, _):
    substep(3 * g, 0)
    substep(3 * g + 1, 1)
    substep(3 * g + 2, 2)
    return 0
  lax.fori_loop(0, (n + NSETS - 1) // NSETS, ring_body, 0)

  plsc.subcore_barrier()

  @pl.when((s == 0) & (c == 0))
  def _():
    pltpu.sync_copy(counts_sh, cnt0_hbm)

  @pl.when((s == 0) & (c == 1))
  def _():
    pltpu.sync_copy(counts_sh, cnt1_hbm)


@functools.partial(jax.jit, static_argnums=(3,))
def _sc_gather(hs, dst, src, half):
  mesh = plsc.VectorSubcoreMesh(core_axis_name="c", subcore_axis_name="s")
  return pl.kernel(
      functools.partial(_sc_gather_body, half),
      out_type=(
          jax.ShapeDtypeStruct((EH, D), jnp.float32),
          jax.ShapeDtypeStruct((NP,), jnp.float32),
          jax.ShapeDtypeStruct((NP,), jnp.float32),
      ),
      mesh=mesh,
      scratch_types=(
          pltpu.VMEM((CHUNK,), jnp.int32),
          pltpu.VMEM((CHUNK,), jnp.int32),
          pltpu.VMEM((CHUNK,), jnp.int32),
          pltpu.VMEM((CHUNK,), jnp.int32),
          pltpu.VMEM((CHUNK,), jnp.int32),
          pltpu.VMEM((CHUNK,), jnp.int32),
          pltpu.VMEM((CHUNK, D), jnp.float32),
          pltpu.VMEM((CHUNK, D), jnp.float32),
          pltpu.VMEM((CHUNK, D), jnp.float32),
          pltpu.VMEM((CHUNK, D), jnp.float32),
          pltpu.VMEM((CHUNK, D), jnp.float32),
          pltpu.VMEM((CHUNK, D), jnp.float32),
          pltpu.VMEM((CHUNK,), jnp.float32),
          pltpu.VMEM((ZROWS,), jnp.float32),
          pltpu.VMEM_SHARED((NP,), jnp.float32),
          pltpu.SemaphoreType.DMA,
          pltpu.SemaphoreType.DMA,
          pltpu.SemaphoreType.DMA,
          pltpu.SemaphoreType.DMA,
          pltpu.SemaphoreType.DMA,
          pltpu.SemaphoreType.DMA,
          pltpu.SemaphoreType.DMA,
          pltpu.SemaphoreType.DMA,
          pltpu.SemaphoreType.DMA,
          pltpu.SemaphoreType.DMA,
          pltpu.SemaphoreType.DMA,
          pltpu.SemaphoreType.DMA,
      ),
  )(hs, dst, src)


BE = 3200
GRIDE = EH // BE
BN = N // GRIDE


def _tc_edge_body(hs_e_ref, gsum_ref, wt_ref, b_ref, out_e_ref):
  he = hs_e_ref[...]
  y = jnp.dot(he.astype(jnp.bfloat16), wt_ref[...],
              preferred_element_type=jnp.float32)
  out_e_ref[...] = jax.nn.sigmoid(y + b_ref[...]) + gsum_ref[...] + he


def _tc_final_body(part_ref, hs_e_ref, gsum_ref, wt_ref, b_ref, hs_ref,
                   c0_ref, c1_ref, c2_ref, c3_ref, out_e_ref, out_n_ref):
  del part_ref
  he = hs_e_ref[...]
  y = jnp.dot(he.astype(jnp.bfloat16), wt_ref[...],
              preferred_element_type=jnp.float32)
  out_e_ref[...] = jax.nn.sigmoid(y + b_ref[...]) + gsum_ref[...] + he
  m = (c0_ref[...] + c1_ref[...] + c2_ref[...] + c3_ref[...]) > 0.0
  out_n_ref[...] = jnp.where(m, hs_ref[...], 0.0)


@jax.jit
def _tc_edge(hs_e, gsum, wt, b2):
  return pl.pallas_call(
      _tc_edge_body,
      grid=(GRIDE,),
      in_specs=[
          pl.BlockSpec((BE, D), lambda i: (i, 0)),
          pl.BlockSpec((BE, D), lambda i: (i, 0)),
          pl.BlockSpec((D, D), lambda i: (0, 0)),
          pl.BlockSpec((1, D), lambda i: (0, 0)),
      ],
      out_specs=pl.BlockSpec((BE, D), lambda i: (i, 0)),
      out_shape=jax.ShapeDtypeStruct((E, D), jnp.float32),
      compiler_params=pltpu.CompilerParams(
          dimension_semantics=("arbitrary",),
      ),
  )(hs_e, gsum, wt, b2)


@jax.jit
def _tc_final(part, hs_e, gsum, wt, b2, hs, c0, c1, c2, c3):
  return pl.pallas_call(
      _tc_final_body,
      grid=(GRIDE,),
      in_specs=[
          pl.BlockSpec(memory_space=pl.ANY),
          pl.BlockSpec((BE, D), lambda i: (i + GRIDE, 0)),
          pl.BlockSpec((BE, D), lambda i: (i, 0)),
          pl.BlockSpec((D, D), lambda i: (0, 0)),
          pl.BlockSpec((1, D), lambda i: (0, 0)),
          pl.BlockSpec((BN, D), lambda i: (i, 0)),
          pl.BlockSpec((BN, 1), lambda i: (i, 0)),
          pl.BlockSpec((BN, 1), lambda i: (i, 0)),
          pl.BlockSpec((BN, 1), lambda i: (i, 0)),
          pl.BlockSpec((BN, 1), lambda i: (i, 0)),
      ],
      out_specs=[
          pl.BlockSpec((BE, D), lambda i: (i + GRIDE, 0)),
          pl.BlockSpec((BN, D), lambda i: (i, 0)),
      ],
      out_shape=[
          jax.ShapeDtypeStruct((E, D), jnp.float32),
          jax.ShapeDtypeStruct((N, D), jnp.float32),
      ],
      input_output_aliases={0: 0},
      compiler_params=pltpu.CompilerParams(
          dimension_semantics=("arbitrary",),
      ),
  )(part, hs_e, gsum, wt, b2, hs, c0, c1, c2, c3)


def kernel(hs, hs_e, edge_index, W, b):
  src = edge_index[0]
  dst = edge_index[1]
  wt = W.T.astype(jnp.bfloat16)
  b2 = b.reshape(1, D)

  gsum0, c00, c01 = _sc_gather(hs, dst, src, 0)
  gsum1, c10, c11 = _sc_gather(hs, dst, src, 1)

  part = _tc_edge(hs_e, gsum0, wt, b2)
  new_hs_e, useless = _tc_final(
      part, hs_e, gsum1, wt, b2, hs,
      c00.reshape(NP, 1), c01.reshape(NP, 1),
      c10.reshape(NP, 1), c11.reshape(NP, 1))
  return new_hs_e, useless

# --- scband reference (transcript-rebuilt; emitter-appended) ---
"""Pipeline reference for scband-updated-e-layer-33062658245055 (READ-ONLY COPY).

The authoritative reference and input builder live on the scoring server;
editing this copy changes nothing except your own understanding.
"""

import jax, jax.numpy as jnp
import numpy as np

N = 10000
E = 160000
D = 256

def setup_inputs(seed: int = 0) -> dict:
    key = jax.random.key(seed)
    k1, k2, k3, k4, k5 = jax.random.split(key, 5)
    hs = jax.random.normal(k1, (N, D), dtype=jnp.float32)
    hs_e = jax.random.normal(k2, (E, D), dtype=jnp.float32)
    edge_index = jax.random.randint(k3, (2, E), 0, N, dtype=jnp.int32)
    # nn.Linear(d_NodeAttr, d_NodeAttr) params: weight [D, D], bias [D]
    W = jax.random.normal(k4, (D, D), dtype=jnp.float32) * (1.0 / np.sqrt(D))
    b = jax.random.normal(k5, (D,), dtype=jnp.float32) * 0.01
    return {"hs": hs, "hs_e": hs_e, "edge_index": edge_index, "W": W, "b": b}

def reference(hs, hs_e, edge_index, W, b):
    # DGL update_all with:
    #   message_func: edges.data['hs_e'] = sigmoid(Linear(hs_e)) + hs[dst] + hs[src] + hs_e; msg = hs[dst]
    #   reduce_func:  nodes['useless'] = mailbox['msg'][:, 0, :]  (first incoming message per node)
    src = edge_index[0]
    dst = edge_index[1]
    lin = hs_e @ W.T + b                      # nn.Linear
    new_hs_e = jax.nn.sigmoid(lin) + hs[dst] + hs[src] + hs_e
    msg = hs[dst]                             # message sent along each edge
    # All messages arriving at a given node equal hs[node], so taking mailbox[:, 0, :]
    # is equivalent to a scatter-overwrite of msg keyed by dst (order-independent here).
    useless = jnp.zeros_like(hs).at[dst].set(msg)
    return new_hs_e, useless

if __name__ == "__main__":
    import jax
    _d = setup_inputs()
    print(jax.jit(kernel)(*tuple(_d.values())))

</pallas_src>

<mosaic_0001>
#map = affine_map<(d0, d1) -> (0, 0)>
#map1 = affine_map<(d0, d1) -> (0)>
module attributes {stable_mosaic.version = 14 : i64} {
  func.func @_sc_gather_body(%arg0: i32, %arg1: i32, %arg2: memref<10000x256xf32, #tpu.memory_space<hbm>>, %arg3: memref<160000xi32, #tpu.memory_space<hbm>>, %arg4: memref<160000xi32, #tpu.memory_space<hbm>>, %arg5: memref<80000x256xf32, #tpu.memory_space<hbm>>, %arg6: memref<10240xf32, #tpu.memory_space<hbm>>, %arg7: memref<10240xf32, #tpu.memory_space<hbm>>, %arg8: memref<64xi32, #tpu.memory_space<vmem>>, %arg9: memref<64xi32, #tpu.memory_space<vmem>>, %arg10: memref<64xi32, #tpu.memory_space<vmem>>, %arg11: memref<64xi32, #tpu.memory_space<vmem>>, %arg12: memref<64xi32, #tpu.memory_space<vmem>>, %arg13: memref<64xi32, #tpu.memory_space<vmem>>, %arg14: memref<64x256xf32, #tpu.memory_space<vmem>>, %arg15: memref<64x256xf32, #tpu.memory_space<vmem>>, %arg16: memref<64x256xf32, #tpu.memory_space<vmem>>, %arg17: memref<64x256xf32, #tpu.memory_space<vmem>>, %arg18: memref<64x256xf32, #tpu.memory_space<vmem>>, %arg19: memref<64x256xf32, #tpu.memory_space<vmem>>, %arg20: memref<64xf32, #tpu.memory_space<vmem>>, %arg21: memref<640xf32, #tpu.memory_space<vmem>>, %arg22: memref<10240xf32, #tpu.memory_space<vmem_shared>>, %arg23: memref<!tpu.dma_semaphore, #tpu.memory_space<semaphore_mem>>, %arg24: memref<!tpu.dma_semaphore, #tpu.memory_space<semaphore_mem>>, %arg25: memref<!tpu.dma_semaphore, #tpu.memory_space<semaphore_mem>>, %arg26: memref<!tpu.dma_semaphore, #tpu.memory_space<semaphore_mem>>, %arg27: memref<!tpu.dma_semaphore, #tpu.memory_space<semaphore_mem>>, %arg28: memref<!tpu.dma_semaphore, #tpu.memory_space<semaphore_mem>>, %arg29: memref<!tpu.dma_semaphore, #tpu.memory_space<semaphore_mem>>, %arg30: memref<!tpu.dma_semaphore, #tpu.memory_space<semaphore_mem>>, %arg31: memref<!tpu.dma_semaphore, #tpu.memory_space<semaphore_mem>>, %arg32: memref<!tpu.dma_semaphore, #tpu.memory_space<semaphore_mem>>, %arg33: memref<!tpu.dma_semaphore, #tpu.memory_space<semaphore_mem>>, %arg34: memref<!tpu.dma_semaphore, #tpu.memory_space<semaphore_mem>>) attributes {dimension_semantics = [#tpu.dimension_semantics<core_parallel>, #tpu.dimension_semantics<subcore_parallel>], iteration_bounds = array<i64: 2, 16>, scalar_prefetch = 0 : i64, scratch_operands = 27 : i64, tpu.core_type = #tpu.core_type<sc_vector_subcore>, window_params = [{transform_indices = #map}, {transform_indices = #map1}, {transform_indices = #map1}, {transform_indices = #map}, {transform_indices = #map1}, {transform_indices = #map1}]} {
    %mul3A = arith.constant 16 : i32
    %mul3A_0 = arith.muli %arg0, %mul3A : i32
    %add3A = arith.addi %mul3A_0, %arg1 : i32
    %sub3A = arith.constant 1281 : i32
    %sub3A_1 = arith.subi %sub3A, %add3A : i32
    %jit3A = arith.constant 32 : i32
    %div3A = arith.divsi %sub3A_1, %jit3A : i32
    %sign3A = arith.constant 0 : i32
    %sign3A_2 = arith.cmpi sgt, %sub3A_1, %sign3A : i32
    %sign3A_3 = arith.extui %sign3A_2 : i1 to i32
    %sign3A_4 = arith.constant 0 : i32
    %sign3A_5 = arith.cmpi slt, %sub3A_1, %sign3A_4 : i32
    %sign3A_6 = arith.extui %sign3A_5 : i1 to i32
    %sign3A_7 = arith.subi %sign3A_3, %sign3A_6 : i32
    %sign3A_8 = arith.constant 0 : i32
    %sign3A_9 = arith.cmpi sgt, %jit3A, %sign3A_8 : i32
    %sign3A_10 = arith.extui %sign3A_9 : i1 to i32
    %sign3A_11 = arith.constant 0 : i32
    %sign3A_12 = arith.cmpi slt, %jit3A, %sign3A_11 : i32
    %sign3A_13 = arith.extui %sign3A_12 : i1 to i32
    %sign3A_14 = arith.subi %sign3A_10, %sign3A_13 : i32
    %ne3A = arith.cmpi ne, %sign3A_7, %sign3A_14 : i32
    %rem3A = arith.remsi %sub3A_1, %jit3A : i32
    %ne3A_15 = arith.constant 0 : i32
    %ne3A_16 = arith.cmpi ne, %rem3A, %ne3A_15 : i32
    %and3A = arith.andi %ne3A, %ne3A_16 : i1
    %sub3A_17 = arith.constant 1 : i32
    %sub3A_18 = arith.subi %div3A, %sub3A_17 : i32
    %select_n3A = arith.select %and3A, %sub3A_18, %div3A : i32
    %scan3A = arith.constant 0 : i32
    %scan3A_19 = arith.constant 0 : i32
    %scan3A_20 = arith.constant 4 : i32
    %scan3A_21 = arith.addi %scan3A_19, %scan3A_20 : i32
    %scan3A_22 = arith.constant 1 : i32
    %scan3A_23 = scf.for %scan3A_116 = %scan3A_19 to %scan3A_21 step %scan3A_22 iter_args(%scan3A_117 = %scan3A) -> (i32)  : i32 {
      %broadcast_in_dim3A = arith.constant 1.000000e+00 : f32
      %broadcast_in_dim3A_118 = vector.broadcast %broadcast_in_dim3A : f32 to vector<16xf32>
      %mul3A_119 = arith.constant 16 : i32
      %mul3A_120 = arith.muli %scan3A_116, %mul3A_119 : i32
      %swap3A = arith.index_cast %mul3A_120 : i32 to index
      %swap3A_121 = tpu.vector_load %arg20[%swap3A] {strides = array<i32>} : memref<64xf32, #tpu.memory_space<vmem>>, vector<16xf32>,
      %swap3A_122 = vector.shape_cast %swap3A_121 : vector<16xf32> to vector<16xf32>
      %swap3A_123 = vector.shape_cast %broadcast_in_dim3A_118 : vector<16xf32> to vector<16xf32>
      tpu.vector_store %arg20[%swap3A], %swap3A_123 {strides = array<i32>} : memref<64xf32, #tpu.memory_space<vmem>>, vector<16xf32>,
      %scan3A_124 = arith.constant 0 : i32
      scf.yield %scan3A_124 : i32
    }
    %scan3A_24 = arith.constant 4 : i32
    %scan3A_25 = arith.constant 0 : i32
    %scan3A_26 = arith.constant 0 : i32
    %scan3A_27 = arith.constant 40 : i32
    %scan3A_28 = arith.addi %scan3A_26, %scan3A_27 : i32
    %scan3A_29 = arith.constant 1 : i32
    %scan3A_30 = scf.for %scan3A_116 = %scan3A_26 to %scan3A_28 step %scan3A_29 iter_args(%scan3A_117 = %scan3A_25) -> (i32)  : i32 {
      %broadcast_in_dim3A = arith.constant 0.000000e+00 : f32
      %broadcast_in_dim3A_118 = vector.broadcast %broadcast_in_dim3A : f32 to vector<16xf32>
      %mul3A_119 = arith.constant 16 : i32
      %mul3A_120 = arith.muli %scan3A_116, %mul3A_119 : i32
      %swap3A = arith.index_cast %mul3A_120 : i32 to index
      %swap3A_121 = tpu.vector_load %arg21[%swap3A] {strides = array<i32>} : memref<640xf32, #tpu.memory_space<vmem>>, vector<16xf32>,
      %swap3A_122 = vector.shape_cast %swap3A_121 : vector<16xf32> to vector<16xf32>
      %swap3A_123 = vector.shape_cast %broadcast_in_dim3A_118 : vector<16xf32> to vector<16xf32>
      tpu.vector_store %arg21[%swap3A], %swap3A_123 {strides = array<i32>} : memref<640xf32, #tpu.memory_space<vmem>>, vector<16xf32>,
      %scan3A_124 = arith.constant 0 : i32
      scf.yield %scan3A_124 : i32
    }
    %scan3A_31 = arith.constant 40 : i32
    %mul3A_32 = arith.constant 640 : i32
    %mul3A_33 = arith.muli %arg1, %mul3A_32 : i32
    "tpu.region"() ({
      %run_scoped3A = tpu.sem_alloc : memref<!tpu.dma_semaphore, #tpu.memory_space<semaphore_mem>>
      %dma_start3A_116 = tpu.memref_slice %arg22[%mul3A_33] : memref<10240xf32, #tpu.memory_space<vmem_shared>> -> memref<640xf32, #tpu.memory_space<vmem_shared>>
      %dma_start3A_117 = tpu.memref_slice %arg22[%mul3A_33] : memref<10240xf32, #tpu.memory_space<vmem_shared>> -> memref<640xf32, #tpu.memory_space<vmem_shared>>
      tpu.enqueue_dma source(%arg21 : memref<640xf32, #tpu.memory_space<vmem>>) target(%dma_start3A_117 : memref<640xf32, #tpu.memory_space<vmem_shared>>) target_semaphore(%run_scoped3A : memref<!tpu.dma_semaphore, #tpu.memory_space<semaphore_mem>>)
      %dma_wait3A = tpu.memref_slice %arg22[%mul3A_33] : memref<10240xf32, #tpu.memory_space<vmem_shared>> -> memref<640xf32, #tpu.memory_space<vmem_shared>>
      %dma_wait3A_118 = tpu.memref_slice %arg22[%mul3A_33] : memref<10240xf32, #tpu.memory_space<vmem_shared>> -> memref<640xf32, #tpu.memory_space<vmem_shared>>
      tpu.wait_dma2 semaphore(%run_scoped3A : memref<!tpu.dma_semaphore, #tpu.memory_space<semaphore_mem>>) src(%arg21 : memref<640xf32, #tpu.memory_space<vmem>>) dst(%dma_wait3A_118 : memref<640xf32, #tpu.memory_space<vmem_shared>>)
      tpu.yield
    }) : () -> ()
    %barrier3A = arith.constant 0 : index
    tpu.barrier barrier_id(%barrier3A)
    %add3A_34 = arith.constant 0 : i32
    %add3A_35 = arith.addi %add3A_34, %add3A : i32
    %add3A_36 = arith.constant 0 : i32
    %add3A_37 = arith.addi %add3A_35, %add3A_36 : i32
    %mul3A_38 = arith.constant 64 : i32
    %mul3A_39 = arith.muli %add3A_37, %mul3A_38 : i32
    "tpu.region"() ({
      %run_scoped3A = tpu.sem_alloc : memref<!tpu.dma_semaphore, #tpu.memory_space<semaphore_mem>>
      %dma_start3A_116 = tpu.memref_slice %arg3[%mul3A_39] : memref<160000xi32, #tpu.memory_space<hbm>> -> memref<64xi32, #tpu.memory_space<hbm>>
      %dma_start3A_117 = tpu.memref_slice %arg3[%mul3A_39] : memref<160000xi32, #tpu.memory_space<hbm>> -> memref<64xi32, #tpu.memory_space<hbm>>
      tpu.enqueue_dma source(%dma_start3A_117 : memref<64xi32, #tpu.memory_space<hbm>>) target(%arg8 : memref<64xi32, #tpu.memory_space<vmem>>) target_semaphore(%run_scoped3A : memref<!tpu.dma_semaphore, #tpu.memory_space<semaphore_mem>>)
      %dma_wait3A = tpu.memref_slice %arg3[%mul3A_39] : memref<160000xi32, #tpu.memory_space<hbm>> -> memref<64xi32, #tpu.memory_space<hbm>>
      %dma_wait3A_118 = tpu.memref_slice %arg3[%mul3A_39] : memref<160000xi32, #tpu.memory_space<hbm>> -> memref<64xi32, #tpu.memory_space<hbm>>
      tpu.wait_dma2 semaphore(%run_scoped3A : memref<!tpu.dma_semaphore, #tpu.memory_space<semaphore_mem>>) src(%dma_wait3A_118 : memref<64xi32, #tpu.memory_space<hbm>>) dst(%arg8 : memref<64xi32, #tpu.memory_space<vmem>>)
      tpu.yield
    }) : () -> ()
    %add3A_40 = arith.constant 0 : i32
    %add3A_41 = arith.addi %add3A_40, %add3A : i32
    %add3A_42 = arith.constant 0 : i32
    %add3A_43 = arith.addi %add3A_41, %add3A_42 : i32
    %mul3A_44 = arith.constant 64 : i32
    %mul3A_45 = arith.muli %add3A_43, %mul3A_44 : i32
    "tpu.region"() ({
      %run_scoped3A = tpu.sem_alloc : memref<!tpu.dma_semaphore, #tpu.memory_space<semaphore_mem>>
      %dma_start3A_116 = tpu.memref_slice %arg4[%mul3A_45] : memref<160000xi32, #tpu.memory_space<hbm>> -> memref<64xi32, #tpu.memory_space<hbm>>
      %dma_start3A_117 = tpu.memref_slice %arg4[%mul3A_45] : memref<160000xi32, #tpu.memory_space<hbm>> -> memref<64xi32, #tpu.memory_space<hbm>>
      tpu.enqueue_dma source(%dma_start3A_117 : memref<64xi32, #tpu.memory_space<hbm>>) target(%arg11 : memref<64xi32, #tpu.memory_space<vmem>>) target_semaphore(%run_scoped3A : memref<!tpu.dma_semaphore, #tpu.memory_space<semaphore_mem>>)
      %dma_wait3A = tpu.memref_slice %arg4[%mul3A_45] : memref<160000xi32, #tpu.memory_space<hbm>> -> memref<64xi32, #tpu.memory_space<hbm>>
      %dma_wait3A_118 = tpu.memref_slice %arg4[%mul3A_45] : memref<160000xi32, #tpu.memory_space<hbm>> -> memref<64xi32, #tpu.memory_space<hbm>>
      tpu.wait_dma2 semaphore(%run_scoped3A : memref<!tpu.dma_semaphore, #tpu.memory_space<semaphore_mem>>) src(%dma_wait3A_118 : memref<64xi32, #tpu.memory_space<hbm>>) dst(%arg11 : memref<64xi32, #tpu.memory_space<vmem>>)
      tpu.yield
    }) : () -> ()
    %dma_start3A = arith.constant 0 : i32
    %dma_start3A_46 = arith.constant 0 : i32
    %dma_start3A_47 = tpu.memref_slice %arg2[%dma_start3A, %dma_start3A_46] : memref<10000x256xf32, #tpu.memory_space<hbm>> -> memref<10000x256xf32, #tpu.memory_space<hbm>>
    tpu.enqueue_indirect_dma source(%dma_start3A_47 : memref<10000x256xf32, #tpu.memory_space<hbm>>) target(%arg14 : memref<64x256xf32, #tpu.memory_space<vmem>>) offsets(%arg8 : memref<64xi32, #tpu.memory_space<vmem>>) semaphore(%arg23 : memref<!tpu.dma_semaphore, #tpu.memory_space<semaphore_mem>>)
    %dma_start3A_48 = arith.constant 0 : i32
    %dma_start3A_49 = arith.constant 0 : i32
    %dma_start3A_50 = tpu.memref_slice %arg2[%dma_start3A_48, %dma_start3A_49] : memref<10000x256xf32, #tpu.memory_space<hbm>> -> memref<10000x256xf32, #tpu.memory_space<hbm>>
    tpu.enqueue_indirect_dma source(%dma_start3A_50 : memref<10000x256xf32, #tpu.memory_space<hbm>>) target(%arg17 : memref<64x256xf32, #tpu.memory_space<vmem>>) offsets(%arg11 : memref<64xi32, #tpu.memory_space<vmem>>) semaphore(%arg26 : memref<!tpu.dma_semaphore, #tpu.memory_space<semaphore_mem>>)
    %sub3A_51 = arith.constant 3 : i32
    %sub3A_52 = arith.subi %select_n3A, %sub3A_51 : i32
    %gt3A = arith.constant 0 : i32
    %gt3A_53 = arith.cmpi sgt, %sub3A_52, %gt3A : i32
    %convert_element_type3A = arith.extui %gt3A_53 : i1 to i32
    %cond3A = arith.constant 0 : i32
    %cond3A_54 = arith.cmpi ne, %convert_element_type3A, %cond3A : i32
    scf.if %cond3A_54 {
      %dma_start3A_116 = arith.constant 0 : i32
      %dma_start3A_117 = tpu.memref_slice %arg22[%dma_start3A_116] : memref<10240xf32, #tpu.memory_space<vmem_shared>> -> memref<10240xf32, #tpu.memory_space<vmem_shared>>
      tpu.enqueue_indirect_dma source(%arg20 : memref<64xf32, #tpu.memory_space<vmem>>) target(%dma_start3A_117 : memref<10240xf32, #tpu.memory_space<vmem_shared>>) offsets(%arg8 : memref<64xi32, #tpu.memory_space<vmem>>) semaphore(%arg32 : memref<!tpu.dma_semaphore, #tpu.memory_space<semaphore_mem>>) {add = true}
    } else {
    }
    %sub3A_55 = arith.constant 3 : i32
    %sub3A_56 = arith.subi %select_n3A, %sub3A_55 : i32
    %le3A = arith.constant 0 : i32
    %le3A_57 = arith.cmpi sle, %sub3A_56, %le3A : i32
    %convert_element_type3A_58 = arith.extui %le3A_57 : i1 to i32
    %cond3A_59 = arith.constant 0 : i32
    %cond3A_60 = arith.cmpi ne, %convert_element_type3A_58, %cond3A_59 : i32
    scf.if %cond3A_60 {
      "tpu.region"() ({
        %run_scoped3A = tpu.sem_alloc : memref<!tpu.dma_semaphore, #tpu.memory_space<semaphore_mem>>
        %dma_start3A_116 = arith.constant 0 : i32
        %dma_start3A_117 = tpu.memref_slice %arg22[%dma_start3A_116] : memref<10240xf32, #tpu.memory_space<vmem_shared>> -> memref<10240xf32, #tpu.memory_space<vmem_shared>>
        tpu.enqueue_indirect_dma source(%arg20 : memref<64xf32, #tpu.memory_space<vmem>>) target(%dma_start3A_117 : memref<10240xf32, #tpu.memory_space<vmem_shared>>) offsets(%arg8 : memref<64xi32, #tpu.memory_space<vmem>>) semaphore(%run_scoped3A : memref<!tpu.dma_semaphore, #tpu.memory_space<semaphore_mem>>) {add = true}
        %dma_wait3A = arith.constant 0 : i32
        %dma_wait3A_118 = tpu.memref_slice %arg22[%dma_wait3A] : memref<10240xf32, #tpu.memory_space<vmem_shared>> -> memref<10240xf32, #tpu.memory_space<vmem_shared>>
        tpu.wait_indirect_dma semaphore(%run_scoped3A : memref<!tpu.dma_semaphore, #tpu.memory_space<semaphore_mem>>) src(%arg20 : memref<64xf32, #tpu.memory_space<vmem>>) dst(%dma_wait3A_118 : memref<10240xf32, #tpu.memory_space<vmem_shared>>)
        tpu.yield
      }) : () -> ()
    } else {
    }
    %add3A_61 = arith.constant 3 : i32
    %add3A_62 = arith.addi %select_n3A, %add3A_61 : i32
    %sub3A_63 = arith.constant 1 : i32
    %sub3A_64 = arith.subi %add3A_62, %sub3A_63 : i32
    %jit3A_65 = arith.constant 3 : i32
    %div3A_66 = arith.divsi %sub3A_64, %jit3A_65 : i32
    %sign3A_67 = arith.constant 0 : i32
    %sign3A_68 = arith.cmpi sgt, %sub3A_64, %sign3A_67 : i32
    %sign3A_69 = arith.extui %sign3A_68 : i1 to i32
    %sign3A_70 = arith.constant 0 : i32
    %sign3A_71 = arith.cmpi slt, %sub3A_64, %sign3A_70 : i32
    %sign3A_72 = arith.extui %sign3A_71 : i1 to i32
    %sign3A_73 = arith.subi %sign3A_69, %sign3A_72 : i32
    %sign3A_74 = arith.constant 0 : i32
    %sign3A_75 = arith.cmpi sgt, %jit3A_65, %sign3A_74 : i32
    %sign3A_76 = arith.extui %sign3A_75 : i1 to i32
    %sign3A_77 = arith.constant 0 : i32
    %sign3A_78 = arith.cmpi slt, %jit3A_65, %sign3A_77 : i32
    %sign3A_79 = arith.extui %sign3A_78 : i1 to i32
    %sign3A_80 = arith.subi %sign3A_76, %sign3A_79 : i32
    %ne3A_81 = arith.cmpi ne, %sign3A_73, %sign3A_80 : i32
    %rem3A_82 = arith.remsi %sub3A_64, %jit3A_65 : i32
    %ne3A_83 = arith.constant 0 : i32
    %ne3A_84 = arith.cmpi ne, %rem3A_82, %ne3A_83 : i32
    %and3A_85 = arith.andi %ne3A_81, %ne3A_84 : i1
    %sub3A_86 = arith.constant 1 : i32
    %sub3A_87 = arith.subi %div3A_66, %sub3A_86 : i32
    %select_n3A_88 = arith.select %and3A_85, %sub3A_87, %div3A_66 : i32
    %while3A = arith.constant 0 : i32
    %while3A_89 = arith.constant 0 : i32
    %while3A_90 = arith.subi %select_n3A_88, %while3A : i32
    %while3A_91 = arith.addi %while3A, %while3A_90 : i32
    %while3A_92 = arith.constant 1 : i32
    %while3A_93 = arith.divsi %while3A_90, %while3A_92 : i32
    %while3A_94 = arith.muli %while3A_93, %while3A_92 : i32
    %while3A_95 = arith.addi %while3A, %while3A_94 : i32
    %while3A_96 = arith.constant 1 : i32
    %while3A_97 = scf.for %while3A_116 = %while3A to %while3A_95 step %while3A_96 iter_args(%while3A_117 = %while3A_89) -> (i32)  : i32 {
      %mul3A_118 = arith.constant 3 : i32
      %mul3A_119 = arith.muli %mul3A_118, %while3A_116 : i32
      %lt3A = arith.cmpi slt, %mul3A_119, %select_n3A : i32
      %convert_element_type3A_120 = arith.extui %lt3A : i1 to i32
      %cond3A_121 = arith.constant 0 : i32
      %cond3A_122 = arith.cmpi ne, %convert_element_type3A_120, %cond3A_121 : i32
      scf.if %cond3A_122 {
        %add3A_140 = arith.constant 1 : i32
        %add3A_141 = arith.addi %mul3A_119, %add3A_140 : i32
        %lt3A_142 = arith.cmpi slt, %add3A_141, %select_n3A : i32
        %convert_element_type3A_143 = arith.extui %lt3A_142 : i1 to i32
        %cond3A_144 = arith.constant 0 : i32
        %cond3A_145 = arith.cmpi ne, %convert_element_type3A_143, %cond3A_144 : i32
        scf.if %cond3A_145 {
          %ge3A_169 = arith.constant 2 : i32
          %ge3A_170 = arith.cmpi sge, %mul3A_119, %ge3A_169 : i32
          %convert_element_type3A_171 = arith.extui %ge3A_170 : i1 to i32
          %cond3A_172 = arith.constant 0 : i32
          %cond3A_173 = arith.cmpi ne, %convert_element_type3A_171, %cond3A_172 : i32
          scf.if %cond3A_173 {
            %dma_wait3A_208 = arith.constant 0 : i32
            %dma_wait3A_209 = arith.constant 0 : i32
            %dma_wait3A_210 = tpu.memref_slice %arg5[%dma_wait3A_208, %dma_wait3A_209] : memref<80000x256xf32, #tpu.memory_space<hbm>> -> memref<64x256xf32, #tpu.memory_space<hbm>>
            %dma_wait3A_211 = arith.constant 0 : i32
            %dma_wait3A_212 = arith.constant 0 : i32
            %dma_wait3A_213 = tpu.memref_slice %arg5[%dma_wait3A_211, %dma_wait3A_212] : memref<80000x256xf32, #tpu.memory_space<hbm>> -> memref<64x256xf32, #tpu.memory_space<hbm>>
            tpu.wait_dma2 semaphore(%arg30 : memref<!tpu.dma_semaphore, #tpu.memory_space<semaphore_mem>>) src(%arg15 : memref<64x256xf32, #tpu.memory_space<vmem>>) dst(%dma_wait3A_213 : memref<64x256xf32, #tpu.memory_space<hbm>>)
            %dma_wait3A_214 = arith.constant 0 : i32
            %dma_wait3A_215 = tpu.memref_slice %arg6[%dma_wait3A_214] : memref<10240xf32, #tpu.memory_space<hbm>> -> memref<64xf32, #tpu.memory_space<hbm>>
            %dma_wait3A_216 = arith.constant 0 : i32
            %dma_wait3A_217 = tpu.memref_slice %arg6[%dma_wait3A_216] : memref<10240xf32, #tpu.memory_space<hbm>> -> memref<64xf32, #tpu.memory_space<hbm>>
            tpu.wait_dma2 semaphore(%arg33 : memref<!tpu.dma_semaphore, #tpu.memory_space<semaphore_mem>>) src(%dma_wait3A_217 : memref<64xf32, #tpu.memory_space<hbm>>) dst(%arg20 : memref<64xf32, #tpu.memory_space<vmem>>)
          } else {
          }
          %add3A_174 = arith.constant 1 : i32
          %add3A_175 = arith.addi %mul3A_119, %add3A_174 : i32
          %add3A_176 = arith.constant 0 : i32
          %add3A_177 = arith.addi %add3A_176, %add3A : i32
          %mul3A_178 = arith.constant 32 : i32
          %mul3A_179 = arith.muli %add3A_175, %mul3A_178 : i32
          %add3A_180 = arith.addi %add3A_177, %mul3A_179 : i32
          %mul3A_181 = arith.constant 64 : i32
          %mul3A_182 = arith.muli %add3A_180, %mul3A_181 : i32
          "tpu.region"() ({
            %run_scoped3A = tpu.sem_alloc : memref<!tpu.dma_semaphore, #tpu.memory_space<semaphore_mem>>
            %dma_start3A_208 = tpu.memref_slice %arg3[%mul3A_182] : memref<160000xi32, #tpu.memory_space<hbm>> -> memref<64xi32, #tpu.memory_space<hbm>>
            %dma_start3A_209 = tpu.memref_slice %arg3[%mul3A_182] : memref<160000xi32, #tpu.memory_space<hbm>> -> memref<64xi32, #tpu.memory_space<hbm>>
            tpu.enqueue_dma source(%dma_start3A_209 : memref<64xi32, #tpu.memory_space<hbm>>) target(%arg9 : memref<64xi32, #tpu.memory_space<vmem>>) target_semaphore(%run_scoped3A : memref<!tpu.dma_semaphore, #tpu.memory_space<semaphore_mem>>)
            %dma_wait3A_210 = tpu.memref_slice %arg3[%mul3A_182] : memref<160000xi32, #tpu.memory_space<hbm>> -> memref<64xi32, #tpu.memory_space<hbm>>
            %dma_wait3A_211 = tpu.memref_slice %arg3[%mul3A_182] : memref<160000xi32, #tpu.memory_space<hbm>> -> memref<64xi32, #tpu.memory_space<hbm>>
            tpu.wait_dma2 semaphore(%run_scoped3A : memref<!tpu.dma_semaphore, #tpu.memory_space<semaphore_mem>>) src(%dma_wait3A_211 : memref<64xi32, #tpu.memory_space<hbm>>) dst(%arg9 : memref<64xi32, #tpu.memory_space<vmem>>)
            tpu.yield
          }) : () -> ()
          %add3A_183 = arith.constant 0 : i32
          %add3A_184 = arith.addi %add3A_183, %add3A : i32
          %mul3A_185 = arith.constant 32 : i32
          %mul3A_186 = arith.muli %add3A_175, %mul3A_185 : i32
          %add3A_187 = arith.addi %add3A_184, %mul3A_186 : i32
          %mul3A_188 = arith.constant 64 : i32
          %mul3A_189 = arith.muli %add3A_187, %mul3A_188 : i32
          "tpu.region"() ({
            %run_scoped3A = tpu.sem_alloc : memref<!tpu.dma_semaphore, #tpu.memory_space<semaphore_mem>>
            %dma_start3A_208 = tpu.memref_slice %arg4[%mul3A_189] : memref<160000xi32, #tpu.memory_space<hbm>> -> memref<64xi32, #tpu.memory_space<hbm>>
            %dma_start3A_209 = tpu.memref_slice %arg4[%mul3A_189] : memref<160000xi32, #tpu.memory_space<hbm>> -> memref<64xi32, #tpu.memory_space<hbm>>
            tpu.enqueue_dma source(%dma_start3A_209 : memref<64xi32, #tpu.memory_space<hbm>>) target(%arg12 : memref<64xi32, #tpu.memory_space<vmem>>) target_semaphore(%run_scoped3A : memref<!tpu.dma_semaphore, #tpu.memory_space<semaphore_mem>>)
            %dma_wait3A_210 = tpu.memref_slice %arg4[%mul3A_189] : memref<160000xi32, #tpu.memory_space<hbm>> -> memref<64xi32, #tpu.memory_space<hbm>>
            %dma_wait3A_211 = tpu.memref_slice %arg4[%mul3A_189] : memref<160000xi32, #tpu.memory_space<hbm>> -> memref<64xi32, #tpu.memory_space<hbm>>
            tpu.wait_dma2 semaphore(%run_scoped3A : memref<!tpu.dma_semaphore, #tpu.memory_space<semaphore_mem>>) src(%dma_wait3A_211 : memref<64xi32, #tpu.memory_space<hbm>>) dst(%arg12 : memref<64xi32, #tpu.memory_space<vmem>>)
            tpu.yield
          }) : () -> ()
          %dma_start3A_190 = arith.constant 0 : i32
          %dma_start3A_191 = arith.constant 0 : i32
          %dma_start3A_192 = tpu.memref_slice %arg2[%dma_start3A_190, %dma_start3A_191] : memref<10000x256xf32, #tpu.memory_space<hbm>> -> memref<10000x256xf32, #tpu.memory_space<hbm>>
          tpu.enqueue_indirect_dma source(%dma_start3A_192 : memref<10000x256xf32, #tpu.memory_space<hbm>>) target(%arg15 : memref<64x256xf32, #tpu.memory_space<vmem>>) offsets(%arg9 : memref<64xi32, #tpu.memory_space<vmem>>) semaphore(%arg24 : memref<!tpu.dma_semaphore, #tpu.memory_space<semaphore_mem>>)
          %dma_start3A_193 = arith.constant 0 : i32
          %dma_start3A_194 = arith.constant 0 : i32
          %dma_start3A_195 = tpu.memref_slice %arg2[%dma_start3A_193, %dma_start3A_194] : memref<10000x256xf32, #tpu.memory_space<hbm>> -> memref<10000x256xf32, #tpu.memory_space<hbm>>
          tpu.enqueue_indirect_dma source(%dma_start3A_195 : memref<10000x256xf32, #tpu.memory_space<hbm>>) target(%arg18 : memref<64x256xf32, #tpu.memory_space<vmem>>) offsets(%arg12 : memref<64xi32, #tpu.memory_space<vmem>>) semaphore(%arg27 : memref<!tpu.dma_semaphore, #tpu.memory_space<semaphore_mem>>)
          %sub3A_196 = arith.constant 3 : i32
          %sub3A_197 = arith.subi %select_n3A, %sub3A_196 : i32
          %lt3A_198 = arith.cmpi slt, %add3A_175, %sub3A_197 : i32
          %convert_element_type3A_199 = arith.extui %lt3A_198 : i1 to i32
          %cond3A_200 = arith.constant 0 : i32
          %cond3A_201 = arith.cmpi ne, %convert_element_type3A_199, %cond3A_200 : i32
          scf.if %cond3A_201 {
            %dma_start3A_208 = arith.constant 0 : i32
            %dma_start3A_209 = tpu.memref_slice %arg22[%dma_start3A_208] : memref<10240xf32, #tpu.memory_space<vmem_shared>> -> memref<10240xf32, #tpu.memory_space<vmem_shared>>
            tpu.enqueue_indirect_dma source(%arg20 : memref<64xf32, #tpu.memory_space<vmem>>) target(%dma_start3A_209 : memref<10240xf32, #tpu.memory_space<vmem_shared>>) offsets(%arg9 : memref<64xi32, #tpu.memory_space<vmem>>) semaphore(%arg33 : memref<!tpu.dma_semaphore, #tpu.memory_space<semaphore_mem>>) {add = true}
          } else {
          }
          %sub3A_202 = arith.constant 3 : i32
          %sub3A_203 = arith.subi %select_n3A, %sub3A_202 : i32
          %ge3A_204 = arith.cmpi sge, %add3A_175, %sub3A_203 : i32
          %convert_element_type3A_205 = arith.extui %ge3A_204 : i1 to i32
          %cond3A_206 = arith.constant 0 : i32
          %cond3A_207 = arith.cmpi ne, %convert_element_type3A_205, %cond3A_206 : i32
          scf.if %cond3A_207 {
            "tpu.region"() ({
              %run_scoped3A = tpu.sem_alloc : memref<!tpu.dma_semaphore, #tpu.memory_space<semaphore_mem>>
              %dma_start3A_208 = arith.constant 0 : i32
              %dma_start3A_209 = tpu.memref_slice %arg22[%dma_start3A_208] : memref<10240xf32, #tpu.memory_space<vmem_shared>> -> memref<10240xf32, #tpu.memory_space<vmem_shared>>
              tpu.enqueue_indirect_dma source(%arg20 : memref<64xf32, #tpu.memory_space<vmem>>) target(%dma_start3A_209 : memref<10240xf32, #tpu.memory_space<vmem_shared>>) offsets(%arg9 : memref<64xi32, #tpu.memory_space<vmem>>) semaphore(%run_scoped3A : memref<!tpu.dma_semaphore, #tpu.memory_space<semaphore_mem>>) {add = true}
              %dma_wait3A_210 = arith.constant 0 : i32
              %dma_wait3A_211 = tpu.memref_slice %arg22[%dma_wait3A_210] : memref<10240xf32, #tpu.memory_space<vmem_shared>> -> memref<10240xf32, #tpu.memory_space<vmem_shared>>
              tpu.wait_indirect_dma semaphore(%run_scoped3A : memref<!tpu.dma_semaphore, #tpu.memory_space<semaphore_mem>>) src(%arg20 : memref<64xf32, #tpu.memory_space<vmem>>) dst(%dma_wait3A_211 : memref<10240xf32, #tpu.memory_space<vmem_shared>>)
              tpu.yield
            }) : () -> ()
          } else {
          }
        } else {
        }
        %dma_wait3A = arith.constant 0 : i32
        %dma_wait3A_146 = arith.constant 0 : i32
        %dma_wait3A_147 = tpu.memref_slice %arg2[%dma_wait3A, %dma_wait3A_146] : memref<10000x256xf32, #tpu.memory_space<hbm>> -> memref<10000x256xf32, #tpu.memory_space<hbm>>
        tpu.wait_indirect_dma semaphore(%arg23 : memref<!tpu.dma_semaphore, #tpu.memory_space<semaphore_mem>>) src(%dma_wait3A_147 : memref<10000x256xf32, #tpu.memory_space<hbm>>) dst(%arg14 : memref<64x256xf32, #tpu.memory_space<vmem>>)
        %dma_wait3A_148 = arith.constant 0 : i32
        %dma_wait3A_149 = arith.constant 0 : i32
        %dma_wait3A_150 = tpu.memref_slice %arg2[%dma_wait3A_148, %dma_wait3A_149] : memref<10000x256xf32, #tpu.memory_space<hbm>> -> memref<10000x256xf32, #tpu.memory_space<hbm>>
        tpu.wait_indirect_dma semaphore(%arg26 : memref<!tpu.dma_semaphore, #tpu.memory_space<semaphore_mem>>) src(%dma_wait3A_150 : memref<10000x256xf32, #tpu.memory_space<hbm>>) dst(%arg17 : memref<64x256xf32, #tpu.memory_space<vmem>>)
        %scan3A_151 = arith.constant 0 : i32
        %scan3A_152 = arith.constant 0 : i32
        %scan3A_153 = arith.constant 64 : i32
        %scan3A_154 = arith.addi %scan3A_152, %scan3A_153 : i32
        %scan3A_155 = arith.constant 1 : i32
        %scan3A_156 = scf.for %scan3A_169 = %scan3A_152 to %scan3A_154 step %scan3A_155 iter_args(%scan3A_170 = %scan3A_151) -> (i32)  : i32 {
          %get3A = arith.index_cast %scan3A_169 : i32 to index
          %get3A_171 = arith.constant 0 : index
          %get3A_172 = tpu.vector_load %arg14[%get3A, %get3A_171] {strides = array<i32>} : memref<64x256xf32, #tpu.memory_space<vmem>>, vector<1x16xf32>,
          %get3A_173 = vector.shape_cast %get3A_172 : vector<1x16xf32> to vector<16xf32>
          %get3A_174 = arith.index_cast %scan3A_169 : i32 to index
          %get3A_175 = arith.constant 0 : index
          %get3A_176 = tpu.vector_load %arg17[%get3A_174, %get3A_175] {strides = array<i32>} : memref<64x256xf32, #tpu.memory_space<vmem>>, vector<1x16xf32>,
          %get3A_177 = vector.shape_cast %get3A_176 : vector<1x16xf32> to vector<16xf32>
          %add3A_178 = arith.addf %get3A_173, %get3A_177 : vector<16xf32>
          %swap3A = arith.index_cast %scan3A_169 : i32 to index
          %swap3A_179 = arith.constant 0 : index
          %swap3A_180 = tpu.vector_load %arg14[%swap3A, %swap3A_179] {strides = array<i32>} : memref<64x256xf32, #tpu.memory_space<vmem>>, vector<1x16xf32>,
          %swap3A_181 = vector.shape_cast %swap3A_180 : vector<1x16xf32> to vector<16xf32>
          %swap3A_182 = vector.shape_cast %add3A_178 : vector<16xf32> to vector<1x16xf32>
          tpu.vector_store %arg14[%swap3A, %swap3A_179], %swap3A_182 {strides = array<i32>} : memref<64x256xf32, #tpu.memory_space<vmem>>, vector<1x16xf32>,
          %get3A_183 = arith.index_cast %scan3A_169 : i32 to index
          %get3A_184 = arith.constant 16 : index
          %get3A_185 = tpu.vector_load %arg14[%get3A_183, %get3A_184] {strides = array<i32>} : memref<64x256xf32, #tpu.memory_space<vmem>>, vector<1x16xf32>,
          %get3A_186 = vector.shape_cast %get3A_185 : vector<1x16xf32> to vector<16xf32>
          %get3A_187 = arith.index_cast %scan3A_169 : i32 to index
          %get3A_188 = arith.constant 16 : index
          %get3A_189 = tpu.vector_load %arg17[%get3A_187, %get3A_188] {strides = array<i32>} : memref<64x256xf32, #tpu.memory_space<vmem>>, vector<1x16xf32>,
          %get3A_190 = vector.shape_cast %get3A_189 : vector<1x16xf32> to vector<16xf32>
          %add3A_191 = arith.addf %get3A_186, %get3A_190 : vector<16xf32>
          %swap3A_192 = arith.index_cast %scan3A_169 : i32 to index
          %swap3A_193 = arith.constant 16 : index
          %swap3A_194 = tpu.vector_load %arg14[%swap3A_192, %swap3A_193] {strides = array<i32>} : memref<64x256xf32, #tpu.memory_space<vmem>>, vector<1x16xf32>,
          %swap3A_195 = vector.shape_cast %swap3A_194 : vector<1x16xf32> to vector<16xf32>
          %swap3A_196 = vector.shape_cast %add3A_191 : vector<16xf32> to vector<1x16xf32>
          tpu.vector_store %arg14[%swap3A_192, %swap3A_193], %swap3A_196 {strides = array<i32>} : memref<64x256xf32, #tpu.memory_space<vmem>>, vector<1x16xf32>,
          %get3A_197 = arith.index_cast %scan3A_169 : i32 to index
          %get3A_198 = arith.constant 32 : index
          %get3A_199 = tpu.vector_load %arg14[%get3A_197, %get3A_198] {strides = array<i32>} : memref<64x256xf32, #tpu.memory_space<vmem>>, vector<1x16xf32>,
          %get3A_200 = vector.shape_cast %get3A_199 : vector<1x16xf32> to vector<16xf32>
          %get3A_201 = arith.index_cast %scan3A_169 : i32 to index
          %get3A_202 = arith.constant 32 : index
          %get3A_203 = tpu.vector_load %arg17[%get3A_201, %get3A_202] {strides = array<i32>} : memref<64x256xf32, #tpu.memory_space<vmem>>, vector<1x16xf32>,
          %get3A_204 = vector.shape_cast %get3A_203 : vector<1x16xf32> to vector<16xf32>
          %add3A_205 = arith.addf %get3A_200, %get3A_204 : vector<16xf32>
          %swap3A_206 = arith.index_cast %scan3A_169 : i32 to index
          %swap3A_207 = arith.constant 32 : index
          %swap3A_208 = tpu.vector_load %arg14[%swap3A_206, %swap3A_207] {strides = array<i32>} : memref<64x256xf32, #tpu.memory_space<vmem>>, vector<1x16xf32>,
          %swap3A_209 = vector.shape_cast %swap3A_208 : vector<1x16xf32> to vector<16xf32>
          %swap3A_210 = vector.shape_cast %add3A_205 : vector<16xf32> to vector<1x16xf32>
          tpu.vector_store %arg14[%swap3A_206, %swap3A_207], %swap3A_210 {strides = array<i32>} : memref<64x256xf32, #tpu.memory_space<vmem>>, vector<1x16xf32>,
          %get3A_211 = arith.index_cast %scan3A_169 : i32 to index
          %get3A_212 = arith.constant 48 : index
          %get3A_213 = tpu.vector_load %arg14[%get3A_211, %get3A_212] {strides = array<i32>} : memref<64x256xf32, #tpu.memory_space<vmem>>, vector<1x16xf32>,
          %get3A_214 = vector.shape_cast %get3A_213 : vector<1x16xf32> to vector<16xf32>
          %get3A_215 = arith.index_cast %scan3A_169 : i32 to index
          %get3A_216 = arith.constant 48 : index
          %get3A_217 = tpu.vector_load %arg17[%get3A_215, %get3A_216] {strides = array<i32>} : memref<64x256xf32, #tpu.memory_space<vmem>>, vector<1x16xf32>,
          %get3A_218 = vector.shape_cast %get3A_217 : vector<1x16xf32> to vector<16xf32>
          %add3A_219 = arith.addf %get3A_214, %get3A_218 : vector<16xf32>
          %swap3A_220 = arith.index_cast %scan3A_169 : i32 to index
          %swap3A_221 = arith.constant 48 : index
          %swap3A_222 = tpu.vector_load %arg14[%swap3A_220, %swap3A_221] {strides = array<i32>} : memref<64x256xf32, #tpu.memory_space<vmem>>, vector<1x16xf32>,
          %swap3A_223 = vector.shape_cast %swap3A_222 : vector<1x16xf32> to vector<16xf32>
          %swap3A_224 = vector.shape_cast %add3A_219 : vector<16xf32> to vector<1x16xf32>
          tpu.vector_store %arg14[%swap3A_220, %swap3A_221], %swap3A_224 {strides = array<i32>} : memref<64x256xf32, #tpu.memory_space<vmem>>, vector<1x16xf32>,
          %get3A_225 = arith.index_cast %scan3A_169 : i32 to index
          %get3A_226 = arith.constant 64 : index
          %get3A_227 = tpu.vector_load %arg14[%get3A_225, %get3A_226] {strides = array<i32>} : memref<64x256xf32, #tpu.memory_space<vmem>>, vector<1x16xf32>,
          %get3A_228 = vector.shape_cast %get3A_227 : vector<1x16xf32> to vector<16xf32>
          %get3A_229 = arith.index_cast %scan3A_169 : i32 to index
          %get3A_230 = arith.constant 64 : index
          %get3A_231 = tpu.vector_load %arg17[%get3A_229, %get3A_230] {strides = array<i32>} : memref<64x256xf32, #tpu.memory_space<vmem>>, vector<1x16xf32>,
          %get3A_232 = vector.shape_cast %get3A_231 : vector<1x16xf32> to vector<16xf32>
          %add3A_233 = arith.addf %get3A_228, %get3A_232 : vector<16xf32>
          %swap3A_234 = arith.index_cast %scan3A_169 : i32 to index
          %swap3A_235 = arith.constant 64 : index
          %swap3A_236 = tpu.vector_load %arg14[%swap3A_234, %swap3A_235] {strides = array<i32>} : memref<64x256xf32, #tpu.memory_space<vmem>>, vector<1x16xf32>,
          %swap3A_237 = vector.shape_cast %swap3A_236 : vector<1x16xf32> to vector<16xf32>
          %swap3A_238 = vector.shape_cast %add3A_233 : vector<16xf32> to vector<1x16xf32>
          tpu.vector_store %arg14[%swap3A_234, %swap3A_235], %swap3A_238 {strides = array<i32>} : memref<64x256xf32, #tpu.memory_space<vmem>>, vector<1x16xf32>,
          %get3A_239 = arith.index_cast %scan3A_169 : i32 to index
          %get3A_240 = arith.constant 80 : index
          %get3A_241 = tpu.vector_load %arg14[%get3A_239, %get3A_240] {strides = array<i32>} : memref<64x256xf32, #tpu.memory_space<vmem>>, vector<1x16xf32>,
          %get3A_242 = vector.shape_cast %get3A_241 : vector<1x16xf32> to vector<16xf32>
          %get3A_243 = arith.index_cast %scan3A_169 : i32 to index
          %get3A_244 = arith.constant 80 : index
          %get3A_245 = tpu.vector_load %arg17[%get3A_243, %get3A_244] {strides = array<i32>} : memref<64x256xf32, #tpu.memory_space<vmem>>, vector<1x16xf32>,
          %get3A_246 = vector.shape_cast %get3A_245 : vector<1x16xf32> to vector<16xf32>
          %add3A_247 = arith.addf %get3A_242, %get3A_246 : vector<16xf32>
          %swap3A_248 = arith.index_cast %scan3A_169 : i32 to index
          %swap3A_249 = arith.constant 80 : index
          %swap3A_250 = tpu.vector_load %arg14[%swap3A_248, %swap3A_249] {strides = array<i32>} : memref<64x256xf32, #tpu.memory_space<vmem>>, vector<1x16xf32>,
          %swap3A_251 = vector.shape_cast %swap3A_250 : vector<1x16xf32> to vector<16xf32>
          %swap3A_252 = vector.shape_cast %add3A_247 : vector<16xf32> to vector<1x16xf32>
          tpu.vector_store %arg14[%swap3A_248, %swap3A_249], %swap3A_252 {strides = array<i32>} : memref<64x256xf32, #tpu.memory_space<vmem>>, vector<1x16xf32>,
          %get3A_253 = arith.index_cast %scan3A_169 : i32 to index
          %get3A_254 = arith.constant 96 : index
          %get3A_255 = tpu.vector_load %arg14[%get3A_253, %get3A_254] {strides = array<i32>} : memref<64x256xf32, #tpu.memory_space<vmem>>, vector<1x16xf32>,
          %get3A_256 = vector.shape_cast %get3A_255 : vector<1x16xf32> to vector<16xf32>
          %get3A_257 = arith.index_cast %scan3A_169 : i32 to index
          %get3A_258 = arith.constant 96 : index
          %get3A_259 = tpu.vector_load %arg17[%get3A_257, %get3A_258] {strides = array<i32>} : memref<64x256xf32, #tpu.memory_space<vmem>>, vector<1x16xf32>,
          %get3A_260 = vector.shape_cast %get3A_259 : vector<1x16xf32> to vector<16xf32>
          %add3A_261 = arith.addf %get3A_256, %get3A_260 : vector<16xf32>
          %swap3A_262 = arith.index_cast %scan3A_169 : i32 to index
          %swap3A_263 = arith.constant 96 : index
          %swap3A_264 = tpu.vector_load %arg14[%swap3A_262, %swap3A_263] {strides = array<i32>} : memref<64x256xf32, #tpu.memory_space<vmem>>, vector<1x16xf32>,
          %swap3A_265 = vector.shape_cast %swap3A_264 : vector<1x16xf32> to vector<16xf32>
          %swap3A_266 = vector.shape_cast %add3A_261 : vector<16xf32> to vector<1x16xf32>
          tpu.vector_store %arg14[%swap3A_262, %swap3A_263], %swap3A_266 {strides = array<i32>} : memref<64x256xf32, #tpu.memory_space<vmem>>, vector<1x16xf32>,
          %get3A_267 = arith.index_cast %scan3A_169 : i32 to index
          %get3A_268 = arith.constant 112 : index
          %get3A_269 = tpu.vector_load %arg14[%get3A_267, %get3A_268] {strides = array<i32>} : memref<64x256xf32, #tpu.memory_space<vmem>>, vector<1x16xf32>,
          %get3A_270 = vector.shape_cast %get3A_269 : vector<1x16xf32> to vector<16xf32>
          %get3A_271 = arith.index_cast %scan3A_169 : i32 to index
          %get3A_272 = arith.constant 112 : index
          %get3A_273 = tpu.vector_load %arg17[%get3A_271, %get3A_272] {strides = array<i32>} : memref<64x256xf32, #tpu.memory_space<vmem>>, vector<1x16xf32>,
          %get3A_274 = vector.shape_cast %get3A_273 : vector<1x16xf32> to vector<16xf32>
          %add3A_275 = arith.addf %get3A_270, %get3A_274 : vector<16xf32>
          %swap3A_276 = arith.index_cast %scan3A_169 : i32 to index
          %swap3A_277 = arith.constant 112 : index
          %swap3A_278 = tpu.vector_load %arg14[%swap3A_276, %swap3A_277] {strides = array<i32>} : memref<64x256xf32, #tpu.memory_space<vmem>>, vector<1x16xf32>,
          %swap3A_279 = vector.shape_cast %swap3A_278 : vector<1x16xf32> to vector<16xf32>
          %swap3A_280 = vector.shape_cast %add3A_275 : vector<16xf32> to vector<1x16xf32>
          tpu.vector_store %arg14[%swap3A_276, %swap3A_277], %swap3A_280 {strides = array<i32>} : memref<64x256xf32, #tpu.memory_space<vmem>>, vector<1x16xf32>,
          %get3A_281 = arith.index_cast %scan3A_169 : i32 to index
          %get3A_282 = arith.constant 128 : index
          %get3A_283 = tpu.vector_load %arg14[%get3A_281, %get3A_282] {strides = array<i32>} : memref<64x256xf32, #tpu.memory_space<vmem>>, vector<1x16xf32>,
          %get3A_284 = vector.shape_cast %get3A_283 : vector<1x16xf32> to vector<16xf32>
          %get3A_285 = arith.index_cast %scan3A_169 : i32 to index
          %get3A_286 = arith.constant 128 : index
          %get3A_287 = tpu.vector_load %arg17[%get3A_285, %get3A_286] {strides = array<i32>} : memref<64x256xf32, #tpu.memory_space<vmem>>, vector<1x16xf32>,
          %get3A_288 = vector.shape_cast %get3A_287 : vector<1x16xf32> to vector<16xf32>
          %add3A_289 = arith.addf %get3A_284, %get3A_288 : vector<16xf32>
          %swap3A_290 = arith.index_cast %scan3A_169 : i32 to index
          %swap3A_291 = arith.constant 128 : index
          %swap3A_292 = tpu.vector_load %arg14[%swap3A_290, %swap3A_291] {strides = array<i32>} : memref<64x256xf32, #tpu.memory_space<vmem>>, vector<1x16xf32>,
          %swap3A_293 = vector.shape_cast %swap3A_292 : vector<1x16xf32> to vector<16xf32>
          %swap3A_294 = vector.shape_cast %add3A_289 : vector<16xf32> to vector<1x16xf32>
          tpu.vector_store %arg14[%swap3A_290, %swap3A_291], %swap3A_294 {strides = array<i32>} : memref<64x256xf32, #tpu.memory_space<vmem>>, vector<1x16xf32>,
          %get3A_295 = arith.index_cast %scan3A_169 : i32 to index
          %get3A_296 = arith.constant 144 : index
          %get3A_297 = tpu.vector_load %arg14[%get3A_295, %get3A_296] {strides = array<i32>} : memref<64x256xf32, #tpu.memory_space<vmem>>, vector<1x16xf32>,
          %get3A_298 = vector.shape_cast %get3A_297 : vector<1x16xf32> to vector<16xf32>
          %get3A_299 = arith.index_cast %scan3A_169 : i32 to index
          %get3A_300 = arith.constant 144 : index
          %get3A_301 = tpu.vector_load %arg17[%get3A_299, %get3A_300] {strides = array<i32>} : memref<64x256xf32, #tpu.memory_space<vmem>>, vector<1x16xf32>,
          %get3A_302 = vector.shape_cast %get3A_301 : vector<1x16xf32> to vector<16xf32>
          %add3A_303 = arith.addf %get3A_298, %get3A_302 : vector<16xf32>
          %swap3A_304 = arith.index_cast %scan3A_169 : i32 to index
          %swap3A_305 = arith.constant 144 : index
          %swap3A_306 = tpu.vector_load %arg14[%swap3A_304, %swap3A_305] {strides = array<i32>} : memref<64x256xf32, #tpu.memory_space<vmem>>, vector<1x16xf32>,
          %swap3A_307 = vector.shape_cast %swap3A_306 : vector<1x16xf32> to vector<16xf32>
          %swap3A_308 = vector.shape_cast %add3A_303 : vector<16xf32> to vector<1x16xf32>
          tpu.vector_store %arg14[%swap3A_304, %swap3A_305], %swap3A_308 {strides = array<i32>} : memref<64x256xf32, #tpu.memory_space<vmem>>, vector<1x16xf32>,
          %get3A_309 = arith.index_cast %scan3A_169 : i32 to index
          %get3A_310 = arith.constant 160 : index
          %get3A_311 = tpu.vector_load %arg14[%get3A_309, %get3A_310] {strides = array<i32>} : memref<64x256xf32, #tpu.memory_space<vmem>>, vector<1x16xf32>,
          %get3A_312 = vector.shape_cast %get3A_311 : vector<1x16xf32> to vector<16xf32>
          %get3A_313 = arith.index_cast %scan3A_169 : i32 to index
          %get3A_314 = arith.constant 160 : index
          %get3A_315 = tpu.vector_load %arg17[%get3A_313, %get3A_314] {strides = array<i32>} : memref<64x256xf32, #tpu.memory_space<vmem>>, vector<1x16xf32>,
          %get3A_316 = vector.shape_cast %get3A_315 : vector<1x16xf32> to vector<16xf32>
          %add3A_317 = arith.addf %get3A_312, %get3A_316 : vector<16xf32>
          %swap3A_318 = arith.index_cast %scan3A_169 : i32 to index
          %swap3A_319 = arith.constant 160 : index
          %swap3A_320 = tpu.vector_load %arg14[%swap3A_318, %swap3A_319] {strides = array<i32>} : memref<64x256xf32, #tpu.memory_space<vmem>>, vector<1x16xf32>,
          %swap3A_321 = vector.shape_cast %swap3A_320 : vector<1x16xf32> to vector<16xf32>
          %swap3A_322 = vector.shape_cast %add3A_317 : vector<16xf32> to vector<1x16xf32>
          tpu.vector_store %arg14[%swap3A_318, %swap3A_319], %swap3A_322 {strides = array<i32>} : memref<64x256xf32, #tpu.memory_space<vmem>>, vector<1x16xf32>,
          %get3A_323 = arith.index_cast %scan3A_169 : i32 to index
          %get3A_324 = arith.constant 176 : index
          %get3A_325 = tpu.vector_load %arg14[%get3A_323, %get3A_324] {strides = array<i32>} : memref<64x256xf32, #tpu.memory_space<vmem>>, vector<1x16xf32>,
          %get3A_326 = vector.shape_cast %get3A_325 : vector<1x16xf32> to vector<16xf32>
          %get3A_327 = arith.index_cast %scan3A_169 : i32 to index
          %get3A_328 = arith.constant 176 : index
          %get3A_329 = tpu.vector_load %arg17[%get3A_327, %get3A_328] {strides = array<i32>} : memref<64x256xf32, #tpu.memory_space<vmem>>, vector<1x16xf32>,
          %get3A_330 = vector.shape_cast %get3A_329 : vector<1x16xf32> to vector<16xf32>
          %add3A_331 = arith.addf %get3A_326, %get3A_330 : vector<16xf32>
          %swap3A_332 = arith.index_cast %scan3A_169 : i32 to index
          %swap3A_333 = arith.constant 176 : index
          %swap3A_334 = tpu.vector_load %arg14[%swap3A_332, %swap3A_333] {strides = array<i32>} : memref<64x256xf32, #tpu.memory_space<vmem>>, vector<1x16xf32>,
          %swap3A_335 = vector.shape_cast %swap3A_334 : vector<1x16xf32> to vector<16xf32>
          %swap3A_336 = vector.shape_cast %add3A_331 : vector<16xf32> to vector<1x16xf32>
          tpu.vector_store %arg14[%swap3A_332, %swap3A_333], %swap3A_336 {strides = array<i32>} : memref<64x256xf32, #tpu.memory_space<vmem>>, vector<1x16xf32>,
          %get3A_337 = arith.index_cast %scan3A_169 : i32 to index
          %get3A_338 = arith.constant 192 : index
          %get3A_339 = tpu.vector_load %arg14[%get3A_337, %get3A_338] {strides = array<i32>} : memref<64x256xf32, #tpu.memory_space<vmem>>, vector<1x16xf32>,
          %get3A_340 = vector.shape_cast %get3A_339 : vector<1x16xf32> to vector<16xf32>
          %get3A_341 = arith.index_cast %scan3A_169 : i32 to index
          %get3A_342 = arith.constant 192 : index
          %get3A_343 = tpu.vector_load %arg17[%get3A_341, %get3A_342] {strides = array<i32>} : memref<64x256xf32, #tpu.memory_space<vmem>>, vector<1x16xf32>,
          %get3A_344 = vector.shape_cast %get3A_343 : vector<1x16xf32> to vector<16xf32>
          %add3A_345 = arith.addf %get3A_340, %get3A_344 : vector<16xf32>
          %swap3A_346 = arith.index_cast %scan3A_169 : i32 to index
          %swap3A_347 = arith.constant 192 : index
          %swap3A_348 = tpu.vector_load %arg14[%swap3A_346, %swap3A_347] {strides = array<i32>} : memref<64x256xf32, #tpu.memory_space<vmem>>, vector<1x16xf32>,
          %swap3A_349 = vector.shape_cast %swap3A_348 : vector<1x16xf32> to vector<16xf32>
          %swap3A_350 = vector.shape_cast %add3A_345 : vector<16xf32> to vector<1x16xf32>
          tpu.vector_store %arg14[%swap3A_346, %swap3A_347], %swap3A_350 {strides = array<i32>} : memref<64x256xf32, #tpu.memory_space<vmem>>, vector<1x16xf32>,
          %get3A_351 = arith.index_cast %scan3A_169 : i32 to index
          %get3A_352 = arith.constant 208 : index
          %get3A_353 = tpu.vector_load %arg14[%get3A_351, %get3A_352] {strides = array<i32>} : memref<64x256xf32, #tpu.memory_space<vmem>>, vector<1x16xf32>,
          %get3A_354 = vector.shape_cast %get3A_353 : vector<1x16xf32> to vector<16xf32>
          %get3A_355 = arith.index_cast %scan3A_169 : i32 to index
          %get3A_356 = arith.constant 208 : index
          %get3A_357 = tpu.vector_load %arg17[%get3A_355, %get3A_356] {strides = array<i32>} : memref<64x256xf32, #tpu.memory_space<vmem>>, vector<1x16xf32>,
          %get3A_358 = vector.shape_cast %get3A_357 : vector<1x16xf32> to vector<16xf32>
          %add3A_359 = arith.addf %get3A_354, %get3A_358 : vector<16xf32>
          %swap3A_360 = arith.index_cast %scan3A_169 : i32 to index
          %swap3A_361 = arith.constant 208 : index
          %swap3A_362 = tpu.vector_load %arg14[%swap3A_360, %swap3A_361] {strides = array<i32>} : memref<64x256xf32, #tpu.memory_space<vmem>>, vector<1x16xf32>,
          %swap3A_363 = vector.shape_cast %swap3A_362 : vector<1x16xf32> to vector<16xf32>
          %swap3A_364 = vector.shape_cast %add3A_359 : vector<16xf32> to vector<1x16xf32>
          tpu.vector_store %arg14[%swap3A_360, %swap3A_361], %swap3A_364 {strides = array<i32>} : memref<64x256xf32, #tpu.memory_space<vmem>>, vector<1x16xf32>,
          %get3A_365 = arith.index_cast %scan3A_169 : i32 to index
          %get3A_366 = arith.constant 224 : index
          %get3A_367 = tpu.vector_load %arg14[%get3A_365, %get3A_366] {strides = array<i32>} : memref<64x256xf32, #tpu.memory_space<vmem>>, vector<1x16xf32>,
          %get3A_368 = vector.shape_cast %get3A_367 : vector<1x16xf32> to vector<16xf32>
          %get3A_369 = arith.index_cast %scan3A_169 : i32 to index
          %get3A_370 = arith.constant 224 : index
          %get3A_371 = tpu.vector_load %arg17[%get3A_369, %get3A_370] {strides = array<i32>} : memref<64x256xf32, #tpu.memory_space<vmem>>, vector<1x16xf32>,
          %get3A_372 = vector.shape_cast %get3A_371 : vector<1x16xf32> to vector<16xf32>
          %add3A_373 = arith.addf %get3A_368, %get3A_372 : vector<16xf32>
          %swap3A_374 = arith.index_cast %scan3A_169 : i32 to index
          %swap3A_375 = arith.constant 224 : index
          %swap3A_376 = tpu.vector_load %arg14[%swap3A_374, %swap3A_375] {strides = array<i32>} : memref<64x256xf32, #tpu.memory_space<vmem>>, vector<1x16xf32>,
          %swap3A_377 = vector.shape_cast %swap3A_376 : vector<1x16xf32> to vector<16xf32>
          %swap3A_378 = vector.shape_cast %add3A_373 : vector<16xf32> to vector<1x16xf32>
          tpu.vector_store %arg14[%swap3A_374, %swap3A_375], %swap3A_378 {strides = array<i32>} : memref<64x256xf32, #tpu.memory_space<vmem>>, vector<1x16xf32>,
          %get3A_379 = arith.index_cast %scan3A_169 : i32 to index
          %get3A_380 = arith.constant 240 : index
          %get3A_381 = tpu.vector_load %arg14[%get3A_379, %get3A_380] {strides = array<i32>} : memref<64x256xf32, #tpu.memory_space<vmem>>, vector<1x16xf32>,
          %get3A_382 = vector.shape_cast %get3A_381 : vector<1x16xf32> to vector<16xf32>
          %get3A_383 = arith.index_cast %scan3A_169 : i32 to index
          %get3A_384 = arith.constant 240 : index
          %get3A_385 = tpu.vector_load %arg17[%get3A_383, %get3A_384] {strides = array<i32>} : memref<64x256xf32, #tpu.memory_space<vmem>>, vector<1x16xf32>,
          %get3A_386 = vector.shape_cast %get3A_385 : vector<1x16xf32> to vector<16xf32>
          %add3A_387 = arith.addf %get3A_382, %get3A_386 : vector<16xf32>
          %swap3A_388 = arith.index_cast %scan3A_169 : i32 to index
          %swap3A_389 = arith.constant 240 : index
          %swap3A_390 = tpu.vector_load %arg14[%swap3A_388, %swap3A_389] {strides = array<i32>} : memref<64x256xf32, #tpu.memory_space<vmem>>, vector<1x16xf32>,
          %swap3A_391 = vector.shape_cast %swap3A_390 : vector<1x16xf32> to vector<16xf32>
          %swap3A_392 = vector.shape_cast %add3A_387 : vector<16xf32> to vector<1x16xf32>
          tpu.vector_store %arg14[%swap3A_388, %swap3A_389], %swap3A_392 {strides = array<i32>} : memref<64x256xf32, #tpu.memory_space<vmem>>, vector<1x16xf32>,
          %scan3A_393 = arith.constant 0 : i32
          scf.yield %scan3A_393 : i32
        }
        %scan3A_157 = arith.constant 64 : i32
        %sub3A_158 = arith.constant 3 : i32
        %sub3A_159 = arith.subi %select_n3A, %sub3A_158 : i32
        %lt3A_160 = arith.cmpi slt, %mul3A_119, %sub3A_159 : i32
        %convert_element_type3A_161 = arith.extui %lt3A_160 : i1 to i32
        %cond3A_162 = arith.constant 0 : i32
        %cond3A_163 = arith.cmpi ne, %convert_element_type3A_161, %cond3A_162 : i32
        scf.if %cond3A_163 {
          %mul3A_169 = arith.constant 32 : i32
          %mul3A_170 = arith.muli %mul3A_119, %mul3A_169 : i32
          %add3A_171 = arith.addi %add3A, %mul3A_170 : i32
          %mul3A_172 = arith.constant 64 : i32
          %mul3A_173 = arith.muli %add3A_171, %mul3A_172 : i32
          %dma_start3A_174 = arith.constant 0 : i32
          %dma_start3A_175 = tpu.memref_slice %arg5[%mul3A_173, %dma_start3A_174] : memref<80000x256xf32, #tpu.memory_space<hbm>> -> memref<64x256xf32, #tpu.memory_space<hbm>>
          %dma_start3A_176 = arith.constant 0 : i32
          %dma_start3A_177 = tpu.memref_slice %arg5[%mul3A_173, %dma_start3A_176] : memref<80000x256xf32, #tpu.memory_space<hbm>> -> memref<64x256xf32, #tpu.memory_space<hbm>>
          tpu.enqueue_dma source(%arg14 : memref<64x256xf32, #tpu.memory_space<vmem>>) target(%dma_start3A_177 : memref<64x256xf32, #tpu.memory_space<hbm>>) target_semaphore(%arg29 : memref<!tpu.dma_semaphore, #tpu.memory_space<semaphore_mem>>)
        } else {
        }
        %sub3A_164 = arith.constant 3 : i32
        %sub3A_165 = arith.subi %select_n3A, %sub3A_164 : i32
        %ge3A = arith.cmpi sge, %mul3A_119, %sub3A_165 : i32
        %convert_element_type3A_166 = arith.extui %ge3A : i1 to i32
        %cond3A_167 = arith.constant 0 : i32
        %cond3A_168 = arith.cmpi ne, %convert_element_type3A_166, %cond3A_167 : i32
        scf.if %cond3A_168 {
          %mul3A_169 = arith.constant 32 : i32
          %mul3A_170 = arith.muli %mul3A_119, %mul3A_169 : i32
          %add3A_171 = arith.addi %add3A, %mul3A_170 : i32
          %mul3A_172 = arith.constant 64 : i32
          %mul3A_173 = arith.muli %add3A_171, %mul3A_172 : i32
          "tpu.region"() ({
            %run_scoped3A = tpu.sem_alloc : memref<!tpu.dma_semaphore, #tpu.memory_space<semaphore_mem>>
            %dma_start3A_174 = arith.constant 0 : i32
            %dma_start3A_175 = tpu.memref_slice %arg5[%mul3A_173, %dma_start3A_174] : memref<80000x256xf32, #tpu.memory_space<hbm>> -> memref<64x256xf32, #tpu.memory_space<hbm>>
            %dma_start3A_176 = arith.constant 0 : i32
            %dma_start3A_177 = tpu.memref_slice %arg5[%mul3A_173, %dma_start3A_176] : memref<80000x256xf32, #tpu.memory_space<hbm>> -> memref<64x256xf32, #tpu.memory_space<hbm>>
            tpu.enqueue_dma source(%arg14 : memref<64x256xf32, #tpu.memory_space<vmem>>) target(%dma_start3A_177 : memref<64x256xf32, #tpu.memory_space<hbm>>) target_semaphore(%run_scoped3A : memref<!tpu.dma_semaphore, #tpu.memory_space<semaphore_mem>>)
            %dma_wait3A_178 = arith.constant 0 : i32
            %dma_wait3A_179 = tpu.memref_slice %arg5[%mul3A_173, %dma_wait3A_178] : memref<80000x256xf32, #tpu.memory_space<hbm>> -> memref<64x256xf32, #tpu.memory_space<hbm>>
            %dma_wait3A_180 = arith.constant 0 : i32
            %dma_wait3A_181 = tpu.memref_slice %arg5[%mul3A_173, %dma_wait3A_180] : memref<80000x256xf32, #tpu.memory_space<hbm>> -> memref<64x256xf32, #tpu.memory_space<hbm>>
            tpu.wait_dma2 semaphore(%run_scoped3A : memref<!tpu.dma_semaphore, #tpu.memory_space<semaphore_mem>>) src(%arg14 : memref<64x256xf32, #tpu.memory_space<vmem>>) dst(%dma_wait3A_181 : memref<64x256xf32, #tpu.memory_space<hbm>>)
            tpu.yield
          }) : () -> ()
        } else {
        }
      } else {
      }
      %mul3A_123 = arith.constant 3 : i32
      %mul3A_124 = arith.muli %mul3A_123, %while3A_116 : i32
      %add3A_125 = arith.constant 1 : i32
      %add3A_126 = arith.addi %mul3A_124, %add3A_125 : i32
      %lt3A_127 = arith.cmpi slt, %add3A_126, %select_n3A : i32
      %convert_element_type3A_128 = arith.extui %lt3A_127 : i1 to i32
      %cond3A_129 = arith.constant 0 : i32
      %cond3A_130 = arith.cmpi ne, %convert_element_type3A_128, %cond3A_129 : i32
      scf.if %cond3A_130 {
        %add3A_140 = arith.constant 1 : i32
        %add3A_141 = arith.addi %add3A_126, %add3A_140 : i32
        %lt3A_142 = arith.cmpi slt, %add3A_141, %select_n3A : i32
        %convert_element_type3A_143 = arith.extui %lt3A_142 : i1 to i32
        %cond3A_144 = arith.constant 0 : i32
        %cond3A_145 = arith.cmpi ne, %convert_element_type3A_143, %cond3A_144 : i32
        scf.if %cond3A_145 {
          %ge3A_169 = arith.constant 2 : i32
          %ge3A_170 = arith.cmpi sge, %add3A_126, %ge3A_169 : i32
          %convert_element_type3A_171 = arith.extui %ge3A_170 : i1 to i32
          %cond3A_172 = arith.constant 0 : i32
          %cond3A_173 = arith.cmpi ne, %convert_element_type3A_171, %cond3A_172 : i32
          scf.if %cond3A_173 {
            %dma_wait3A_208 = arith.constant 0 : i32
            %dma_wait3A_209 = arith.constant 0 : i32
            %dma_wait3A_210 = tpu.memref_slice %arg5[%dma_wait3A_208, %dma_wait3A_209] : memref<80000x256xf32, #tpu.memory_space<hbm>> -> memref<64x256xf32, #tpu.memory_space<hbm>>
            %dma_wait3A_211 = arith.constant 0 : i32
            %dma_wait3A_212 = arith.constant 0 : i32
            %dma_wait3A_213 = tpu.memref_slice %arg5[%dma_wait3A_211, %dma_wait3A_212] : memref<80000x256xf32, #tpu.memory_space<hbm>> -> memref<64x256xf32, #tpu.memory_space<hbm>>
            tpu.wait_dma2 semaphore(%arg31 : memref<!tpu.dma_semaphore, #tpu.memory_space<semaphore_mem>>) src(%arg16 : memref<64x256xf32, #tpu.memory_space<vmem>>) dst(%dma_wait3A_213 : memref<64x256xf32, #tpu.memory_space<hbm>>)
            %dma_wait3A_214 = arith.constant 0 : i32
            %dma_wait3A_215 = tpu.memref_slice %arg6[%dma_wait3A_214] : memref<10240xf32, #tpu.memory_space<hbm>> -> memref<64xf32, #tpu.memory_space<hbm>>
            %dma_wait3A_216 = arith.constant 0 : i32
            %dma_wait3A_217 = tpu.memref_slice %arg6[%dma_wait3A_216] : memref<10240xf32, #tpu.memory_space<hbm>> -> memref<64xf32, #tpu.memory_space<hbm>>
            tpu.wait_dma2 semaphore(%arg34 : memref<!tpu.dma_semaphore, #tpu.memory_space<semaphore_mem>>) src(%dma_wait3A_217 : memref<64xf32, #tpu.memory_space<hbm>>) dst(%arg20 : memref<64xf32, #tpu.memory_space<vmem>>)
          } else {
          }
          %add3A_174 = arith.constant 1 : i32
          %add3A_175 = arith.addi %add3A_126, %add3A_174 : i32
          %add3A_176 = arith.constant 0 : i32
          %add3A_177 = arith.addi %add3A_176, %add3A : i32
          %mul3A_178 = arith.constant 32 : i32
          %mul3A_179 = arith.muli %add3A_175, %mul3A_178 : i32
          %add3A_180 = arith.addi %add3A_177, %mul3A_179 : i32
          %mul3A_181 = arith.constant 64 : i32
          %mul3A_182 = arith.muli %add3A_180, %mul3A_181 : i32
          "tpu.region"() ({
            %run_scoped3A = tpu.sem_alloc : memref<!tpu.dma_semaphore, #tpu.memory_space<semaphore_mem>>
            %dma_start3A_208 = tpu.memref_slice %arg3[%mul3A_182] : memref<160000xi32, #tpu.memory_space<hbm>> -> memref<64xi32, #tpu.memory_space<hbm>>
            %dma_start3A_209 = tpu.memref_slice %arg3[%mul3A_182] : memref<160000xi32, #tpu.memory_space<hbm>> -> memref<64xi32, #tpu.memory_space<hbm>>
            tpu.enqueue_dma source(%dma_start3A_209 : memref<64xi32, #tpu.memory_space<hbm>>) target(%arg10 : memref<64xi32, #tpu.memory_space<vmem>>) target_semaphore(%run_scoped3A : memref<!tpu.dma_semaphore, #tpu.memory_space<semaphore_mem>>)
            %dma_wait3A_210 = tpu.memref_slice %arg3[%mul3A_182] : memref<160000xi32, #tpu.memory_space<hbm>> -> memref<64xi32, #tpu.memory_space<hbm>>
            %dma_wait3A_211 = tpu.memref_slice %arg3[%mul3A_182] : memref<160000xi32, #tpu.memory_space<hbm>> -> memref<64xi32, #tpu.memory_space<hbm>>
            tpu.wait_dma2 semaphore(%run_scoped3A : memref<!tpu.dma_semaphore, #tpu.memory_space<semaphore_mem>>) src(%dma_wait3A_211 : memref<64xi32, #tpu.memory_space<hbm>>) dst(%arg10 : memref<64xi32, #tpu.memory_space<vmem>>)
            tpu.yield
          }) : () -> ()
          %add3A_183 = arith.constant 0 : i32
          %add3A_184 = arith.addi %add3A_183, %add3A : i32
          %mul3A_185 = arith.constant 32 : i32
          %mul3A_186 = arith.muli %add3A_175, %mul3A_185 : i32
          %add3A_187 = arith.addi %add3A_184, %mul3A_186 : i32
          %mul3A_188 = arith.constant 64 : i32
          %mul3A_189 = arith.muli %add3A_187, %mul3A_188 : i32
          "tpu.region"() ({
            %run_scoped3A = tpu.sem_alloc : memref<!tpu.dma_semaphore, #tpu.memory_space<semaphore_mem>>
            %dma_start3A_208 = tpu.memref_slice %arg4[%mul3A_189] : memref<160000xi32, #tpu.memory_space<hbm>> -> memref<64xi32, #tpu.memory_space<hbm>>
            %dma_start3A_209 = tpu.memref_slice %arg4[%mul3A_189] : memref<160000xi32, #tpu.memory_space<hbm>> -> memref<64xi32, #tpu.memory_space<hbm>>
            tpu.enqueue_dma source(%dma_start3A_209 : memref<64xi32, #tpu.memory_space<hbm>>) target(%arg13 : memref<64xi32, #tpu.memory_space<vmem>>) target_semaphore(%run_scoped3A : memref<!tpu.dma_semaphore, #tpu.memory_space<semaphore_mem>>)
            %dma_wait3A_210 = tpu.memref_slice %arg4[%mul3A_189] : memref<160000xi32, #tpu.memory_space<hbm>> -> memref<64xi32, #tpu.memory_space<hbm>>
            %dma_wait3A_211 = tpu.memref_slice %arg4[%mul3A_189] : memref<160000xi32, #tpu.memory_space<hbm>> -> memref<64xi32, #tpu.memory_space<hbm>>
            tpu.wait_dma2 semaphore(%run_scoped3A : memref<!tpu.dma_semaphore, #tpu.memory_space<semaphore_mem>>) src(%dma_wait3A_211 : memref<64xi32, #tpu.memory_space<hbm>>) dst(%arg13 : memref<64xi32, #tpu.memory_space<vmem>>)
            tpu.yield
          }) : () -> ()
          %dma_start3A_190 = arith.constant 0 : i32
          %dma_start3A_191 = arith.constant 0 : i32
          %dma_start3A_192 = tpu.memref_slice %arg2[%dma_start3A_190, %dma_start3A_191] : memref<10000x256xf32, #tpu.memory_space<hbm>> -> memref<10000x256xf32, #tpu.memory_space<hbm>>
          tpu.enqueue_indirect_dma source(%dma_start3A_192 : memref<10000x256xf32, #tpu.memory_space<hbm>>) target(%arg16 : memref<64x256xf32, #tpu.memory_space<vmem>>) offsets(%arg10 : memref<64xi32, #tpu.memory_space<vmem>>) semaphore(%arg25 : memref<!tpu.dma_semaphore, #tpu.memory_space<semaphore_mem>>)
          %dma_start3A_193 = arith.constant 0 : i32
          %dma_start3A_194 = arith.constant 0 : i32
          %dma_start3A_195 = tpu.memref_slice %arg2[%dma_start3A_193, %dma_start3A_194] : memref<10000x256xf32, #tpu.memory_space<hbm>> -> memref<10000x256xf32, #tpu.memory_space<hbm>>
          tpu.enqueue_indirect_dma source(%dma_start3A_195 : memref<10000x256xf32, #tpu.memory_space<hbm>>) target(%arg19 : memref<64x256xf32, #tpu.memory_space<vmem>>) offsets(%arg13 : memref<64xi32, #tpu.memory_space<vmem>>) semaphore(%arg28 : memref<!tpu.dma_semaphore, #tpu.memory_space<semaphore_mem>>)
          %sub3A_196 = arith.constant 3 : i32
          %sub3A_197 = arith.subi %select_n3A, %sub3A_196 : i32
          %lt3A_198 = arith.cmpi slt, %add3A_175, %sub3A_197 : i32
          %convert_element_type3A_199 = arith.extui %lt3A_198 : i1 to i32
          %cond3A_200 = arith.constant 0 : i32
          %cond3A_201 = arith.cmpi ne, %convert_element_type3A_199, %cond3A_200 : i32
          scf.if %cond3A_201 {
            %dma_start3A_208 = arith.constant 0 : i32
            %dma_start3A_209 = tpu.memref_slice %arg22[%dma_start3A_208] : memref<10240xf32, #tpu.memory_space<vmem_shared>> -> memref<10240xf32, #tpu.memory_space<vmem_shared>>
            tpu.enqueue_indirect_dma source(%arg20 : memref<64xf32, #tpu.memory_space<vmem>>) target(%dma_start3A_209 : memref<10240xf32, #tpu.memory_space<vmem_shared>>) offsets(%arg10 : memref<64xi32, #tpu.memory_space<vmem>>) semaphore(%arg34 : memref<!tpu.dma_semaphore, #tpu.memory_space<semaphore_mem>>) {add = true}
          } else {
          }
          %sub3A_202 = arith.constant 3 : i32
          %sub3A_203 = arith.subi %select_n3A, %sub3A_202 : i32
          %ge3A_204 = arith.cmpi sge, %add3A_175, %sub3A_203 : i32
          %convert_element_type3A_205 = arith.extui %ge3A_204 : i1 to i32
          %cond3A_206 = arith.constant 0 : i32
          %cond3A_207 = arith.cmpi ne, %convert_element_type3A_205, %cond3A_206 : i32
          scf.if %cond3A_207 {
            "tpu.region"() ({
              %run_scoped3A = tpu.sem_alloc : memref<!tpu.dma_semaphore, #tpu.memory_space<semaphore_mem>>
              %dma_start3A_208 = arith.constant 0 : i32
              %dma_start3A_209 = tpu.memref_slice %arg22[%dma_start3A_208] : memref<10240xf32, #tpu.memory_space<vmem_shared>> -> memref<10240xf32, #tpu.memory_space<vmem_shared>>
              tpu.enqueue_indirect_dma source(%arg20 : memref<64xf32, #tpu.memory_space<vmem>>) target(%dma_start3A_209 : memref<10240xf32, #tpu.memory_space<vmem_shared>>) offsets(%arg10 : memref<64xi32, #tpu.memory_space<vmem>>) semaphore(%run_scoped3A : memref<!tpu.dma_semaphore, #tpu.memory_space<semaphore_mem>>) {add = true}
              %dma_wait3A_210 = arith.constant 0 : i32
              %dma_wait3A_211 = tpu.memref_slice %arg22[%dma_wait3A_210] : memref<10240xf32, #tpu.memory_space<vmem_shared>> -> memref<10240xf32, #tpu.memory_space<vmem_shared>>
              tpu.wait_indirect_dma semaphore(%run_scoped3A : memref<!tpu.dma_semaphore, #tpu.memory_space<semaphore_mem>>) src(%arg20 : memref<64xf32, #tpu.memory_space<vmem>>) dst(%dma_wait3A_211 : memref<10240xf32, #tpu.memory_space<vmem_shared>>)
              tpu.yield
            }) : () -> ()
          } else {
          }
        } else {
        }
        %dma_wait3A = arith.constant 0 : i32
        %dma_wait3A_146 = arith.constant 0 : i32
        %dma_wait3A_147 = tpu.memref_slice %arg2[%dma_wait3A, %dma_wait3A_146] : memref<10000x256xf32, #tpu.memory_space<hbm>> -> memref<10000x256xf32, #tpu.memory_space<hbm>>
        tpu.wait_indirect_dma semaphore(%arg24 : memref<!tpu.dma_semaphore, #tpu.memory_space<semaphore_mem>>) src(%dma_wait3A_147 : memref<10000x256xf32, #tpu.memory_space<hbm>>) dst(%arg15 : memref<64x256xf32, #tpu.memory_space<vmem>>)
        %dma_wait3A_148 = arith.constant 0 : i32
        %dma_wait3A_149 = arith.constant 0 : i32
        %dma_wait3A_150 = tpu.memref_slice %arg2[%dma_wait3A_148, %dma_wait3A_149] : memref<10000x256xf32, #tpu.memory_space<hbm>> -> memref<10000x256xf32, #tpu.memory_space<hbm>>
        tpu.wait_indirect_dma semaphore(%arg27 : memref<!tpu.dma_semaphore, #tpu.memory_space<semaphore_mem>>) src(%dma_wait3A_150 : memref<10000x256xf32, #tpu.memory_space<hbm>>) dst(%arg18 : memref<64x256xf32, #tpu.memory_space<vmem>>)
        %scan3A_151 = arith.constant 0 : i32
        %scan3A_152 = arith.constant 0 : i32
        %scan3A_153 = arith.constant 64 : i32
        %scan3A_154 = arith.addi %scan3A_152, %scan3A_153 : i32
        %scan3A_155 = arith.constant 1 : i32
        %scan3A_156 = scf.for %scan3A_169 = %scan3A_152 to %scan3A_154 step %scan3A_155 iter_args(%scan3A_170 = %scan3A_151) -> (i32)  : i32 {
          %get3A = arith.index_cast %scan3A_169 : i32 to index
          %get3A_171 = arith.constant 0 : index
          %get3A_172 = tpu.vector_load %arg15[%get3A, %get3A_171] {strides = array<i32>} : memref<64x256xf32, #tpu.memory_space<vmem>>, vector<1x16xf32>,
          %get3A_173 = vector.shape_cast %get3A_172 : vector<1x16xf32> to vector<16xf32>
          %get3A_174 = arith.index_cast %scan3A_169 : i32 to index
          %get3A_175 = arith.constant 0 : index
          %get3A_176 = tpu.vector_load %arg18[%get3A_174, %get3A_175] {strides = array<i32>} : memref<64x256xf32, #tpu.memory_space<vmem>>, vector<1x16xf32>,
          %get3A_177 = vector.shape_cast %get3A_176 : vector<1x16xf32> to vector<16xf32>
          %add3A_178 = arith.addf %get3A_173, %get3A_177 : vector<16xf32>
          %swap3A = arith.index_cast %scan3A_169 : i32 to index
          %swap3A_179 = arith.constant 0 : index
          %swap3A_180 = tpu.vector_load %arg15[%swap3A, %swap3A_179] {strides = array<i32>} : memref<64x256xf32, #tpu.memory_space<vmem>>, vector<1x16xf32>,
          %swap3A_181 = vector.shape_cast %swap3A_180 : vector<1x16xf32> to vector<16xf32>
          %swap3A_182 = vector.shape_cast %add3A_178 : vector<16xf32> to vector<1x16xf32>
          tpu.vector_store %arg15[%swap3A, %swap3A_179], %swap3A_182 {strides = array<i32>} : memref<64x256xf32, #tpu.memory_space<vmem>>, vector<1x16xf32>,
          %get3A_183 = arith.index_cast %scan3A_169 : i32 to index
          %get3A_184 = arith.constant 16 : index
          %get3A_185 = tpu.vector_load %arg15[%get3A_183, %get3A_184] {strides = array<i32>} : memref<64x256xf32, #tpu.memory_space<vmem>>, vector<1x16xf32>,
          %get3A_186 = vector.shape_cast %get3A_185 : vector<1x16xf32> to vector<16xf32>
          %get3A_187 = arith.index_cast %scan3A_169 : i32 to index
          %get3A_188 = arith.constant 16 : index
          %get3A_189 = tpu.vector_load %arg18[%get3A_187, %get3A_188] {strides = array<i32>} : memref<64x256xf32, #tpu.memory_space<vmem>>, vector<1x16xf32>,
          %get3A_190 = vector.shape_cast %get3A_189 : vector<1x16xf32> to vector<16xf32>
          %add3A_191 = arith.addf %get3A_186, %get3A_190 : vector<16xf32>
          %swap3A_192 = arith.index_cast %scan3A_169 : i32 to index
          %swap3A_193 = arith.constant 16 : index
          %swap3A_194 = tpu.vector_load %arg15[%swap3A_192, %swap3A_193] {strides = array<i32>} : memref<64x256xf32, #tpu.memory_space<vmem>>, vector<1x16xf32>,
          %swap3A_195 = vector.shape_cast %swap3A_194 : vector<1x16xf32> to vector<16xf32>
          %swap3A_196 = vector.shape_cast %add3A_191 : vector<16xf32> to vector<1x16xf32>
          tpu.vector_store %arg15[%swap3A_192, %swap3A_193], %swap3A_196 {strides = array<i32>} : memref<64x256xf32, #tpu.memory_space<vmem>>, vector<1x16xf32>,
          %get3A_197 = arith.index_cast %scan3A_169 : i32 to index
          %get3A_198 = arith.constant 32 : index
          %get3A_199 = tpu.vector_load %arg15[%get3A_197, %get3A_198] {strides = array<i32>} : memref<64x256xf32, #tpu.memory_space<vmem>>, vector<1x16xf32>,
          %get3A_200 = vector.shape_cast %get3A_199 : vector<1x16xf32> to vector<16xf32>
          %get3A_201 = arith.index_cast %scan3A_169 : i32 to index
          %get3A_202 = arith.constant 32 : index
          %get3A_203 = tpu.vector_load %arg18[%get3A_201, %get3A_202] {strides = array<i32>} : memref<64x256xf32, #tpu.memory_space<vmem>>, vector<1x16xf32>,
          %get3A_204 = vector.shape_cast %get3A_203 : vector<1x16xf32> to vector<16xf32>
          %add3A_205 = arith.addf %get3A_200, %get3A_204 : vector<16xf32>
          %swap3A_206 = arith.index_cast %scan3A_169 : i32 to index
          %swap3A_207 = arith.constant 32 : index
          %swap3A_208 = tpu.vector_load %arg15[%swap3A_206, %swap3A_207] {strides = array<i32>} : memref<64x256xf32, #tpu.memory_space<vmem>>, vector<1x16xf32>,
          %swap3A_209 = vector.shape_cast %swap3A_208 : vector<1x16xf32> to vector<16xf32>
          %swap3A_210 = vector.shape_cast %add3A_205 : vector<16xf32> to vector<1x16xf32>
          tpu.vector_store %arg15[%swap3A_206, %swap3A_207], %swap3A_210 {strides = array<i32>} : memref<64x256xf32, #tpu.memory_space<vmem>>, vector<1x16xf32>,
          %get3A_211 = arith.index_cast %scan3A_169 : i32 to index
          %get3A_212 = arith.constant 48 : index
          %get3A_213 = tpu.vector_load %arg15[%get3A_211, %get3A_212] {strides = array<i32>} : memref<64x256xf32, #tpu.memory_space<vmem>>, vector<1x16xf32>,
          %get3A_214 = vector.shape_cast %get3A_213 : vector<1x16xf32> to vector<16xf32>
          %get3A_215 = arith.index_cast %scan3A_169 : i32 to index
          %get3A_216 = arith.constant 48 : index
          %get3A_217 = tpu.vector_load %arg18[%get3A_215, %get3A_216] {strides = array<i32>} : memref<64x256xf32, #tpu.memory_space<vmem>>, vector<1x16xf32>,
          %get3A_218 = vector.shape_cast %get3A_217 : vector<1x16xf32> to vector<16xf32>
          %add3A_219 = arith.addf %get3A_214, %get3A_218 : vector<16xf32>
          %swap3A_220 = arith.index_cast %scan3A_169 : i32 to index
          %swap3A_221 = arith.constant 48 : index
          %swap3A_222 = tpu.vector_load %arg15[%swap3A_220, %swap3A_221] {strides = array<i32>} : memref<64x256xf32, #tpu.memory_space<vmem>>, vector<1x16xf32>,
          %swap3A_223 = vector.shape_cast %swap3A_222 : vector<1x16xf32> to vector<16xf32>
          %swap3A_224 = vector.shape_cast %add3A_219 : vector<16xf32> to vector<1x16xf32>
          tpu.vector_store %arg15[%swap3A_220, %swap3A_221], %swap3A_224 {strides = array<i32>} : memref<64x256xf32, #tpu.memory_space<vmem>>, vector<1x16xf32>,
          %get3A_225 = arith.index_cast %scan3A_169 : i32 to index
          %get3A_226 = arith.constant 64 : index
          %get3A_227 = tpu.vector_load %arg15[%get3A_225, %get3A_226] {strides = array<i32>} : memref<64x256xf32, #tpu.memory_space<vmem>>, vector<1x16xf32>,
          %get3A_228 = vector.shape_cast %get3A_227 : vector<1x16xf32> to vector<16xf32>
          %get3A_229 = arith.index_cast %scan3A_169 : i32 to index
          %get3A_230 = arith.constant 64 : index
          %get3A_231 = tpu.vector_load %arg18[%get3A_229, %get3A_230] {strides = array<i32>} : memref<64x256xf32, #tpu.memory_space<vmem>>, vector<1x16xf32>,
          %get3A_232 = vector.shape_cast %get3A_231 : vector<1x16xf32> to vector<16xf32>
          %add3A_233 = arith.addf %get3A_228, %get3A_232 : vector<16xf32>
          %swap3A_234 = arith.index_cast %scan3A_169 : i32 to index
          %swap3A_235 = arith.constant 64 : index
          %swap3A_236 = tpu.vector_load %arg15[%swap3A_234, %swap3A_235] {strides = array<i32>} : memref<64x256xf32, #tpu.memory_space<vmem>>, vector<1x16xf32>,
          %swap3A_237 = vector.shape_cast %swap3A_236 : vector<1x16xf32> to vector<16xf32>
          %swap3A_238 = vector.shape_cast %add3A_233 : vector<16xf32> to vector<1x16xf32>
          tpu.vector_store %arg15[%swap3A_234, %swap3A_235], %swap3A_238 {strides = array<i32>} : memref<64x256xf32, #tpu.memory_space<vmem>>, vector<1x16xf32>,
          %get3A_239 = arith.index_cast %scan3A_169 : i32 to index
          %get3A_240 = arith.constant 80 : index
          %get3A_241 = tpu.vector_load %arg15[%get3A_239, %get3A_240] {strides = array<i32>} : memref<64x256xf32, #tpu.memory_space<vmem>>, vector<1x16xf32>,
          %get3A_242 = vector.shape_cast %get3A_241 : vector<1x16xf32> to vector<16xf32>
          %get3A_243 = arith.index_cast %scan3A_169 : i32 to index
          %get3A_244 = arith.constant 80 : index
          %get3A_245 = tpu.vector_load %arg18[%get3A_243, %get3A_244] {strides = array<i32>} : memref<64x256xf32, #tpu.memory_space<vmem>>, vector<1x16xf32>,
          %get3A_246 = vector.shape_cast %get3A_245 : vector<1x16xf32> to vector<16xf32>
          %add3A_247 = arith.addf %get3A_242, %get3A_246 : vector<16xf32>
          %swap3A_248 = arith.index_cast %scan3A_169 : i32 to index
          %swap3A_249 = arith.constant 80 : index
          %swap3A_250 = tpu.vector_load %arg15[%swap3A_248, %swap3A_249] {strides = array<i32>} : memref<64x256xf32, #tpu.memory_space<vmem>>, vector<1x16xf32>,
          %swap3A_251 = vector.shape_cast %swap3A_250 : vector<1x16xf32> to vector<16xf32>
          %swap3A_252 = vector.shape_cast %add3A_247 : vector<16xf32> to vector<1x16xf32>
          tpu.vector_store %arg15[%swap3A_248, %swap3A_249], %swap3A_252 {strides = array<i32>} : memref<64x256xf32, #tpu.memory_space<vmem>>, vector<1x16xf32>,
          %get3A_253 = arith.index_cast %scan3A_169 : i32 to index
          %get3A_254 = arith.constant 96 : index
          %get3A_255 = tpu.vector_load %arg15[%get3A_253, %get3A_254] {strides = array<i32>} : memref<64x256xf32, #tpu.memory_space<vmem>>, vector<1x16xf32>,
          %get3A_256 = vector.shape_cast %get3A_255 : vector<1x16xf32> to vector<16xf32>
          %get3A_257 = arith.index_cast %scan3A_169 : i32 to index
          %get3A_258 = arith.constant 96 : index
          %get3A_259 = tpu.vector_load %arg18[%get3A_257, %get3A_258] {strides = array<i32>} : memref<64x256xf32, #tpu.memory_space<vmem>>, vector<1x16xf32>,
          %get3A_260 = vector.shape_cast %get3A_259 : vector<1x16xf32> to vector<16xf32>
          %add3A_261 = arith.addf %get3A_256, %get3A_260 : vector<16xf32>
          %swap3A_262 = arith.index_cast %scan3A_169 : i32 to index
          %swap3A_263 = arith.constant 96 : index
          %swap3A_264 = tpu.vector_load %arg15[%swap3A_262, %swap3A_263] {strides = array<i32>} : memref<64x256xf32, #tpu.memory_space<vmem>>, vector<1x16xf32>,
          %swap3A_265 = vector.shape_cast %swap3A_264 : vector<1x16xf32> to vector<16xf32>
          %swap3A_266 = vector.shape_cast %add3A_261 : vector<16xf32> to vector<1x16xf32>
          tpu.vector_store %arg15[%swap3A_262, %swap3A_263], %swap3A_266 {strides = array<i32>} : memref<64x256xf32, #tpu.memory_space<vmem>>, vector<1x16xf32>,
          %get3A_267 = arith.index_cast %scan3A_169 : i32 to index
          %get3A_268 = arith.constant 112 : index
          %get3A_269 = tpu.vector_load %arg15[%get3A_267, %get3A_268] {strides = array<i32>} : memref<64x256xf32, #tpu.memory_space<vmem>>, vector<1x16xf32>,
          %get3A_270 = vector.shape_cast %get3A_269 : vector<1x16xf32> to vector<16xf32>
          %get3A_271 = arith.index_cast %scan3A_169 : i32 to index
          %get3A_272 = arith.constant 112 : index
          %get3A_273 = tpu.vector_load %arg18[%get3A_271, %get3A_272] {strides = array<i32>} : memref<64x256xf32, #tpu.memory_space<vmem>>, vector<1x16xf32>,
          %get3A_274 = vector.shape_cast %get3A_273 : vector<1x16xf32> to vector<16xf32>
          %add3A_275 = arith.addf %get3A_270, %get3A_274 : vector<16xf32>
          %swap3A_276 = arith.index_cast %scan3A_169 : i32 to index
          %swap3A_277 = arith.constant 112 : index
          %swap3A_278 = tpu.vector_load %arg15[%swap3A_276, %swap3A_277] {strides = array<i32>} : memref<64x256xf32, #tpu.memory_space<vmem>>, vector<1x16xf32>,
          %swap3A_279 = vector.shape_cast %swap3A_278 : vector<1x16xf32> to vector<16xf32>
          %swap3A_280 = vector.shape_cast %add3A_275 : vector<16xf32> to vector<1x16xf32>
          tpu.vector_store %arg15[%swap3A_276, %swap3A_277], %swap3A_280 {strides = array<i32>} : memref<64x256xf32, #tpu.memory_space<vmem>>, vector<1x16xf32>,
          %get3A_281 = arith.index_cast %scan3A_169 : i32 to index
          %get3A_282 = arith.constant 128 : index
          %get3A_283 = tpu.vector_load %arg15[%get3A_281, %get3A_282] {strides = array<i32>} : memref<64x256xf32, #tpu.memory_space<vmem>>, vector<1x16xf32>,
          %get3A_284 = vector.shape_cast %get3A_283 : vector<1x16xf32> to vector<16xf32>
          %get3A_285 = arith.index_cast %scan3A_169 : i32 to index
          %get3A_286 = arith.constant 128 : index
          %get3A_287 = tpu.vector_load %arg18[%get3A_285, %get3A_286] {strides = array<i32>} : memref<64x256xf32, #tpu.memory_space<vmem>>, vector<1x16xf32>,
          %get3A_288 = vector.shape_cast %get3A_287 : vector<1x16xf32> to vector<16xf32>
          %add3A_289 = arith.addf %get3A_284, %get3A_288 : vector<16xf32>
          %swap3A_290 = arith.index_cast %scan3A_169 : i32 to index
          %swap3A_291 = arith.constant 128 : index
          %swap3A_292 = tpu.vector_load %arg15[%swap3A_290, %swap3A_291] {strides = array<i32>} : memref<64x256xf32, #tpu.memory_space<vmem>>, vector<1x16xf32>,
          %swap3A_293 = vector.shape_cast %swap3A_292 : vector<1x16xf32> to vector<16xf32>
          %swap3A_294 = vector.shape_cast %add3A_289 : vector<16xf32> to vector<1x16xf32>
          tpu.vector_store %arg15[%swap3A_290, %swap3A_291], %swap3A_294 {strides = array<i32>} : memref<64x256xf32, #tpu.memory_space<vmem>>, vector<1x16xf32>,
          %get3A_295 = arith.index_cast %scan3A_169 : i32 to index
          %get3A_296 = arith.constant 144 : index
          %get3A_297 = tpu.vector_load %arg15[%get3A_295, %get3A_296] {strides = array<i32>} : memref<64x256xf32, #tpu.memory_space<vmem>>, vector<1x16xf32>,
          %get3A_298 = vector.shape_cast %get3A_297 : vector<1x16xf32> to vector<16xf32>
          %get3A_299 = arith.index_cast %scan3A_169 : i32 to index
          %get3A_300 = arith.constant 144 : index
          %get3A_301 = tpu.vector_load %arg18[%get3A_299, %get3A_300] {strides = array<i32>} : memref<64x256xf32, #tpu.memory_space<vmem>>, vector<1x16xf32>,
          %get3A_302 = vector.shape_cast %get3A_301 : vector<1x16xf32> to vector<16xf32>
          %add3A_303 = arith.addf %get3A_298, %get3A_302 : vector<16xf32>
          %swap3A_304 = arith.index_cast %scan3A_169 : i32 to index
          %swap3A_305 = arith.constant 144 : index
          %swap3A_306 = tpu.vector_load %arg15[%swap3A_304, %swap3A_305] {strides = array<i32>} : memref<64x256xf32, #tpu.memory_space<vmem>>, vector<1x16xf32>,
          %swap3A_307 = vector.shape_cast %swap3A_306 : vector<1x16xf32> to vector<16xf32>
          %swap3A_308 = vector.shape_cast %add3A_303 : vector<16xf32> to vector<1x16xf32>
          tpu.vector_store %arg15[%swap3A_304, %swap3A_305], %swap3A_308 {strides = array<i32>} : memref<64x256xf32, #tpu.memory_space<vmem>>, vector<1x16xf32>,
          %get3A_309 = arith.index_cast %scan3A_169 : i32 to index
          %get3A_310 = arith.constant 160 : index
          %get3A_311 = tpu.vector_load %arg15[%get3A_309, %get3A_310] {strides = array<i32>} : memref<64x256xf32, #tpu.memory_space<vmem>>, vector<1x16xf32>,
          %get3A_312 = vector.shape_cast %get3A_311 : vector<1x16xf32> to vector<16xf32>
          %get3A_313 = arith.index_cast %scan3A_169 : i32 to index
          %get3A_314 = arith.constant 160 : index
          %get3A_315 = tpu.vector_load %arg18[%get3A_313, %get3A_314] {strides = array<i32>} : memref<64x256xf32, #tpu.memory_space<vmem>>, vector<1x16xf32>,
          %get3A_316 = vector.shape_cast %get3A_315 : vector<1x16xf32> to vector<16xf32>
          %add3A_317 = arith.addf %get3A_312, %get3A_316 : vector<16xf32>
          %swap3A_318 = arith.index_cast %scan3A_169 : i32 to index
          %swap3A_319 = arith.constant 160 : index
          %swap3A_320 = tpu.vector_load %arg15[%swap3A_318, %swap3A_319] {strides = array<i32>} : memref<64x256xf32, #tpu.memory_space<vmem>>, vector<1x16xf32>,
          %swap3A_321 = vector.shape_cast %swap3A_320 : vector<1x16xf32> to vector<16xf32>
          %swap3A_322 = vector.shape_cast %add3A_317 : vector<16xf32> to vector<1x16xf32>
          tpu.vector_store %arg15[%swap3A_318, %swap3A_319], %swap3A_322 {strides = array<i32>} : memref<64x256xf32, #tpu.memory_space<vmem>>, vector<1x16xf32>,
          %get3A_323 = arith.index_cast %scan3A_169 : i32 to index
          %get3A_324 = arith.constant 176 : index
          %get3A_325 = tpu.vector_load %arg15[%get3A_323, %get3A_324] {strides = array<i32>} : memref<64x256xf32, #tpu.memory_space<vmem>>, vector<1x16xf32>,
          %get3A_326 = vector.shape_cast %get3A_325 : vector<1x16xf32> to vector<16xf32>
          %get3A_327 = arith.index_cast %scan3A_169 : i32 to index
          %get3A_328 = arith.constant 176 : index
          %get3A_329 = tpu.vector_load %arg18[%get3A_327, %get3A_328] {strides = array<i32>} : memref<64x256xf32, #tpu.memory_space<vmem>>, vector<1x16xf32>,
          %get3A_330 = vector.shape_cast %get3A_329 : vector<1x16xf32> to vector<16xf32>
          %add3A_331 = arith.addf %get3A_326, %get3A_330 : vector<16xf32>
          %swap3A_332 = arith.index_cast %scan3A_169 : i32 to index
          %swap3A_333 = arith.constant 176 : index
          %swap3A_334 = tpu.vector_load %arg15[%swap3A_332, %swap3A_333] {strides = array<i32>} : memref<64x256xf32, #tpu.memory_space<vmem>>, vector<1x16xf32>,
          %swap3A_335 = vector.shape_cast %swap3A_334 : vector<1x16xf32> to vector<16xf32>
          %swap3A_336 = vector.shape_cast %add3A_331 : vector<16xf32> to vector<1x16xf32>
          tpu.vector_store %arg15[%swap3A_332, %swap3A_333], %swap3A_336 {strides = array<i32>} : memref<64x256xf32, #tpu.memory_space<vmem>>, vector<1x16xf32>,
          %get3A_337 = arith.index_cast %scan3A_169 : i32 to index
          %get3A_338 = arith.constant 192 : index
          %get3A_339 = tpu.vector_load %arg15[%get3A_337, %get3A_338] {strides = array<i32>} : memref<64x256xf32, #tpu.memory_space<vmem>>, vector<1x16xf32>,
          %get3A_340 = vector.shape_cast %get3A_339 : vector<1x16xf32> to vector<16xf32>
          %get3A_341 = arith.index_cast %scan3A_169 : i32 to index
          %get3A_342 = arith.constant 192 : index
          %get3A_343 = tpu.vector_load %arg18[%get3A_341, %get3A_342] {strides = array<i32>} : memref<64x256xf32, #tpu.memory_space<vmem>>, vector<1x16xf32>,
          %get3A_344 = vector.shape_cast %get3A_343 : vector<1x16xf32> to vector<16xf32>
          %add3A_345 = arith.addf %get3A_340, %get3A_344 : vector<16xf32>
          %swap3A_346 = arith.index_cast %scan3A_169 : i32 to index
          %swap3A_347 = arith.constant 192 : index
          %swap3A_348 = tpu.vector_load %arg15[%swap3A_346, %swap3A_347] {strides = array<i32>} : memref<64x256xf32, #tpu.memory_space<vmem>>, vector<1x16xf32>,
          %swap3A_349 = vector.shape_cast %swap3A_348 : vector<1x16xf32> to vector<16xf32>
          %swap3A_350 = vector.shape_cast %add3A_345 : vector<16xf32> to vector<1x16xf32>
          tpu.vector_store %arg15[%swap3A_346, %swap3A_347], %swap3A_350 {strides = array<i32>} : memref<64x256xf32, #tpu.memory_space<vmem>>, vector<1x16xf32>,
          %get3A_351 = arith.index_cast %scan3A_169 : i32 to index
          %get3A_352 = arith.constant 208 : index
          %get3A_353 = tpu.vector_load %arg15[%get3A_351, %get3A_352] {strides = array<i32>} : memref<64x256xf32, #tpu.memory_space<vmem>>, vector<1x16xf32>,
          %get3A_354 = vector.shape_cast %get3A_353 : vector<1x16xf32> to vector<16xf32>
          %get3A_355 = arith.index_cast %scan3A_169 : i32 to index
          %get3A_356 = arith.constant 208 : index
          %get3A_357 = tpu.vector_load %arg18[%get3A_355, %get3A_356] {strides = array<i32>} : memref<64x256xf32, #tpu.memory_space<vmem>>, vector<1x16xf32>,
          %get3A_358 = vector.shape_cast %get3A_357 : vector<1x16xf32> to vector<16xf32>
          %add3A_359 = arith.addf %get3A_354, %get3A_358 : vector<16xf32>
          %swap3A_360 = arith.index_cast %scan3A_169 : i32 to index
          %swap3A_361 = arith.constant 208 : index
          %swap3A_362 = tpu.vector_load %arg15[%swap3A_360, %swap3A_361] {strides = array<i32>} : memref<64x256xf32, #tpu.memory_space<vmem>>, vector<1x16xf32>,
          %swap3A_363 = vector.shape_cast %swap3A_362 : vector<1x16xf32> to vector<16xf32>
          %swap3A_364 = vector.shape_cast %add3A_359 : vector<16xf32> to vector<1x16xf32>
          tpu.vector_store %arg15[%swap3A_360, %swap3A_361], %swap3A_364 {strides = array<i32>} : memref<64x256xf32, #tpu.memory_space<vmem>>, vector<1x16xf32>,
          %get3A_365 = arith.index_cast %scan3A_169 : i32 to index
          %get3A_366 = arith.constant 224 : index
          %get3A_367 = tpu.vector_load %arg15[%get3A_365, %get3A_366] {strides = array<i32>} : memref<64x256xf32, #tpu.memory_space<vmem>>, vector<1x16xf32>,
          %get3A_368 = vector.shape_cast %get3A_367 : vector<1x16xf32> to vector<16xf32>
          %get3A_369 = arith.index_cast %scan3A_169 : i32 to index
          %get3A_370 = arith.constant 224 : index
          %get3A_371 = tpu.vector_load %arg18[%get3A_369, %get3A_370] {strides = array<i32>} : memref<64x256xf32, #tpu.memory_space<vmem>>, vector<1x16xf32>,
          %get3A_372 = vector.shape_cast %get3A_371 : vector<1x16xf32> to vector<16xf32>
          %add3A_373 = arith.addf %get3A_368, %get3A_372 : vector<16xf32>
          %swap3A_374 = arith.index_cast %scan3A_169 : i32 to index
          %swap3A_375 = arith.constant 224 : index
          %swap3A_376 = tpu.vector_load %arg15[%swap3A_374, %swap3A_375] {strides = array<i32>} : memref<64x256xf32, #tpu.memory_space<vmem>>, vector<1x16xf32>,
          %swap3A_377 = vector.shape_cast %swap3A_376 : vector<1x16xf32> to vector<16xf32>
          %swap3A_378 = vector.shape_cast %add3A_373 : vector<16xf32> to vector<1x16xf32>
          tpu.vector_store %arg15[%swap3A_374, %swap3A_375], %swap3A_378 {strides = array<i32>} : memref<64x256xf32, #tpu.memory_space<vmem>>, vector<1x16xf32>,
          %get3A_379 = arith.index_cast %scan3A_169 : i32 to index
          %get3A_380 = arith.constant 240 : index
          %get3A_381 = tpu.vector_load %arg15[%get3A_379, %get3A_380] {strides = array<i32>} : memref<64x256xf32, #tpu.memory_space<vmem>>, vector<1x16xf32>,
          %get3A_382 = vector.shape_cast %get3A_381 : vector<1x16xf32> to vector<16xf32>
          %get3A_383 = arith.index_cast %scan3A_169 : i32 to index
          %get3A_384 = arith.constant 240 : index
          %get3A_385 = tpu.vector_load %arg18[%get3A_383, %get3A_384] {strides = array<i32>} : memref<64x256xf32, #tpu.memory_space<vmem>>, vector<1x16xf32>,
          %get3A_386 = vector.shape_cast %get3A_385 : vector<1x16xf32> to vector<16xf32>
          %add3A_387 = arith.addf %get3A_382, %get3A_386 : vector<16xf32>
          %swap3A_388 = arith.index_cast %scan3A_169 : i32 to index
          %swap3A_389 = arith.constant 240 : index
          %swap3A_390 = tpu.vector_load %arg15[%swap3A_388, %swap3A_389] {strides = array<i32>} : memref<64x256xf32, #tpu.memory_space<vmem>>, vector<1x16xf32>,
          %swap3A_391 = vector.shape_cast %swap3A_390 : vector<1x16xf32> to vector<16xf32>
          %swap3A_392 = vector.shape_cast %add3A_387 : vector<16xf32> to vector<1x16xf32>
          tpu.vector_store %arg15[%swap3A_388, %swap3A_389], %swap3A_392 {strides = array<i32>} : memref<64x256xf32, #tpu.memory_space<vmem>>, vector<1x16xf32>,
          %scan3A_393 = arith.constant 0 : i32
          scf.yield %scan3A_393 : i32
        }
        %scan3A_157 = arith.constant 64 : i32
        %sub3A_158 = arith.constant 3 : i32
        %sub3A_159 = arith.subi %select_n3A, %sub3A_158 : i32
        %lt3A_160 = arith.cmpi slt, %add3A_126, %sub3A_159 : i32
        %convert_element_type3A_161 = arith.extui %lt3A_160 : i1 to i32
        %cond3A_162 = arith.constant 0 : i32
        %cond3A_163 = arith.cmpi ne, %convert_element_type3A_161, %cond3A_162 : i32
        scf.if %cond3A_163 {
          %mul3A_169 = arith.constant 32 : i32
          %mul3A_170 = arith.muli %add3A_126, %mul3A_169 : i32
          %add3A_171 = arith.addi %add3A, %mul3A_170 : i32
          %mul3A_172 = arith.constant 64 : i32
          %mul3A_173 = arith.muli %add3A_171, %mul3A_172 : i32
          %dma_start3A_174 = arith.constant 0 : i32
          %dma_start3A_175 = tpu.memref_slice %arg5[%mul3A_173, %dma_start3A_174] : memref<80000x256xf32, #tpu.memory_space<hbm>> -> memref<64x256xf32, #tpu.memory_space<hbm>>
          %dma_start3A_176 = arith.constant 0 : i32
          %dma_start3A_177 = tpu.memref_slice %arg5[%mul3A_173, %dma_start3A_176] : memref<80000x256xf32, #tpu.memory_space<hbm>> -> memref<64x256xf32, #tpu.memory_space<hbm>>
          tpu.enqueue_dma source(%arg15 : memref<64x256xf32, #tpu.memory_space<vmem>>) target(%dma_start3A_177 : memref<64x256xf32, #tpu.memory_space<hbm>>) target_semaphore(%arg30 : memref<!tpu.dma_semaphore, #tpu.memory_space<semaphore_mem>>)
        } else {
        }
        %sub3A_164 = arith.constant 3 : i32
        %sub3A_165 = arith.subi %select_n3A, %sub3A_164 : i32
        %ge3A = arith.cmpi sge, %add3A_126, %sub3A_165 : i32
        %convert_element_type3A_166 = arith.extui %ge3A : i1 to i32
        %cond3A_167 = arith.constant 0 : i32
        %cond3A_168 = arith.cmpi ne, %convert_element_type3A_166, %cond3A_167 : i32
        scf.if %cond3A_168 {
          %mul3A_169 = arith.constant 32 : i32
          %mul3A_170 = arith.muli %add3A_126, %mul3A_169 : i32
          %add3A_171 = arith.addi %add3A, %mul3A_170 : i32
          %mul3A_172 = arith.constant 64 : i32
          %mul3A_173 = arith.muli %add3A_171, %mul3A_172 : i32
          "tpu.region"() ({
            %run_scoped3A = tpu.sem_alloc : memref<!tpu.dma_semaphore, #tpu.memory_space<semaphore_mem>>
            %dma_start3A_174 = arith.constant 0 : i32
            %dma_start3A_175 = tpu.memref_slice %arg5[%mul3A_173, %dma_start3A_174] : memref<80000x256xf32, #tpu.memory_space<hbm>> -> memref<64x256xf32, #tpu.memory_space<hbm>>
            %dma_start3A_176 = arith.constant 0 : i32
            %dma_start3A_177 = tpu.memref_slice %arg5[%mul3A_173, %dma_start3A_176] : memref<80000x256xf32, #tpu.memory_space<hbm>> -> memref<64x256xf32, #tpu.memory_space<hbm>>
            tpu.enqueue_dma source(%arg15 : memref<64x256xf32, #tpu.memory_space<vmem>>) target(%dma_start3A_177 : memref<64x256xf32, #tpu.memory_space<hbm>>) target_semaphore(%run_scoped3A : memref<!tpu.dma_semaphore, #tpu.memory_space<semaphore_mem>>)
            %dma_wait3A_178 = arith.constant 0 : i32
            %dma_wait3A_179 = tpu.memref_slice %arg5[%mul3A_173, %dma_wait3A_178] : memref<80000x256xf32, #tpu.memory_space<hbm>> -> memref<64x256xf32, #tpu.memory_space<hbm>>
            %dma_wait3A_180 = arith.constant 0 : i32
            %dma_wait3A_181 = tpu.memref_slice %arg5[%mul3A_173, %dma_wait3A_180] : memref<80000x256xf32, #tpu.memory_space<hbm>> -> memref<64x256xf32, #tpu.memory_space<hbm>>
            tpu.wait_dma2 semaphore(%run_scoped3A : memref<!tpu.dma_semaphore, #tpu.memory_space<semaphore_mem>>) src(%arg15 : memref<64x256xf32, #tpu.memory_space<vmem>>) dst(%dma_wait3A_181 : memref<64x256xf32, #tpu.memory_space<hbm>>)
            tpu.yield
          }) : () -> ()
        } else {
        }
      } else {
      }
      %mul3A_131 = arith.constant 3 : i32
      %mul3A_132 = arith.muli %mul3A_131, %while3A_116 : i32
      %add3A_133 = arith.constant 2 : i32
      %add3A_134 = arith.addi %mul3A_132, %add3A_133 : i32
      %lt3A_135 = arith.cmpi slt, %add3A_134, %select_n3A : i32
      %convert_element_type3A_136 = arith.extui %lt3A_135 : i1 to i32
      %cond3A_137 = arith.constant 0 : i32
      %cond3A_138 = arith.cmpi ne, %convert_element_type3A_136, %cond3A_137 : i32
      scf.if %cond3A_138 {
        %add3A_140 = arith.constant 1 : i32
        %add3A_141 = arith.addi %add3A_134, %add3A_140 : i32
        %lt3A_142 = arith.cmpi slt, %add3A_141, %select_n3A : i32
        %convert_element_type3A_143 = arith.extui %lt3A_142 : i1 to i32
        %cond3A_144 = arith.constant 0 : i32
        %cond3A_145 = arith.cmpi ne, %convert_element_type3A_143, %cond3A_144 : i32
        scf.if %cond3A_145 {
          %ge3A_169 = arith.constant 2 : i32
          %ge3A_170 = arith.cmpi sge, %add3A_134, %ge3A_169 : i32
          %convert_element_type3A_171 = arith.extui %ge3A_170 : i1 to i32
          %cond3A_172 = arith.constant 0 : i32
          %cond3A_173 = arith.cmpi ne, %convert_element_type3A_171, %cond3A_172 : i32
          scf.if %cond3A_173 {
            %dma_wait3A_208 = arith.constant 0 : i32
            %dma_wait3A_209 = arith.constant 0 : i32
            %dma_wait3A_210 = tpu.memref_slice %arg5[%dma_wait3A_208, %dma_wait3A_209] : memref<80000x256xf32, #tpu.memory_space<hbm>> -> memref<64x256xf32, #tpu.memory_space<hbm>>
            %dma_wait3A_211 = arith.constant 0 : i32
            %dma_wait3A_212 = arith.constant 0 : i32
            %dma_wait3A_213 = tpu.memref_slice %arg5[%dma_wait3A_211, %dma_wait3A_212] : memref<80000x256xf32, #tpu.memory_space<hbm>> -> memref<64x256xf32, #tpu.memory_space<hbm>>
            tpu.wait_dma2 semaphore(%arg29 : memref<!tpu.dma_semaphore, #tpu.memory_space<semaphore_mem>>) src(%arg14 : memref<64x256xf32, #tpu.memory_space<vmem>>) dst(%dma_wait3A_213 : memref<64x256xf32, #tpu.memory_space<hbm>>)
            %dma_wait3A_214 = arith.constant 0 : i32
            %dma_wait3A_215 = tpu.memref_slice %arg6[%dma_wait3A_214] : memref<10240xf32, #tpu.memory_space<hbm>> -> memref<64xf32, #tpu.memory_space<hbm>>
            %dma_wait3A_216 = arith.constant 0 : i32
            %dma_wait3A_217 = tpu.memref_slice %arg6[%dma_wait3A_216] : memref<10240xf32, #tpu.memory_space<hbm>> -> memref<64xf32, #tpu.memory_space<hbm>>
            tpu.wait_dma2 semaphore(%arg32 : memref<!tpu.dma_semaphore, #tpu.memory_space<semaphore_mem>>) src(%dma_wait3A_217 : memref<64xf32, #tpu.memory_space<hbm>>) dst(%arg20 : memref<64xf32, #tpu.memory_space<vmem>>)
          } else {
          }
          %add3A_174 = arith.constant 1 : i32
          %add3A_175 = arith.addi %add3A_134, %add3A_174 : i32
          %add3A_176 = arith.constant 0 : i32
          %add3A_177 = arith.addi %add3A_176, %add3A : i32
          %mul3A_178 = arith.constant 32 : i32
          %mul3A_179 = arith.muli %add3A_175, %mul3A_178 : i32
          %add3A_180 = arith.addi %add3A_177, %mul3A_179 : i32
          %mul3A_181 = arith.constant 64 : i32
          %mul3A_182 = arith.muli %add3A_180, %mul3A_181 : i32
          "tpu.region"() ({
            %run_scoped3A = tpu.sem_alloc : memref<!tpu.dma_semaphore, #tpu.memory_space<semaphore_mem>>
            %dma_start3A_208 = tpu.memref_slice %arg3[%mul3A_182] : memref<160000xi32, #tpu.memory_space<hbm>> -> memref<64xi32, #tpu.memory_space<hbm>>
            %dma_start3A_209 = tpu.memref_slice %arg3[%mul3A_182] : memref<160000xi32, #tpu.memory_space<hbm>> -> memref<64xi32, #tpu.memory_space<hbm>>
            tpu.enqueue_dma source(%dma_start3A_209 : memref<64xi32, #tpu.memory_space<hbm>>) target(%arg8 : memref<64xi32, #tpu.memory_space<vmem>>) target_semaphore(%run_scoped3A : memref<!tpu.dma_semaphore, #tpu.memory_space<semaphore_mem>>)
            %dma_wait3A_210 = tpu.memref_slice %arg3[%mul3A_182] : memref<160000xi32, #tpu.memory_space<hbm>> -> memref<64xi32, #tpu.memory_space<hbm>>
            %dma_wait3A_211 = tpu.memref_slice %arg3[%mul3A_182] : memref<160000xi32, #tpu.memory_space<hbm>> -> memref<64xi32, #tpu.memory_space<hbm>>
            tpu.wait_dma2 semaphore(%run_scoped3A : memref<!tpu.dma_semaphore, #tpu.memory_space<semaphore_mem>>) src(%dma_wait3A_211 : memref<64xi32, #tpu.memory_space<hbm>>) dst(%arg8 : memref<64xi32, #tpu.memory_space<vmem>>)
            tpu.yield
          }) : () -> ()
          %add3A_183 = arith.constant 0 : i32
          %add3A_184 = arith.addi %add3A_183, %add3A : i32
          %mul3A_185 = arith.constant 32 : i32
          %mul3A_186 = arith.muli %add3A_175, %mul3A_185 : i32
          %add3A_187 = arith.addi %add3A_184, %mul3A_186 : i32
          %mul3A_188 = arith.constant 64 : i32
          %mul3A_189 = arith.muli %add3A_187, %mul3A_188 : i32
          "tpu.region"() ({
            %run_scoped3A = tpu.sem_alloc : memref<!tpu.dma_semaphore, #tpu.memory_space<semaphore_mem>>
            %dma_start3A_208 = tpu.memref_slice %arg4[%mul3A_189] : memref<160000xi32, #tpu.memory_space<hbm>> -> memref<64xi32, #tpu.memory_space<hbm>>
            %dma_start3A_209 = tpu.memref_slice %arg4[%mul3A_189] : memref<160000xi32, #tpu.memory_space<hbm>> -> memref<64xi32, #tpu.memory_space<hbm>>
            tpu.enqueue_dma source(%dma_start3A_209 : memref<64xi32, #tpu.memory_space<hbm>>) target(%arg11 : memref<64xi32, #tpu.memory_space<vmem>>) target_semaphore(%run_scoped3A : memref<!tpu.dma_semaphore, #tpu.memory_space<semaphore_mem>>)
            %dma_wait3A_210 = tpu.memref_slice %arg4[%mul3A_189] : memref<160000xi32, #tpu.memory_space<hbm>> -> memref<64xi32, #tpu.memory_space<hbm>>
            %dma_wait3A_211 = tpu.memref_slice %arg4[%mul3A_189] : memref<160000xi32, #tpu.memory_space<hbm>> -> memref<64xi32, #tpu.memory_space<hbm>>
            tpu.wait_dma2 semaphore(%run_scoped3A : memref<!tpu.dma_semaphore, #tpu.memory_space<semaphore_mem>>) src(%dma_wait3A_211 : memref<64xi32, #tpu.memory_space<hbm>>) dst(%arg11 : memref<64xi32, #tpu.memory_space<vmem>>)
            tpu.yield
          }) : () -> ()
          %dma_start3A_190 = arith.constant 0 : i32
          %dma_start3A_191 = arith.constant 0 : i32
          %dma_start3A_192 = tpu.memref_slice %arg2[%dma_start3A_190, %dma_start3A_191] : memref<10000x256xf32, #tpu.memory_space<hbm>> -> memref<10000x256xf32, #tpu.memory_space<hbm>>
          tpu.enqueue_indirect_dma source(%dma_start3A_192 : memref<10000x256xf32, #tpu.memory_space<hbm>>) target(%arg14 : memref<64x256xf32, #tpu.memory_space<vmem>>) offsets(%arg8 : memref<64xi32, #tpu.memory_space<vmem>>) semaphore(%arg23 : memref<!tpu.dma_semaphore, #tpu.memory_space<semaphore_mem>>)
          %dma_start3A_193 = arith.constant 0 : i32
          %dma_start3A_194 = arith.constant 0 : i32
          %dma_start3A_195 = tpu.memref_slice %arg2[%dma_start3A_193, %dma_start3A_194] : memref<10000x256xf32, #tpu.memory_space<hbm>> -> memref<10000x256xf32, #tpu.memory_space<hbm>>
          tpu.enqueue_indirect_dma source(%dma_start3A_195 : memref<10000x256xf32, #tpu.memory_space<hbm>>) target(%arg17 : memref<64x256xf32, #tpu.memory_space<vmem>>) offsets(%arg11 : memref<64xi32, #tpu.memory_space<vmem>>) semaphore(%arg26 : memref<!tpu.dma_semaphore, #tpu.memory_space<semaphore_mem>>)
          %sub3A_196 = arith.constant 3 : i32
          %sub3A_197 = arith.subi %select_n3A, %sub3A_196 : i32
          %lt3A_198 = arith.cmpi slt, %add3A_175, %sub3A_197 : i32
          %convert_element_type3A_199 = arith.extui %lt3A_198 : i1 to i32
          %cond3A_200 = arith.constant 0 : i32
          %cond3A_201 = arith.cmpi ne, %convert_element_type3A_199, %cond3A_200 : i32
          scf.if %cond3A_201 {
            %dma_start3A_208 = arith.constant 0 : i32
            %dma_start3A_209 = tpu.memref_slice %arg22[%dma_start3A_208] : memref<10240xf32, #tpu.memory_space<vmem_shared>> -> memref<10240xf32, #tpu.memory_space<vmem_shared>>
            tpu.enqueue_indirect_dma source(%arg20 : memref<64xf32, #tpu.memory_space<vmem>>) target(%dma_start3A_209 : memref<10240xf32, #tpu.memory_space<vmem_shared>>) offsets(%arg8 : memref<64xi32, #tpu.memory_space<vmem>>) semaphore(%arg32 : memref<!tpu.dma_semaphore, #tpu.memory_space<semaphore_mem>>) {add = true}
          } else {
          }
          %sub3A_202 = arith.constant 3 : i32
          %sub3A_203 = arith.subi %select_n3A, %sub3A_202 : i32
          %ge3A_204 = arith.cmpi sge, %add3A_175, %sub3A_203 : i32
          %convert_element_type3A_205 = arith.extui %ge3A_204 : i1 to i32
          %cond3A_206 = arith.constant 0 : i32
          %cond3A_207 = arith.cmpi ne, %convert_element_type3A_205, %cond3A_206 : i32
          scf.if %cond3A_207 {
            "tpu.region"() ({
              %run_scoped3A = tpu.sem_alloc : memref<!tpu.dma_semaphore, #tpu.memory_space<semaphore_mem>>
              %dma_start3A_208 = arith.constant 0 : i32
              %dma_start3A_209 = tpu.memref_slice %arg22[%dma_start3A_208] : memref<10240xf32, #tpu.memory_space<vmem_shared>> -> memref<10240xf32, #tpu.memory_space<vmem_shared>>
              tpu.enqueue_indirect_dma source(%arg20 : memref<64xf32, #tpu.memory_space<vmem>>) target(%dma_start3A_209 : memref<10240xf32, #tpu.memory_space<vmem_shared>>) offsets(%arg8 : memref<64xi32, #tpu.memory_space<vmem>>) semaphore(%run_scoped3A : memref<!tpu.dma_semaphore, #tpu.memory_space<semaphore_mem>>) {add = true}
              %dma_wait3A_210 = arith.constant 0 : i32
              %dma_wait3A_211 = tpu.memref_slice %arg22[%dma_wait3A_210] : memref<10240xf32, #tpu.memory_space<vmem_shared>> -> memref<10240xf32, #tpu.memory_space<vmem_shared>>
              tpu.wait_indirect_dma semaphore(%run_scoped3A : memref<!tpu.dma_semaphore, #tpu.memory_space<semaphore_mem>>) src(%arg20 : memref<64xf32, #tpu.memory_space<vmem>>) dst(%dma_wait3A_211 : memref<10240xf32, #tpu.memory_space<vmem_shared>>)
              tpu.yield
            }) : () -> ()
          } else {
          }
        } else {
        }
        %dma_wait3A = arith.constant 0 : i32
        %dma_wait3A_146 = arith.constant 0 : i32
        %dma_wait3A_147 = tpu.memref_slice %arg2[%dma_wait3A, %dma_wait3A_146] : memref<10000x256xf32, #tpu.memory_space<hbm>> -> memref<10000x256xf32, #tpu.memory_space<hbm>>
        tpu.wait_indirect_dma semaphore(%arg25 : memref<!tpu.dma_semaphore, #tpu.memory_space<semaphore_mem>>) src(%dma_wait3A_147 : memref<10000x256xf32, #tpu.memory_space<hbm>>) dst(%arg16 : memref<64x256xf32, #tpu.memory_space<vmem>>)
        %dma_wait3A_148 = arith.constant 0 : i32
        %dma_wait3A_149 = arith.constant 0 : i32
        %dma_wait3A_150 = tpu.memref_slice %arg2[%dma_wait3A_148, %dma_wait3A_149] : memref<10000x256xf32, #tpu.memory_space<hbm>> -> memref<10000x256xf32, #tpu.memory_space<hbm>>
        tpu.wait_indirect_dma semaphore(%arg28 : memref<!tpu.dma_semaphore, #tpu.memory_space<semaphore_mem>>) src(%dma_wait3A_150 : memref<10000x256xf32, #tpu.memory_space<hbm>>) dst(%arg19 : memref<64x256xf32, #tpu.memory_space<vmem>>)
        %scan3A_151 = arith.constant 0 : i32
        %scan3A_152 = arith.constant 0 : i32
        %scan3A_153 = arith.constant 64 : i32
        %scan3A_154 = arith.addi %scan3A_152, %scan3A_153 : i32
        %scan3A_155 = arith.constant 1 : i32
        %scan3A_156 = scf.for %scan3A_169 = %scan3A_152 to %scan3A_154 step %scan3A_155 iter_args(%scan3A_170 = %scan3A_151) -> (i32)  : i32 {
          %get3A = arith.index_cast %scan3A_169 : i32 to index
          %get3A_171 = arith.constant 0 : index
          %get3A_172 = tpu.vector_load %arg16[%get3A, %get3A_171] {strides = array<i32>} : memref<64x256xf32, #tpu.memory_space<vmem>>, vector<1x16xf32>,
          %get3A_173 = vector.shape_cast %get3A_172 : vector<1x16xf32> to vector<16xf32>
          %get3A_174 = arith.index_cast %scan3A_169 : i32 to index
          %get3A_175 = arith.constant 0 : index
          %get3A_176 = tpu.vector_load %arg19[%get3A_174, %get3A_175] {strides = array<i32>} : memref<64x256xf32, #tpu.memory_space<vmem>>, vector<1x16xf32>,
          %get3A_177 = vector.shape_cast %get3A_176 : vector<1x16xf32> to vector<16xf32>
          %add3A_178 = arith.addf %get3A_173, %get3A_177 : vector<16xf32>
          %swap3A = arith.index_cast %scan3A_169 : i32 to index
          %swap3A_179 = arith.constant 0 : index
          %swap3A_180 = tpu.vector_load %arg16[%swap3A, %swap3A_179] {strides = array<i32>} : memref<64x256xf32, #tpu.memory_space<vmem>>, vector<1x16xf32>,
          %swap3A_181 = vector.shape_cast %swap3A_180 : vector<1x16xf32> to vector<16xf32>
          %swap3A_182 = vector.shape_cast %add3A_178 : vector<16xf32> to vector<1x16xf32>
          tpu.vector_store %arg16[%swap3A, %swap3A_179], %swap3A_182 {strides = array<i32>} : memref<64x256xf32, #tpu.memory_space<vmem>>, vector<1x16xf32>,
          %get3A_183 = arith.index_cast %scan3A_169 : i32 to index
          %get3A_184 = arith.constant 16 : index
          %get3A_185 = tpu.vector_load %arg16[%get3A_183, %get3A_184] {strides = array<i32>} : memref<64x256xf32, #tpu.memory_space<vmem>>, vector<1x16xf32>,
          %get3A_186 = vector.shape_cast %get3A_185 : vector<1x16xf32> to vector<16xf32>
          %get3A_187 = arith.index_cast %scan3A_169 : i32 to index
          %get3A_188 = arith.constant 16 : index
          %get3A_189 = tpu.vector_load %arg19[%get3A_187, %get3A_188] {strides = array<i32>} : memref<64x256xf32, #tpu.memory_space<vmem>>, vector<1x16xf32>,
          %get3A_190 = vector.shape_cast %get3A_189 : vector<1x16xf32> to vector<16xf32>
          %add3A_191 = arith.addf %get3A_186, %get3A_190 : vector<16xf32>
          %swap3A_192 = arith.index_cast %scan3A_169 : i32 to index
          %swap3A_193 = arith.constant 16 : index
          %swap3A_194 = tpu.vector_load %arg16[%swap3A_192, %swap3A_193] {strides = array<i32>} : memref<64x256xf32, #tpu.memory_space<vmem>>, vector<1x16xf32>,
          %swap3A_195 = vector.shape_cast %swap3A_194 : vector<1x16xf32> to vector<16xf32>
          %swap3A_196 = vector.shape_cast %add3A_191 : vector<16xf32> to vector<1x16xf32>
          tpu.vector_store %arg16[%swap3A_192, %swap3A_193], %swap3A_196 {strides = array<i32>} : memref<64x256xf32, #tpu.memory_space<vmem>>, vector<1x16xf32>,
          %get3A_197 = arith.index_cast %scan3A_169 : i32 to index
          %get3A_198 = arith.constant 32 : index
          %get3A_199 = tpu.vector_load %arg16[%get3A_197, %get3A_198] {strides = array<i32>} : memref<64x256xf32, #tpu.memory_space<vmem>>, vector<1x16xf32>,
          %get3A_200 = vector.shape_cast %get3A_199 : vector<1x16xf32> to vector<16xf32>
          %get3A_201 = arith.index_cast %scan3A_169 : i32 to index
          %get3A_202 = arith.constant 32 : index
          %get3A_203 = tpu.vector_load %arg19[%get3A_201, %get3A_202] {strides = array<i32>} : memref<64x256xf32, #tpu.memory_space<vmem>>, vector<1x16xf32>,
          %get3A_204 = vector.shape_cast %get3A_203 : vector<1x16xf32> to vector<16xf32>
          %add3A_205 = arith.addf %get3A_200, %get3A_204 : vector<16xf32>
          %swap3A_206 = arith.index_cast %scan3A_169 : i32 to index
          %swap3A_207 = arith.constant 32 : index
          %swap3A_208 = tpu.vector_load %arg16[%swap3A_206, %swap3A_207] {strides = array<i32>} : memref<64x256xf32, #tpu.memory_space<vmem>>, vector<1x16xf32>,
          %swap3A_209 = vector.shape_cast %swap3A_208 : vector<1x16xf32> to vector<16xf32>
          %swap3A_210 = vector.shape_cast %add3A_205 : vector<16xf32> to vector<1x16xf32>
          tpu.vector_store %arg16[%swap3A_206, %swap3A_207], %swap3A_210 {strides = array<i32>} : memref<64x256xf32, #tpu.memory_space<vmem>>, vector<1x16xf32>,
          %get3A_211 = arith.index_cast %scan3A_169 : i32 to index
          %get3A_212 = arith.constant 48 : index
          %get3A_213 = tpu.vector_load %arg16[%get3A_211, %get3A_212] {strides = array<i32>} : memref<64x256xf32, #tpu.memory_space<vmem>>, vector<1x16xf32>,
          %get3A_214 = vector.shape_cast %get3A_213 : vector<1x16xf32> to vector<16xf32>
          %get3A_215 = arith.index_cast %scan3A_169 : i32 to index
          %get3A_216 = arith.constant 48 : index
          %get3A_217 = tpu.vector_load %arg19[%get3A_215, %get3A_216] {strides = array<i32>} : memref<64x256xf32, #tpu.memory_space<vmem>>, vector<1x16xf32>,
          %get3A_218 = vector.shape_cast %get3A_217 : vector<1x16xf32> to vector<16xf32>
          %add3A_219 = arith.addf %get3A_214, %get3A_218 : vector<16xf32>
          %swap3A_220 = arith.index_cast %scan3A_169 : i32 to index
          %swap3A_221 = arith.constant 48 : index
          %swap3A_222 = tpu.vector_load %arg16[%swap3A_220, %swap3A_221] {strides = array<i32>} : memref<64x256xf32, #tpu.memory_space<vmem>>, vector<1x16xf32>,
          %swap3A_223 = vector.shape_cast %swap3A_222 : vector<1x16xf32> to vector<16xf32>
          %swap3A_224 = vector.shape_cast %add3A_219 : vector<16xf32> to vector<1x16xf32>
          tpu.vector_store %arg16[%swap3A_220, %swap3A_221], %swap3A_224 {strides = array<i32>} : memref<64x256xf32, #tpu.memory_space<vmem>>, vector<1x16xf32>,
          %get3A_225 = arith.index_cast %scan3A_169 : i32 to index
          %get3A_226 = arith.constant 64 : index
          %get3A_227 = tpu.vector_load %arg16[%get3A_225, %get3A_226] {strides = array<i32>} : memref<64x256xf32, #tpu.memory_space<vmem>>, vector<1x16xf32>,
          %get3A_228 = vector.shape_cast %get3A_227 : vector<1x16xf32> to vector<16xf32>
          %get3A_229 = arith.index_cast %scan3A_169 : i32 to index
          %get3A_230 = arith.constant 64 : index
          %get3A_231 = tpu.vector_load %arg19[%get3A_229, %get3A_230] {strides = array<i32>} : memref<64x256xf32, #tpu.memory_space<vmem>>, vector<1x16xf32>,
          %get3A_232 = vector.shape_cast %get3A_231 : vector<1x16xf32> to vector<16xf32>
          %add3A_233 = arith.addf %get3A_228, %get3A_232 : vector<16xf32>
          %swap3A_234 = arith.index_cast %scan3A_169 : i32 to index
          %swap3A_235 = arith.constant 64 : index
          %swap3A_236 = tpu.vector_load %arg16[%swap3A_234, %swap3A_235] {strides = array<i32>} : memref<64x256xf32, #tpu.memory_space<vmem>>, vector<1x16xf32>,
          %swap3A_237 = vector.shape_cast %swap3A_236 : vector<1x16xf32> to vector<16xf32>
          %swap3A_238 = vector.shape_cast %add3A_233 : vector<16xf32> to vector<1x16xf32>
          tpu.vector_store %arg16[%swap3A_234, %swap3A_235], %swap3A_238 {strides = array<i32>} : memref<64x256xf32, #tpu.memory_space<vmem>>, vector<1x16xf32>,
          %get3A_239 = arith.index_cast %scan3A_169 : i32 to index
          %get3A_240 = arith.constant 80 : index
          %get3A_241 = tpu.vector_load %arg16[%get3A_239, %get3A_240] {strides = array<i32>} : memref<64x256xf32, #tpu.memory_space<vmem>>, vector<1x16xf32>,
          %get3A_242 = vector.shape_cast %get3A_241 : vector<1x16xf32> to vector<16xf32>
          %get3A_243 = arith.index_cast %scan3A_169 : i32 to index
          %get3A_244 = arith.constant 80 : index
          %get3A_245 = tpu.vector_load %arg19[%get3A_243, %get3A_244] {strides = array<i32>} : memref<64x256xf32, #tpu.memory_space<vmem>>, vector<1x16xf32>,
          %get3A_246 = vector.shape_cast %get3A_245 : vector<1x16xf32> to vector<16xf32>
          %add3A_247 = arith.addf %get3A_242, %get3A_246 : vector<16xf32>
          %swap3A_248 = arith.index_cast %scan3A_169 : i32 to index
          %swap3A_249 = arith.constant 80 : index
          %swap3A_250 = tpu.vector_load %arg16[%swap3A_248, %swap3A_249] {strides = array<i32>} : memref<64x256xf32, #tpu.memory_space<vmem>>, vector<1x16xf32>,
          %swap3A_251 = vector.shape_cast %swap3A_250 : vector<1x16xf32> to vector<16xf32>
          %swap3A_252 = vector.shape_cast %add3A_247 : vector<16xf32> to vector<1x16xf32>
          tpu.vector_store %arg16[%swap3A_248, %swap3A_249], %swap3A_252 {strides = array<i32>} : memref<64x256xf32, #tpu.memory_space<vmem>>, vector<1x16xf32>,
          %get3A_253 = arith.index_cast %scan3A_169 : i32 to index
          %get3A_254 = arith.constant 96 : index
          %get3A_255 = tpu.vector_load %arg16[%get3A_253, %get3A_254] {strides = array<i32>} : memref<64x256xf32, #tpu.memory_space<vmem>>, vector<1x16xf32>,
          %get3A_256 = vector.shape_cast %get3A_255 : vector<1x16xf32> to vector<16xf32>
          %get3A_257 = arith.index_cast %scan3A_169 : i32 to index
          %get3A_258 = arith.constant 96 : index
          %get3A_259 = tpu.vector_load %arg19[%get3A_257, %get3A_258] {strides = array<i32>} : memref<64x256xf32, #tpu.memory_space<vmem>>, vector<1x16xf32>,
          %get3A_260 = vector.shape_cast %get3A_259 : vector<1x16xf32> to vector<16xf32>
          %add3A_261 = arith.addf %get3A_256, %get3A_260 : vector<16xf32>
          %swap3A_262 = arith.index_cast %scan3A_169 : i32 to index
          %swap3A_263 = arith.constant 96 : index
          %swap3A_264 = tpu.vector_load %arg16[%swap3A_262, %swap3A_263] {strides = array<i32>} : memref<64x256xf32, #tpu.memory_space<vmem>>, vector<1x16xf32>,
          %swap3A_265 = vector.shape_cast %swap3A_264 : vector<1x16xf32> to vector<16xf32>
          %swap3A_266 = vector.shape_cast %add3A_261 : vector<16xf32> to vector<1x16xf32>
          tpu.vector_store %arg16[%swap3A_262, %swap3A_263], %swap3A_266 {strides = array<i32>} : memref<64x256xf32, #tpu.memory_space<vmem>>, vector<1x16xf32>,
          %get3A_267 = arith.index_cast %scan3A_169 : i32 to index
          %get3A_268 = arith.constant 112 : index
          %get3A_269 = tpu.vector_load %arg16[%get3A_267, %get3A_268] {strides = array<i32>} : memref<64x256xf32, #tpu.memory_space<vmem>>, vector<1x16xf32>,
          %get3A_270 = vector.shape_cast %get3A_269 : vector<1x16xf32> to vector<16xf32>
          %get3A_271 = arith.index_cast %scan3A_169 : i32 to index
          %get3A_272 = arith.constant 112 : index
          %get3A_273 = tpu.vector_load %arg19[%get3A_271, %get3A_272] {strides = array<i32>} : memref<64x256xf32, #tpu.memory_space<vmem>>, vector<1x16xf32>,
          %get3A_274 = vector.shape_cast %get3A_273 : vector<1x16xf32> to vector<16xf32>
          %add3A_275 = arith.addf %get3A_270, %get3A_274 : vector<16xf32>
          %swap3A_276 = arith.index_cast %scan3A_169 : i32 to index
          %swap3A_277 = arith.constant 112 : index
          %swap3A_278 = tpu.vector_load %arg16[%swap3A_276, %swap3A_277] {strides = array<i32>} : memref<64x256xf32, #tpu.memory_space<vmem>>, vector<1x16xf32>,
          %swap3A_279 = vector.shape_cast %swap3A_278 : vector<1x16xf32> to vector<16xf32>
          %swap3A_280 = vector.shape_cast %add3A_275 : vector<16xf32> to vector<1x16xf32>
          tpu.vector_store %arg16[%swap3A_276, %swap3A_277], %swap3A_280 {strides = array<i32>} : memref<64x256xf32, #tpu.memory_space<vmem>>, vector<1x16xf32>,
          %get3A_281 = arith.index_cast %scan3A_169 : i32 to index
          %get3A_282 = arith.constant 128 : index
          %get3A_283 = tpu.vector_load %arg16[%get3A_281, %get3A_282] {strides = array<i32>} : memref<64x256xf32, #tpu.memory_space<vmem>>, vector<1x16xf32>,
          %get3A_284 = vector.shape_cast %get3A_283 : vector<1x16xf32> to vector<16xf32>
          %get3A_285 = arith.index_cast %scan3A_169 : i32 to index
          %get3A_286 = arith.constant 128 : index
          %get3A_287 = tpu.vector_load %arg19[%get3A_285, %get3A_286] {strides = array<i32>} : memref<64x256xf32, #tpu.memory_space<vmem>>, vector<1x16xf32>,
          %get3A_288 = vector.shape_cast %get3A_287 : vector<1x16xf32> to vector<16xf32>
          %add3A_289 = arith.addf %get3A_284, %get3A_288 : vector<16xf32>
          %swap3A_290 = arith.index_cast %scan3A_169 : i32 to index
          %swap3A_291 = arith.constant 128 : index
          %swap3A_292 = tpu.vector_load %arg16[%swap3A_290, %swap3A_291] {strides = array<i32>} : memref<64x256xf32, #tpu.memory_space<vmem>>, vector<1x16xf32>,
          %swap3A_293 = vector.shape_cast %swap3A_292 : vector<1x16xf32> to vector<16xf32>
          %swap3A_294 = vector.shape_cast %add3A_289 : vector<16xf32> to vector<1x16xf32>
          tpu.vector_store %arg16[%swap3A_290, %swap3A_291], %swap3A_294 {strides = array<i32>} : memref<64x256xf32, #tpu.memory_space<vmem>>, vector<1x16xf32>,
          %get3A_295 = arith.index_cast %scan3A_169 : i32 to index
          %get3A_296 = arith.constant 144 : index
          %get3A_297 = tpu.vector_load %arg16[%get3A_295, %get3A_296] {strides = array<i32>} : memref<64x256xf32, #tpu.memory_space<vmem>>, vector<1x16xf32>,
          %get3A_298 = vector.shape_cast %get3A_297 : vector<1x16xf32> to vector<16xf32>
          %get3A_299 = arith.index_cast %scan3A_169 : i32 to index
          %get3A_300 = arith.constant 144 : index
          %get3A_301 = tpu.vector_load %arg19[%get3A_299, %get3A_300] {strides = array<i32>} : memref<64x256xf32, #tpu.memory_space<vmem>>, vector<1x16xf32>,
          %get3A_302 = vector.shape_cast %get3A_301 : vector<1x16xf32> to vector<16xf32>
          %add3A_303 = arith.addf %get3A_298, %get3A_302 : vector<16xf32>
          %swap3A_304 = arith.index_cast %scan3A_169 : i32 to index
          %swap3A_305 = arith.constant 144 : index
          %swap3A_306 = tpu.vector_load %arg16[%swap3A_304, %swap3A_305] {strides = array<i32>} : memref<64x256xf32, #tpu.memory_space<vmem>>, vector<1x16xf32>,
          %swap3A_307 = vector.shape_cast %swap3A_306 : vector<1x16xf32> to vector<16xf32>
          %swap3A_308 = vector.shape_cast %add3A_303 : vector<16xf32> to vector<1x16xf32>
          tpu.vector_store %arg16[%swap3A_304, %swap3A_305], %swap3A_308 {strides = array<i32>} : memref<64x256xf32, #tpu.memory_space<vmem>>, vector<1x16xf32>,
          %get3A_309 = arith.index_cast %scan3A_169 : i32 to index
          %get3A_310 = arith.constant 160 : index
          %get3A_311 = tpu.vector_load %arg16[%get3A_309, %get3A_310] {strides = array<i32>} : memref<64x256xf32, #tpu.memory_space<vmem>>, vector<1x16xf32>,
          %get3A_312 = vector.shape_cast %get3A_311 : vector<1x16xf32> to vector<16xf32>
          %get3A_313 = arith.index_cast %scan3A_169 : i32 to index
          %get3A_314 = arith.constant 160 : index
          %get3A_315 = tpu.vector_load %arg19[%get3A_313, %get3A_314] {strides = array<i32>} : memref<64x256xf32, #tpu.memory_space<vmem>>, vector<1x16xf32>,
          %get3A_316 = vector.shape_cast %get3A_315 : vector<1x16xf32> to vector<16xf32>
          %add3A_317 = arith.addf %get3A_312, %get3A_316 : vector<16xf32>
          %swap3A_318 = arith.index_cast %scan3A_169 : i32 to index
          %swap3A_319 = arith.constant 160 : index
          %swap3A_320 = tpu.vector_load %arg16[%swap3A_318, %swap3A_319] {strides = array<i32>} : memref<64x256xf32, #tpu.memory_space<vmem>>, vector<1x16xf32>,
          %swap3A_321 = vector.shape_cast %swap3A_320 : vector<1x16xf32> to vector<16xf32>
          %swap3A_322 = vector.shape_cast %add3A_317 : vector<16xf32> to vector<1x16xf32>
          tpu.vector_store %arg16[%swap3A_318, %swap3A_319], %swap3A_322 {strides = array<i32>} : memref<64x256xf32, #tpu.memory_space<vmem>>, vector<1x16xf32>,
          %get3A_323 = arith.index_cast %scan3A_169 : i32 to index
          %get3A_324 = arith.constant 176 : index
          %get3A_325 = tpu.vector_load %arg16[%get3A_323, %get3A_324] {strides = array<i32>} : memref<64x256xf32, #tpu.memory_space<vmem>>, vector<1x16xf32>,
          %get3A_326 = vector.shape_cast %get3A_325 : vector<1x16xf32> to vector<16xf32>
          %get3A_327 = arith.index_cast %scan3A_169 : i32 to index
          %get3A_328 = arith.constant 176 : index
          %get3A_329 = tpu.vector_load %arg19[%get3A_327, %get3A_328] {strides = array<i32>} : memref<64x256xf32, #tpu.memory_space<vmem>>, vector<1x16xf32>,
          %get3A_330 = vector.shape_cast %get3A_329 : vector<1x16xf32> to vector<16xf32>
          %add3A_331 = arith.addf %get3A_326, %get3A_330 : vector<16xf32>
          %swap3A_332 = arith.index_cast %scan3A_169 : i32 to index
          %swap3A_333 = arith.constant 176 : index
          %swap3A_334 = tpu.vector_load %arg16[%swap3A_332, %swap3A_333] {strides = array<i32>} : memref<64x256xf32, #tpu.memory_space<vmem>>, vector<1x16xf32>,
          %swap3A_335 = vector.shape_cast %swap3A_334 : vector<1x16xf32> to vector<16xf32>
          %swap3A_336 = vector.shape_cast %add3A_331 : vector<16xf32> to vector<1x16xf32>
          tpu.vector_store %arg16[%swap3A_332, %swap3A_333], %swap3A_336 {strides = array<i32>} : memref<64x256xf32, #tpu.memory_space<vmem>>, vector<1x16xf32>,
          %get3A_337 = arith.index_cast %scan3A_169 : i32 to index
          %get3A_338 = arith.constant 192 : index
          %get3A_339 = tpu.vector_load %arg16[%get3A_337, %get3A_338] {strides = array<i32>} : memref<64x256xf32, #tpu.memory_space<vmem>>, vector<1x16xf32>,
          %get3A_340 = vector.shape_cast %get3A_339 : vector<1x16xf32> to vector<16xf32>
          %get3A_341 = arith.index_cast %scan3A_169 : i32 to index
          %get3A_342 = arith.constant 192 : index
          %get3A_343 = tpu.vector_load %arg19[%get3A_341, %get3A_342] {strides = array<i32>} : memref<64x256xf32, #tpu.memory_space<vmem>>, vector<1x16xf32>,
          %get3A_344 = vector.shape_cast %get3A_343 : vector<1x16xf32> to vector<16xf32>
          %add3A_345 = arith.addf %get3A_340, %get3A_344 : vector<16xf32>
          %swap3A_346 = arith.index_cast %scan3A_169 : i32 to index
          %swap3A_347 = arith.constant 192 : index
          %swap3A_348 = tpu.vector_load %arg16[%swap3A_346, %swap3A_347] {strides = array<i32>} : memref<64x256xf32, #tpu.memory_space<vmem>>, vector<1x16xf32>,
          %swap3A_349 = vector.shape_cast %swap3A_348 : vector<1x16xf32> to vector<16xf32>
          %swap3A_350 = vector.shape_cast %add3A_345 : vector<16xf32> to vector<1x16xf32>
          tpu.vector_store %arg16[%swap3A_346, %swap3A_347], %swap3A_350 {strides = array<i32>} : memref<64x256xf32, #tpu.memory_space<vmem>>, vector<1x16xf32>,
          %get3A_351 = arith.index_cast %scan3A_169 : i32 to index
          %get3A_352 = arith.constant 208 : index
          %get3A_353 = tpu.vector_load %arg16[%get3A_351, %get3A_352] {strides = array<i32>} : memref<64x256xf32, #tpu.memory_space<vmem>>, vector<1x16xf32>,
          %get3A_354 = vector.shape_cast %get3A_353 : vector<1x16xf32> to vector<16xf32>
          %get3A_355 = arith.index_cast %scan3A_169 : i32 to index
          %get3A_356 = arith.constant 208 : index
          %get3A_357 = tpu.vector_load %arg19[%get3A_355, %get3A_356] {strides = array<i32>} : memref<64x256xf32, #tpu.memory_space<vmem>>, vector<1x16xf32>,
          %get3A_358 = vector.shape_cast %get3A_357 : vector<1x16xf32> to vector<16xf32>
          %add3A_359 = arith.addf %get3A_354, %get3A_358 : vector<16xf32>
          %swap3A_360 = arith.index_cast %scan3A_169 : i32 to index
          %swap3A_361 = arith.constant 208 : index
          %swap3A_362 = tpu.vector_load %arg16[%swap3A_360, %swap3A_361] {strides = array<i32>} : memref<64x256xf32, #tpu.memory_space<vmem>>, vector<1x16xf32>,
          %swap3A_363 = vector.shape_cast %swap3A_362 : vector<1x16xf32> to vector<16xf32>
          %swap3A_364 = vector.shape_cast %add3A_359 : vector<16xf32> to vector<1x16xf32>
          tpu.vector_store %arg16[%swap3A_360, %swap3A_361], %swap3A_364 {strides = array<i32>} : memref<64x256xf32, #tpu.memory_space<vmem>>, vector<1x16xf32>,
          %get3A_365 = arith.index_cast %scan3A_169 : i32 to index
          %get3A_366 = arith.constant 224 : index
          %get3A_367 = tpu.vector_load %arg16[%get3A_365, %get3A_366] {strides = array<i32>} : memref<64x256xf32, #tpu.memory_space<vmem>>, vector<1x16xf32>,
          %get3A_368 = vector.shape_cast %get3A_367 : vector<1x16xf32> to vector<16xf32>
          %get3A_369 = arith.index_cast %scan3A_169 : i32 to index
          %get3A_370 = arith.constant 224 : index
          %get3A_371 = tpu.vector_load %arg19[%get3A_369, %get3A_370] {strides = array<i32>} : memref<64x256xf32, #tpu.memory_space<vmem>>, vector<1x16xf32>,
          %get3A_372 = vector.shape_cast %get3A_371 : vector<1x16xf32> to vector<16xf32>
          %add3A_373 = arith.addf %get3A_368, %get3A_372 : vector<16xf32>
          %swap3A_374 = arith.index_cast %scan3A_169 : i32 to index
          %swap3A_375 = arith.constant 224 : index
          %swap3A_376 = tpu.vector_load %arg16[%swap3A_374, %swap3A_375] {strides = array<i32>} : memref<64x256xf32, #tpu.memory_space<vmem>>, vector<1x16xf32>,
          %swap3A_377 = vector.shape_cast %swap3A_376 : vector<1x16xf32> to vector<16xf32>
          %swap3A_378 = vector.shape_cast %add3A_373 : vector<16xf32> to vector<1x16xf32>
          tpu.vector_store %arg16[%swap3A_374, %swap3A_375], %swap3A_378 {strides = array<i32>} : memref<64x256xf32, #tpu.memory_space<vmem>>, vector<1x16xf32>,
          %get3A_379 = arith.index_cast %scan3A_169 : i32 to index
          %get3A_380 = arith.constant 240 : index
          %get3A_381 = tpu.vector_load %arg16[%get3A_379, %get3A_380] {strides = array<i32>} : memref<64x256xf32, #tpu.memory_space<vmem>>, vector<1x16xf32>,
          %get3A_382 = vector.shape_cast %get3A_381 : vector<1x16xf32> to vector<16xf32>
          %get3A_383 = arith.index_cast %scan3A_169 : i32 to index
          %get3A_384 = arith.constant 240 : index
          %get3A_385 = tpu.vector_load %arg19[%get3A_383, %get3A_384] {strides = array<i32>} : memref<64x256xf32, #tpu.memory_space<vmem>>, vector<1x16xf32>,
          %get3A_386 = vector.shape_cast %get3A_385 : vector<1x16xf32> to vector<16xf32>
          %add3A_387 = arith.addf %get3A_382, %get3A_386 : vector<16xf32>
          %swap3A_388 = arith.index_cast %scan3A_169 : i32 to index
          %swap3A_389 = arith.constant 240 : index
          %swap3A_390 = tpu.vector_load %arg16[%swap3A_388, %swap3A_389] {strides = array<i32>} : memref<64x256xf32, #tpu.memory_space<vmem>>, vector<1x16xf32>,
          %swap3A_391 = vector.shape_cast %swap3A_390 : vector<1x16xf32> to vector<16xf32>
          %swap3A_392 = vector.shape_cast %add3A_387 : vector<16xf32> to vector<1x16xf32>
          tpu.vector_store %arg16[%swap3A_388, %swap3A_389], %swap3A_392 {strides = array<i32>} : memref<64x256xf32, #tpu.memory_space<vmem>>, vector<1x16xf32>,
          %scan3A_393 = arith.constant 0 : i32
          scf.yield %scan3A_393 : i32
        }
        %scan3A_157 = arith.constant 64 : i32
        %sub3A_158 = arith.constant 3 : i32
        %sub3A_159 = arith.subi %select_n3A, %sub3A_158 : i32
        %lt3A_160 = arith.cmpi slt, %add3A_134, %sub3A_159 : i32
        %convert_element_type3A_161 = arith.extui %lt3A_160 : i1 to i32
        %cond3A_162 = arith.constant 0 : i32
        %cond3A_163 = arith.cmpi ne, %convert_element_type3A_161, %cond3A_162 : i32
        scf.if %cond3A_163 {
          %mul3A_169 = arith.constant 32 : i32
          %mul3A_170 = arith.muli %add3A_134, %mul3A_169 : i32
          %add3A_171 = arith.addi %add3A, %mul3A_170 : i32
          %mul3A_172 = arith.constant 64 : i32
          %mul3A_173 = arith.muli %add3A_171, %mul3A_172 : i32
          %dma_start3A_174 = arith.constant 0 : i32
          %dma_start3A_175 = tpu.memref_slice %arg5[%mul3A_173, %dma_start3A_174] : memref<80000x256xf32, #tpu.memory_space<hbm>> -> memref<64x256xf32, #tpu.memory_space<hbm>>
          %dma_start3A_176 = arith.constant 0 : i32
          %dma_start3A_177 = tpu.memref_slice %arg5[%mul3A_173, %dma_start3A_176] : memref<80000x256xf32, #tpu.memory_space<hbm>> -> memref<64x256xf32, #tpu.memory_space<hbm>>
          tpu.enqueue_dma source(%arg16 : memref<64x256xf32, #tpu.memory_space<vmem>>) target(%dma_start3A_177 : memref<64x256xf32, #tpu.memory_space<hbm>>) target_semaphore(%arg31 : memref<!tpu.dma_semaphore, #tpu.memory_space<semaphore_mem>>)
        } else {
        }
        %sub3A_164 = arith.constant 3 : i32
        %sub3A_165 = arith.subi %select_n3A, %sub3A_164 : i32
        %ge3A = arith.cmpi sge, %add3A_134, %sub3A_165 : i32
        %convert_element_type3A_166 = arith.extui %ge3A : i1 to i32
        %cond3A_167 = arith.constant 0 : i32
        %cond3A_168 = arith.cmpi ne, %convert_element_type3A_166, %cond3A_167 : i32
        scf.if %cond3A_168 {
          %mul3A_169 = arith.constant 32 : i32
          %mul3A_170 = arith.muli %add3A_134, %mul3A_169 : i32
          %add3A_171 = arith.addi %add3A, %mul3A_170 : i32
          %mul3A_172 = arith.constant 64 : i32
          %mul3A_173 = arith.muli %add3A_171, %mul3A_172 : i32
          "tpu.region"() ({
            %run_scoped3A = tpu.sem_alloc : memref<!tpu.dma_semaphore, #tpu.memory_space<semaphore_mem>>
            %dma_start3A_174 = arith.constant 0 : i32
            %dma_start3A_175 = tpu.memref_slice %arg5[%mul3A_173, %dma_start3A_174] : memref<80000x256xf32, #tpu.memory_space<hbm>> -> memref<64x256xf32, #tpu.memory_space<hbm>>
            %dma_start3A_176 = arith.constant 0 : i32
            %dma_start3A_177 = tpu.memref_slice %arg5[%mul3A_173, %dma_start3A_176] : memref<80000x256xf32, #tpu.memory_space<hbm>> -> memref<64x256xf32, #tpu.memory_space<hbm>>
            tpu.enqueue_dma source(%arg16 : memref<64x256xf32, #tpu.memory_space<vmem>>) target(%dma_start3A_177 : memref<64x256xf32, #tpu.memory_space<hbm>>) target_semaphore(%run_scoped3A : memref<!tpu.dma_semaphore, #tpu.memory_space<semaphore_mem>>)
            %dma_wait3A_178 = arith.constant 0 : i32
            %dma_wait3A_179 = tpu.memref_slice %arg5[%mul3A_173, %dma_wait3A_178] : memref<80000x256xf32, #tpu.memory_space<hbm>> -> memref<64x256xf32, #tpu.memory_space<hbm>>
            %dma_wait3A_180 = arith.constant 0 : i32
            %dma_wait3A_181 = tpu.memref_slice %arg5[%mul3A_173, %dma_wait3A_180] : memref<80000x256xf32, #tpu.memory_space<hbm>> -> memref<64x256xf32, #tpu.memory_space<hbm>>
            tpu.wait_dma2 semaphore(%run_scoped3A : memref<!tpu.dma_semaphore, #tpu.memory_space<semaphore_mem>>) src(%arg16 : memref<64x256xf32, #tpu.memory_space<vmem>>) dst(%dma_wait3A_181 : memref<64x256xf32, #tpu.memory_space<hbm>>)
            tpu.yield
          }) : () -> ()
        } else {
        }
      } else {
      }
      %while3A_139 = arith.constant 0 : i32
      scf.yield %while3A_139 : i32
    }
    %while3A_98 = arith.constant 1 : i32
    %while3A_99 = scf.for %while3A_116 = %while3A_95 to %while3A_91 step %while3A_98 iter_args(%while3A_117 = %while3A_97) -> (i32)  : i32 {
      %mul3A_118 = arith.constant 3 : i32
      %mul3A_119 = arith.muli %mul3A_118, %while3A_116 : i32
      %lt3A = arith.cmpi slt, %mul3A_119, %select_n3A : i32
      %convert_element_type3A_120 = arith.extui %lt3A : i1 to i32
      %cond3A_121 = arith.constant 0 : i32
      %cond3A_122 = arith.cmpi ne, %convert_element_type3A_120, %cond3A_121 : i32
      scf.if %cond3A_122 {
        %add3A_140 = arith.constant 1 : i32
        %add3A_141 = arith.addi %mul3A_119, %add3A_140 : i32
        %lt3A_142 = arith.cmpi slt, %add3A_141, %select_n3A : i32
        %convert_element_type3A_143 = arith.extui %lt3A_142 : i1 to i32
        %cond3A_144 = arith.constant 0 : i32
        %cond3A_145 = arith.cmpi ne, %convert_element_type3A_143, %cond3A_144 : i32
        scf.if %cond3A_145 {
          %ge3A_169 = arith.constant 2 : i32
          %ge3A_170 = arith.cmpi sge, %mul3A_119, %ge3A_169 : i32
          %convert_element_type3A_171 = arith.extui %ge3A_170 : i1 to i32
          %cond3A_172 = arith.constant 0 : i32
          %cond3A_173 = arith.cmpi ne, %convert_element_type3A_171, %cond3A_172 : i32
          scf.if %cond3A_173 {
            %dma_wait3A_208 = arith.constant 0 : i32
            %dma_wait3A_209 = arith.constant 0 : i32
            %dma_wait3A_210 = tpu.memref_slice %arg5[%dma_wait3A_208, %dma_wait3A_209] : memref<80000x256xf32, #tpu.memory_space<hbm>> -> memref<64x256xf32, #tpu.memory_space<hbm>>
            %dma_wait3A_211 = arith.constant 0 : i32
            %dma_wait3A_212 = arith.constant 0 : i32
            %dma_wait3A_213 = tpu.memref_slice %arg5[%dma_wait3A_211, %dma_wait3A_212] : memref<80000x256xf32, #tpu.memory_space<hbm>> -> memref<64x256xf32, #tpu.memory_space<hbm>>
            tpu.wait_dma2 semaphore(%arg30 : memref<!tpu.dma_semaphore, #tpu.memory_space<semaphore_mem>>) src(%arg15 : memref<64x256xf32, #tpu.memory_space<vmem>>) dst(%dma_wait3A_213 : memref<64x256xf32, #tpu.memory_space<hbm>>)
            %dma_wait3A_214 = arith.constant 0 : i32
            %dma_wait3A_215 = tpu.memref_slice %arg6[%dma_wait3A_214] : memref<10240xf32, #tpu.memory_space<hbm>> -> memref<64xf32, #tpu.memory_space<hbm>>
            %dma_wait3A_216 = arith.constant 0 : i32
            %dma_wait3A_217 = tpu.memref_slice %arg6[%dma_wait3A_216] : memref<10240xf32, #tpu.memory_space<hbm>> -> memref<64xf32, #tpu.memory_space<hbm>>
            tpu.wait_dma2 semaphore(%arg33 : memref<!tpu.dma_semaphore, #tpu.memory_space<semaphore_mem>>) src(%dma_wait3A_217 : memref<64xf32, #tpu.memory_space<hbm>>) dst(%arg20 : memref<64xf32, #tpu.memory_space<vmem>>)
          } else {
          }
          %add3A_174 = arith.constant 1 : i32
          %add3A_175 = arith.addi %mul3A_119, %add3A_174 : i32
          %add3A_176 = arith.constant 0 : i32
          %add3A_177 = arith.addi %add3A_176, %add3A : i32
          %mul3A_178 = arith.constant 32 : i32
          %mul3A_179 = arith.muli %add3A_175, %mul3A_178 : i32
          %add3A_180 = arith.addi %add3A_177, %mul3A_179 : i32
          %mul3A_181 = arith.constant 64 : i32
          %mul3A_182 = arith.muli %add3A_180, %mul3A_181 : i32
          "tpu.region"() ({
            %run_scoped3A = tpu.sem_alloc : memref<!tpu.dma_semaphore, #tpu.memory_space<semaphore_mem>>
            %dma_start3A_208 = tpu.memref_slice %arg3[%mul3A_182] : memref<160000xi32, #tpu.memory_space<hbm>> -> memref<64xi32, #tpu.memory_space<hbm>>
            %dma_start3A_209 = tpu.memref_slice %arg3[%mul3A_182] : memref<160000xi32, #tpu.memory_space<hbm>> -> memref<64xi32, #tpu.memory_space<hbm>>
            tpu.enqueue_dma source(%dma_start3A_209 : memref<64xi32, #tpu.memory_space<hbm>>) target(%arg9 : memref<64xi32, #tpu.memory_space<vmem>>) target_semaphore(%run_scoped3A : memref<!tpu.dma_semaphore, #tpu.memory_space<semaphore_mem>>)
            %dma_wait3A_210 = tpu.memref_slice %arg3[%mul3A_182] : memref<160000xi32, #tpu.memory_space<hbm>> -> memref<64xi32, #tpu.memory_space<hbm>>
            %dma_wait3A_211 = tpu.memref_slice %arg3[%mul3A_182] : memref<160000xi32, #tpu.memory_space<hbm>> -> memref<64xi32, #tpu.memory_space<hbm>>
            tpu.wait_dma2 semaphore(%run_scoped3A : memref<!tpu.dma_semaphore, #tpu.memory_space<semaphore_mem>>) src(%dma_wait3A_211 : memref<64xi32, #tpu.memory_space<hbm>>) dst(%arg9 : memref<64xi32, #tpu.memory_space<vmem>>)
            tpu.yield
          }) : () -> ()
          %add3A_183 = arith.constant 0 : i32
          %add3A_184 = arith.addi %add3A_183, %add3A : i32
          %mul3A_185 = arith.constant 32 : i32
          %mul3A_186 = arith.muli %add3A_175, %mul3A_185 : i32
          %add3A_187 = arith.addi %add3A_184, %mul3A_186 : i32
          %mul3A_188 = arith.constant 64 : i32
          %mul3A_189 = arith.muli %add3A_187, %mul3A_188 : i32
          "tpu.region"() ({
            %run_scoped3A = tpu.sem_alloc : memref<!tpu.dma_semaphore, #tpu.memory_space<semaphore_mem>>
            %dma_start3A_208 = tpu.memref_slice %arg4[%mul3A_189] : memref<160000xi32, #tpu.memory_space<hbm>> -> memref<64xi32, #tpu.memory_space<hbm>>
            %dma_start3A_209 = tpu.memref_slice %arg4[%mul3A_189] : memref<160000xi32, #tpu.memory_space<hbm>> -> memref<64xi32, #tpu.memory_space<hbm>>
            tpu.enqueue_dma source(%dma_start3A_209 : memref<64xi32, #tpu.memory_space<hbm>>) target(%arg12 : memref<64xi32, #tpu.memory_space<vmem>>) target_semaphore(%run_scoped3A : memref<!tpu.dma_semaphore, #tpu.memory_space<semaphore_mem>>)
            %dma_wait3A_210 = tpu.memref_slice %arg4[%mul3A_189] : memref<160000xi32, #tpu.memory_space<hbm>> -> memref<64xi32, #tpu.memory_space<hbm>>
            %dma_wait3A_211 = tpu.memref_slice %arg4[%mul3A_189] : memref<160000xi32, #tpu.memory_space<hbm>> -> memref<64xi32, #tpu.memory_space<hbm>>
            tpu.wait_dma2 semaphore(%run_scoped3A : memref<!tpu.dma_semaphore, #tpu.memory_space<semaphore_mem>>) src(%dma_wait3A_211 : memref<64xi32, #tpu.memory_space<hbm>>) dst(%arg12 : memref<64xi32, #tpu.memory_space<vmem>>)
            tpu.yield
          }) : () -> ()
          %dma_start3A_190 = arith.constant 0 : i32
          %dma_start3A_191 = arith.constant 0 : i32
          %dma_start3A_192 = tpu.memref_slice %arg2[%dma_start3A_190, %dma_start3A_191] : memref<10000x256xf32, #tpu.memory_space<hbm>> -> memref<10000x256xf32, #tpu.memory_space<hbm>>
          tpu.enqueue_indirect_dma source(%dma_start3A_192 : memref<10000x256xf32, #tpu.memory_space<hbm>>) target(%arg15 : memref<64x256xf32, #tpu.memory_space<vmem>>) offsets(%arg9 : memref<64xi32, #tpu.memory_space<vmem>>) semaphore(%arg24 : memref<!tpu.dma_semaphore, #tpu.memory_space<semaphore_mem>>)
          %dma_start3A_193 = arith.constant 0 : i32
          %dma_start3A_194 = arith.constant 0 : i32
          %dma_start3A_195 = tpu.memref_slice %arg2[%dma_start3A_193, %dma_start3A_194] : memref<10000x256xf32, #tpu.memory_space<hbm>> -> memref<10000x256xf32, #tpu.memory_space<hbm>>
          tpu.enqueue_indirect_dma source(%dma_start3A_195 : memref<10000x256xf32, #tpu.memory_space<hbm>>) target(%arg18 : memref<64x256xf32, #tpu.memory_space<vmem>>) offsets(%arg12 : memref<64xi32, #tpu.memory_space<vmem>>) semaphore(%arg27 : memref<!tpu.dma_semaphore, #tpu.memory_space<semaphore_mem>>)
          %sub3A_196 = arith.constant 3 : i32
          %sub3A_197 = arith.subi %select_n3A, %sub3A_196 : i32
          %lt3A_198 = arith.cmpi slt, %add3A_175, %sub3A_197 : i32
          %convert_element_type3A_199 = arith.extui %lt3A_198 : i1 to i32
          %cond3A_200 = arith.constant 0 : i32
          %cond3A_201 = arith.cmpi ne, %convert_element_type3A_199, %cond3A_200 : i32
          scf.if %cond3A_201 {
            %dma_start3A_208 = arith.constant 0 : i32
            %dma_start3A_209 = tpu.memref_slice %arg22[%dma_start3A_208] : memref<10240xf32, #tpu.memory_space<vmem_shared>> -> memref<10240xf32, #tpu.memory_space<vmem_shared>>
            tpu.enqueue_indirect_dma source(%arg20 : memref<64xf32, #tpu.memory_space<vmem>>) target(%dma_start3A_209 : memref<10240xf32, #tpu.memory_space<vmem_shared>>) offsets(%arg9 : memref<64xi32, #tpu.memory_space<vmem>>) semaphore(%arg33 : memref<!tpu.dma_semaphore, #tpu.memory_space<semaphore_mem>>) {add = true}
          } else {
          }
          %sub3A_202 = arith.constant 3 : i32
          %sub3A_203 = arith.subi %select_n3A, %sub3A_202 : i32
          %ge3A_204 = arith.cmpi sge, %add3A_175, %sub3A_203 : i32
          %convert_element_type3A_205 = arith.extui %ge3A_204 : i1 to i32
          %cond3A_206 = arith.constant 0 : i32
          %cond3A_207 = arith.cmpi ne, %convert_element_type3A_205, %cond3A_206 : i32
          scf.if %cond3A_207 {
            "tpu.region"() ({
              %run_scoped3A = tpu.sem_alloc : memref<!tpu.dma_semaphore, #tpu.memory_space<semaphore_mem>>
              %dma_start3A_208 = arith.constant 0 : i32
              %dma_start3A_209 = tpu.memref_slice %arg22[%dma_start3A_208] : memref<10240xf32, #tpu.memory_space<vmem_shared>> -> memref<10240xf32, #tpu.memory_space<vmem_shared>>
              tpu.enqueue_indirect_dma source(%arg20 : memref<64xf32, #tpu.memory_space<vmem>>) target(%dma_start3A_209 : memref<10240xf32, #tpu.memory_space<vmem_shared>>) offsets(%arg9 : memref<64xi32, #tpu.memory_space<vmem>>) semaphore(%run_scoped3A : memref<!tpu.dma_semaphore, #tpu.memory_space<semaphore_mem>>) {add = true}
              %dma_wait3A_210 = arith.constant 0 : i32
              %dma_wait3A_211 = tpu.memref_slice %arg22[%dma_wait3A_210] : memref<10240xf32, #tpu.memory_space<vmem_shared>> -> memref<10240xf32, #tpu.memory_space<vmem_shared>>
              tpu.wait_indirect_dma semaphore(%run_scoped3A : memref<!tpu.dma_semaphore, #tpu.memory_space<semaphore_mem>>) src(%arg20 : memref<64xf32, #tpu.memory_space<vmem>>) dst(%dma_wait3A_211 : memref<10240xf32, #tpu.memory_space<vmem_shared>>)
              tpu.yield
            }) : () -> ()
          } else {
          }
        } else {
        }
        %dma_wait3A = arith.constant 0 : i32
        %dma_wait3A_146 = arith.constant 0 : i32
        %dma_wait3A_147 = tpu.memref_slice %arg2[%dma_wait3A, %dma_wait3A_146] : memref<10000x256xf32, #tpu.memory_space<hbm>> -> memref<10000x256xf32, #tpu.memory_space<hbm>>
        tpu.wait_indirect_dma semaphore(%arg23 : memref<!tpu.dma_semaphore, #tpu.memory_space<semaphore_mem>>) src(%dma_wait3A_147 : memref<10000x256xf32, #tpu.memory_space<hbm>>) dst(%arg14 : memref<64x256xf32, #tpu.memory_space<vmem>>)
        %dma_wait3A_148 = arith.constant 0 : i32
        %dma_wait3A_149 = arith.constant 0 : i32
        %dma_wait3A_150 = tpu.memref_slice %arg2[%dma_wait3A_148, %dma_wait3A_149] : memref<10000x256xf32, #tpu.memory_space<hbm>> -> memref<10000x256xf32, #tpu.memory_space<hbm>>
        tpu.wait_indirect_dma semaphore(%arg26 : memref<!tpu.dma_semaphore, #tpu.memory_space<semaphore_mem>>) src(%dma_wait3A_150 : memref<10000x256xf32, #tpu.memory_space<hbm>>) dst(%arg17 : memref<64x256xf32, #tpu.memory_space<vmem>>)
        %scan3A_151 = arith.constant 0 : i32
        %scan3A_152 = arith.constant 0 : i32
        %scan3A_153 = arith.constant 64 : i32
        %scan3A_154 = arith.addi %scan3A_152, %scan3A_153 : i32
        %scan3A_155 = arith.constant 1 : i32
        %scan3A_156 = scf.for %scan3A_169 = %scan3A_152 to %scan3A_154 step %scan3A_155 iter_args(%scan3A_170 = %scan3A_151) -> (i32)  : i32 {
          %get3A = arith.index_cast %scan3A_169 : i32 to index
          %get3A_171 = arith.constant 0 : index
          %get3A_172 = tpu.vector_load %arg14[%get3A, %get3A_171] {strides = array<i32>} : memref<64x256xf32, #tpu.memory_space<vmem>>, vector<1x16xf32>,
          %get3A_173 = vector.shape_cast %get3A_172 : vector<1x16xf32> to vector<16xf32>
          %get3A_174 = arith.index_cast %scan3A_169 : i32 to index
          %get3A_175 = arith.constant 0 : index
          %get3A_176 = tpu.vector_load %arg17[%get3A_174, %get3A_175] {strides = array<i32>} : memref<64x256xf32, #tpu.memory_space<vmem>>, vector<1x16xf32>,
          %get3A_177 = vector.shape_cast %get3A_176 : vector<1x16xf32> to vector<16xf32>
          %add3A_178 = arith.addf %get3A_173, %get3A_177 : vector<16xf32>
          %swap3A = arith.index_cast %scan3A_169 : i32 to index
          %swap3A_179 = arith.constant 0 : index
          %swap3A_180 = tpu.vector_load %arg14[%swap3A, %swap3A_179] {strides = array<i32>} : memref<64x256xf32, #tpu.memory_space<vmem>>, vector<1x16xf32>,
          %swap3A_181 = vector.shape_cast %swap3A_180 : vector<1x16xf32> to vector<16xf32>
          %swap3A_182 = vector.shape_cast %add3A_178 : vector<16xf32> to vector<1x16xf32>
          tpu.vector_store %arg14[%swap3A, %swap3A_179], %swap3A_182 {strides = array<i32>} : memref<64x256xf32, #tpu.memory_space<vmem>>, vector<1x16xf32>,
          %get3A_183 = arith.index_cast %scan3A_169 : i32 to index
          %get3A_184 = arith.constant 16 : index
          %get3A_185 = tpu.vector_load %arg14[%get3A_183, %get3A_184] {strides = array<i32>} : memref<64x256xf32, #tpu.memory_space<vmem>>, vector<1x16xf32>,
          %get3A_186 = vector.shape_cast %get3A_185 : vector<1x16xf32> to vector<16xf32>
          %get3A_187 = arith.index_cast %scan3A_169 : i32 to index
          %get3A_188 = arith.constant 16 : index
          %get3A_189 = tpu.vector_load %arg17[%get3A_187, %get3A_188] {strides = array<i32>} : memref<64x256xf32, #tpu.memory_space<vmem>>, vector<1x16xf32>,
          %get3A_190 = vector.shape_cast %get3A_189 : vector<1x16xf32> to vector<16xf32>
          %add3A_191 = arith.addf %get3A_186, %get3A_190 : vector<16xf32>
          %swap3A_192 = arith.index_cast %scan3A_169 : i32 to index
          %swap3A_193 = arith.constant 16 : index
          %swap3A_194 = tpu.vector_load %arg14[%swap3A_192, %swap3A_193] {strides = array<i32>} : memref<64x256xf32, #tpu.memory_space<vmem>>, vector<1x16xf32>,
          %swap3A_195 = vector.shape_cast %swap3A_194 : vector<1x16xf32> to vector<16xf32>
          %swap3A_196 = vector.shape_cast %add3A_191 : vector<16xf32> to vector<1x16xf32>
          tpu.vector_store %arg14[%swap3A_192, %swap3A_193], %swap3A_196 {strides = array<i32>} : memref<64x256xf32, #tpu.memory_space<vmem>>, vector<1x16xf32>,
          %get3A_197 = arith.index_cast %scan3A_169 : i32 to index
          %get3A_198 = arith.constant 32 : index
          %get3A_199 = tpu.vector_load %arg14[%get3A_197, %get3A_198] {strides = array<i32>} : memref<64x256xf32, #tpu.memory_space<vmem>>, vector<1x16xf32>,
          %get3A_200 = vector.shape_cast %get3A_199 : vector<1x16xf32> to vector<16xf32>
          %get3A_201 = arith.index_cast %scan3A_169 : i32 to index
          %get3A_202 = arith.constant 32 : index
          %get3A_203 = tpu.vector_load %arg17[%get3A_201, %get3A_202] {strides = array<i32>} : memref<64x256xf32, #tpu.memory_space<vmem>>, vector<1x16xf32>,
          %get3A_204 = vector.shape_cast %get3A_203 : vector<1x16xf32> to vector<16xf32>
          %add3A_205 = arith.addf %get3A_200, %get3A_204 : vector<16xf32>
          %swap3A_206 = arith.index_cast %scan3A_169 : i32 to index
          %swap3A_207 = arith.constant 32 : index
          %swap3A_208 = tpu.vector_load %arg14[%swap3A_206, %swap3A_207] {strides = array<i32>} : memref<64x256xf32, #tpu.memory_space<vmem>>, vector<1x16xf32>,
          %swap3A_209 = vector.shape_cast %swap3A_208 : vector<1x16xf32> to vector<16xf32>
          %swap3A_210 = vector.shape_cast %add3A_205 : vector<16xf32> to vector<1x16xf32>
          tpu.vector_store %arg14[%swap3A_206, %swap3A_207], %swap3A_210 {strides = array<i32>} : memref<64x256xf32, #tpu.memory_space<vmem>>, vector<1x16xf32>,
          %get3A_211 = arith.index_cast %scan3A_169 : i32 to index
          %get3A_212 = arith.constant 48 : index
          %get3A_213 = tpu.vector_load %arg14[%get3A_211, %get3A_212] {strides = array<i32>} : memref<64x256xf32, #tpu.memory_space<vmem>>, vector<1x16xf32>,
          %get3A_214 = vector.shape_cast %get3A_213 : vector<1x16xf32> to vector<16xf32>
          %get3A_215 = arith.index_cast %scan3A_169 : i32 to index
          %get3A_216 = arith.constant 48 : index
          %get3A_217 = tpu.vector_load %arg17[%get3A_215, %get3A_216] {strides = array<i32>} : memref<64x256xf32, #tpu.memory_space<vmem>>, vector<1x16xf32>,
          %get3A_218 = vector.shape_cast %get3A_217 : vector<1x16xf32> to vector<16xf32>
          %add3A_219 = arith.addf %get3A_214, %get3A_218 : vector<16xf32>
          %swap3A_220 = arith.index_cast %scan3A_169 : i32 to index
          %swap3A_221 = arith.constant 48 : index
          %swap3A_222 = tpu.vector_load %arg14[%swap3A_220, %swap3A_221] {strides = array<i32>} : memref<64x256xf32, #tpu.memory_space<vmem>>, vector<1x16xf32>,
          %swap3A_223 = vector.shape_cast %swap3A_222 : vector<1x16xf32> to vector<16xf32>
          %swap3A_224 = vector.shape_cast %add3A_219 : vector<16xf32> to vector<1x16xf32>
          tpu.vector_store %arg14[%swap3A_220, %swap3A_221], %swap3A_224 {strides = array<i32>} : memref<64x256xf32, #tpu.memory_space<vmem>>, vector<1x16xf32>,
          %get3A_225 = arith.index_cast %scan3A_169 : i32 to index
          %get3A_226 = arith.constant 64 : index
          %get3A_227 = tpu.vector_load %arg14[%get3A_225, %get3A_226] {strides = array<i32>} : memref<64x256xf32, #tpu.memory_space<vmem>>, vector<1x16xf32>,
          %get3A_228 = vector.shape_cast %get3A_227 : vector<1x16xf32> to vector<16xf32>
          %get3A_229 = arith.index_cast %scan3A_169 : i32 to index
          %get3A_230 = arith.constant 64 : index
          %get3A_231 = tpu.vector_load %arg17[%get3A_229, %get3A_230] {strides = array<i32>} : memref<64x256xf32, #tpu.memory_space<vmem>>, vector<1x16xf32>,
          %get3A_232 = vector.shape_cast %get3A_231 : vector<1x16xf32> to vector<16xf32>
          %add3A_233 = arith.addf %get3A_228, %get3A_232 : vector<16xf32>
          %swap3A_234 = arith.index_cast %scan3A_169 : i32 to index
          %swap3A_235 = arith.constant 64 : index
          %swap3A_236 = tpu.vector_load %arg14[%swap3A_234, %swap3A_235] {strides = array<i32>} : memref<64x256xf32, #tpu.memory_space<vmem>>, vector<1x16xf32>,
          %swap3A_237 = vector.shape_cast %swap3A_236 : vector<1x16xf32> to vector<16xf32>
          %swap3A_238 = vector.shape_cast %add3A_233 : vector<16xf32> to vector<1x16xf32>
          tpu.vector_store %arg14[%swap3A_234, %swap3A_235], %swap3A_238 {strides = array<i32>} : memref<64x256xf32, #tpu.memory_space<vmem>>, vector<1x16xf32>,
          %get3A_239 = arith.index_cast %scan3A_169 : i32 to index
          %get3A_240 = arith.constant 80 : index
          %get3A_241 = tpu.vector_load %arg14[%get3A_239, %get3A_240] {strides = array<i32>} : memref<64x256xf32, #tpu.memory_space<vmem>>, vector<1x16xf32>,
          %get3A_242 = vector.shape_cast %get3A_241 : vector<1x16xf32> to vector<16xf32>
          %get3A_243 = arith.index_cast %scan3A_169 : i32 to index
          %get3A_244 = arith.constant 80 : index
          %get3A_245 = tpu.vector_load %arg17[%get3A_243, %get3A_244] {strides = array<i32>} : memref<64x256xf32, #tpu.memory_space<vmem>>, vector<1x16xf32>,
          %get3A_246 = vector.shape_cast %get3A_245 : vector<1x16xf32> to vector<16xf32>
          %add3A_247 = arith.addf %get3A_242, %get3A_246 : vector<16xf32>
          %swap3A_248 = arith.index_cast %scan3A_169 : i32 to index
          %swap3A_249 = arith.constant 80 : index
          %swap3A_250 = tpu.vector_load %arg14[%swap3A_248, %swap3A_249] {strides = array<i32>} : memref<64x256xf32, #tpu.memory_space<vmem>>, vector<1x16xf32>,
          %swap3A_251 = vector.shape_cast %swap3A_250 : vector<1x16xf32> to vector<16xf32>
          %swap3A_252 = vector.shape_cast %add3A_247 : vector<16xf32> to vector<1x16xf32>
          tpu.vector_store %arg14[%swap3A_248, %swap3A_249], %swap3A_252 {strides = array<i32>} : memref<64x256xf32, #tpu.memory_space<vmem>>, vector<1x16xf32>,
          %get3A_253 = arith.index_cast %scan3A_169 : i32 to index
          %get3A_254 = arith.constant 96 : index
          %get3A_255 = tpu.vector_load %arg14[%get3A_253, %get3A_254] {strides = array<i32>} : memref<64x256xf32, #tpu.memory_space<vmem>>, vector<1x16xf32>,
          %get3A_256 = vector.shape_cast %get3A_255 : vector<1x16xf32> to vector<16xf32>
          %get3A_257 = arith.index_cast %scan3A_169 : i32 to index
          %get3A_258 = arith.constant 96 : index
          %get3A_259 = tpu.vector_load %arg17[%get3A_257, %get3A_258] {strides = array<i32>} : memref<64x256xf32, #tpu.memory_space<vmem>>, vector<1x16xf32>,
          %get3A_260 = vector.shape_cast %get3A_259 : vector<1x16xf32> to vector<16xf32>
          %add3A_261 = arith.addf %get3A_256, %get3A_260 : vector<16xf32>
          %swap3A_262 = arith.index_cast %scan3A_169 : i32 to index
          %swap3A_263 = arith.constant 96 : index
          %swap3A_264 = tpu.vector_load %arg14[%swap3A_262, %swap3A_263] {strides = array<i32>} : memref<64x256xf32, #tpu.memory_space<vmem>>, vector<1x16xf32>,
          %swap3A_265 = vector.shape_cast %swap3A_264 : vector<1x16xf32> to vector<16xf32>
          %swap3A_266 = vector.shape_cast %add3A_261 : vector<16xf32> to vector<1x16xf32>
          tpu.vector_store %arg14[%swap3A_262, %swap3A_263], %swap3A_266 {strides = array<i32>} : memref<64x256xf32, #tpu.memory_space<vmem>>, vector<1x16xf32>,
          %get3A_267 = arith.index_cast %scan3A_169 : i32 to index
          %get3A_268 = arith.constant 112 : index
          %get3A_269 = tpu.vector_load %arg14[%get3A_267, %get3A_268] {strides = array<i32>} : memref<64x256xf32, #tpu.memory_space<vmem>>, vector<1x16xf32>,
          %get3A_270 = vector.shape_cast %get3A_269 : vector<1x16xf32> to vector<16xf32>
          %get3A_271 = arith.index_cast %scan3A_169 : i32 to index
          %get3A_272 = arith.constant 112 : index
          %get3A_273 = tpu.vector_load %arg17[%get3A_271, %get3A_272] {strides = array<i32>} : memref<64x256xf32, #tpu.memory_space<vmem>>, vector<1x16xf32>,
          %get3A_274 = vector.shape_cast %get3A_273 : vector<1x16xf32> to vector<16xf32>
          %add3A_275 = arith.addf %get3A_270, %get3A_274 : vector<16xf32>
          %swap3A_276 = arith.index_cast %scan3A_169 : i32 to index
          %swap3A_277 = arith.constant 112 : index
          %swap3A_278 = tpu.vector_load %arg14[%swap3A_276, %swap3A_277] {strides = array<i32>} : memref<64x256xf32, #tpu.memory_space<vmem>>, vector<1x16xf32>,
          %swap3A_279 = vector.shape_cast %swap3A_278 : vector<1x16xf32> to vector<16xf32>
          %swap3A_280 = vector.shape_cast %add3A_275 : vector<16xf32> to vector<1x16xf32>
          tpu.vector_store %arg14[%swap3A_276, %swap3A_277], %swap3A_280 {strides = array<i32>} : memref<64x256xf32, #tpu.memory_space<vmem>>, vector<1x16xf32>,
          %get3A_281 = arith.index_cast %scan3A_169 : i32 to index
          %get3A_282 = arith.constant 128 : index
          %get3A_283 = tpu.vector_load %arg14[%get3A_281, %get3A_282] {strides = array<i32>} : memref<64x256xf32, #tpu.memory_space<vmem>>, vector<1x16xf32>,
          %get3A_284 = vector.shape_cast %get3A_283 : vector<1x16xf32> to vector<16xf32>
          %get3A_285 = arith.index_cast %scan3A_169 : i32 to index
          %get3A_286 = arith.constant 128 : index
          %get3A_287 = tpu.vector_load %arg17[%get3A_285, %get3A_286] {strides = array<i32>} : memref<64x256xf32, #tpu.memory_space<vmem>>, vector<1x16xf32>,
          %get3A_288 = vector.shape_cast %get3A_287 : vector<1x16xf32> to vector<16xf32>
          %add3A_289 = arith.addf %get3A_284, %get3A_288 : vector<16xf32>
          %swap3A_290 = arith.index_cast %scan3A_169 : i32 to index
          %swap3A_291 = arith.constant 128 : index
          %swap3A_292 = tpu.vector_load %arg14[%swap3A_290, %swap3A_291] {strides = array<i32>} : memref<64x256xf32, #tpu.memory_space<vmem>>, vector<1x16xf32>,
          %swap3A_293 = vector.shape_cast %swap3A_292 : vector<1x16xf32> to vector<16xf32>
          %swap3A_294 = vector.shape_cast %add3A_289 : vector<16xf32> to vector<1x16xf32>
          tpu.vector_store %arg14[%swap3A_290, %swap3A_291], %swap3A_294 {strides = array<i32>} : memref<64x256xf32, #tpu.memory_space<vmem>>, vector<1x16xf32>,
          %get3A_295 = arith.index_cast %scan3A_169 : i32 to index
          %get3A_296 = arith.constant 144 : index
          %get3A_297 = tpu.vector_load %arg14[%get3A_295, %get3A_296] {strides = array<i32>} : memref<64x256xf32, #tpu.memory_space<vmem>>, vector<1x16xf32>,
          %get3A_298 = vector.shape_cast %get3A_297 : vector<1x16xf32> to vector<16xf32>
          %get3A_299 = arith.index_cast %scan3A_169 : i32 to index
          %get3A_300 = arith.constant 144 : index
          %get3A_301 = tpu.vector_load %arg17[%get3A_299, %get3A_300] {strides = array<i32>} : memref<64x256xf32, #tpu.memory_space<vmem>>, vector<1x16xf32>,
          %get3A_302 = vector.shape_cast %get3A_301 : vector<1x16xf32> to vector<16xf32>
          %add3A_303 = arith.addf %get3A_298, %get3A_302 : vector<16xf32>
          %swap3A_304 = arith.index_cast %scan3A_169 : i32 to index
          %swap3A_305 = arith.constant 144 : index
          %swap3A_306 = tpu.vector_load %arg14[%swap3A_304, %swap3A_305] {strides = array<i32>} : memref<64x256xf32, #tpu.memory_space<vmem>>, vector<1x16xf32>,
          %swap3A_307 = vector.shape_cast %swap3A_306 : vector<1x16xf32> to vector<16xf32>
          %swap3A_308 = vector.shape_cast %add3A_303 : vector<16xf32> to vector<1x16xf32>
          tpu.vector_store %arg14[%swap3A_304, %swap3A_305], %swap3A_308 {strides = array<i32>} : memref<64x256xf32, #tpu.memory_space<vmem>>, vector<1x16xf32>,
          %get3A_309 = arith.index_cast %scan3A_169 : i32 to index
          %get3A_310 = arith.constant 160 : index
          %get3A_311 = tpu.vector_load %arg14[%get3A_309, %get3A_310] {strides = array<i32>} : memref<64x256xf32, #tpu.memory_space<vmem>>, vector<1x16xf32>,
          %get3A_312 = vector.shape_cast %get3A_311 : vector<1x16xf32> to vector<16xf32>
          %get3A_313 = arith.index_cast %scan3A_169 : i32 to index
          %get3A_314 = arith.constant 160 : index
          %get3A_315 = tpu.vector_load %arg17[%get3A_313, %get3A_314] {strides = array<i32>} : memref<64x256xf32, #tpu.memory_space<vmem>>, vector<1x16xf32>,
          %get3A_316 = vector.shape_cast %get3A_315 : vector<1x16xf32> to vector<16xf32>
          %add3A_317 = arith.addf %get3A_312, %get3A_316 : vector<16xf32>
          %swap3A_318 = arith.index_cast %scan3A_169 : i32 to index
          %swap3A_319 = arith.constant 160 : index
          %swap3A_320 = tpu.vector_load %arg14[%swap3A_318, %swap3A_319] {strides = array<i32>} : memref<64x256xf32, #tpu.memory_space<vmem>>, vector<1x16xf32>,
          %swap3A_321 = vector.shape_cast %swap3A_320 : vector<1x16xf32> to vector<16xf32>
          %swap3A_322 = vector.shape_cast %add3A_317 : vector<16xf32> to vector<1x16xf32>
          tpu.vector_store %arg14[%swap3A_318, %swap3A_319], %swap3A_322 {strides = array<i32>} : memref<64x256xf32, #tpu.memory_space<vmem>>, vector<1x16xf32>,
          %get3A_323 = arith.index_cast %scan3A_169 : i32 to index
          %get3A_324 = arith.constant 176 : index
          %get3A_325 = tpu.vector_load %arg14[%get3A_323, %get3A_324] {strides = array<i32>} : memref<64x256xf32, #tpu.memory_space<vmem>>, vector<1x16xf32>,
          %get3A_326 = vector.shape_cast %get3A_325 : vector<1x16xf32> to vector<16xf32>
          %get3A_327 = arith.index_cast %scan3A_169 : i32 to index
          %get3A_328 = arith.constant 176 : index
          %get3A_329 = tpu.vector_load %arg17[%get3A_327, %get3A_328] {strides = array<i32>} : memref<64x256xf32, #tpu.memory_space<vmem>>, vector<1x16xf32>,
          %get3A_330 = vector.shape_cast %get3A_329 : vector<1x16xf32> to vector<16xf32>
          %add3A_331 = arith.addf %get3A_326, %get3A_330 : vector<16xf32>
          %swap3A_332 = arith.index_cast %scan3A_169 : i32 to index
          %swap3A_333 = arith.constant 176 : index
          %swap3A_334 = tpu.vector_load %arg14[%swap3A_332, %swap3A_333] {strides = array<i32>} : memref<64x256xf32, #tpu.memory_space<vmem>>, vector<1x16xf32>,
          %swap3A_335 = vector.shape_cast %swap3A_334 : vector<1x16xf32> to vector<16xf32>
          %swap3A_336 = vector.shape_cast %add3A_331 : vector<16xf32> to vector<1x16xf32>
          tpu.vector_store %arg14[%swap3A_332, %swap3A_333], %swap3A_336 {strides = array<i32>} : memref<64x256xf32, #tpu.memory_space<vmem>>, vector<1x16xf32>,
          %get3A_337 = arith.index_cast %scan3A_169 : i32 to index
          %get3A_338 = arith.constant 192 : index
          %get3A_339 = tpu.vector_load %arg14[%get3A_337, %get3A_338] {strides = array<i32>} : memref<64x256xf32, #tpu.memory_space<vmem>>, vector<1x16xf32>,
          %get3A_340 = vector.shape_cast %get3A_339 : vector<1x16xf32> to vector<16xf32>
          %get3A_341 = arith.index_cast %scan3A_169 : i32 to index
          %get3A_342 = arith.constant 192 : index
          %get3A_343 = tpu.vector_load %arg17[%get3A_341, %get3A_342] {strides = array<i32>} : memref<64x256xf32, #tpu.memory_space<vmem>>, vector<1x16xf32>,
          %get3A_344 = vector.shape_cast %get3A_343 : vector<1x16xf32> to vector<16xf32>
          %add3A_345 = arith.addf %get3A_340, %get3A_344 : vector<16xf32>
          %swap3A_346 = arith.index_cast %scan3A_169 : i32 to index
          %swap3A_347 = arith.constant 192 : index
          %swap3A_348 = tpu.vector_load %arg14[%swap3A_346, %swap3A_347] {strides = array<i32>} : memref<64x256xf32, #tpu.memory_space<vmem>>, vector<1x16xf32>,
          %swap3A_349 = vector.shape_cast %swap3A_348 : vector<1x16xf32> to vector<16xf32>
          %swap3A_350 = vector.shape_cast %add3A_345 : vector<16xf32> to vector<1x16xf32>
          tpu.vector_store %arg14[%swap3A_346, %swap3A_347], %swap3A_350 {strides = array<i32>} : memref<64x256xf32, #tpu.memory_space<vmem>>, vector<1x16xf32>,
          %get3A_351 = arith.index_cast %scan3A_169 : i32 to index
          %get3A_352 = arith.constant 208 : index
          %get3A_353 = tpu.vector_load %arg14[%get3A_351, %get3A_352] {strides = array<i32>} : memref<64x256xf32, #tpu.memory_space<vmem>>, vector<1x16xf32>,
          %get3A_354 = vector.shape_cast %get3A_353 : vector<1x16xf32> to vector<16xf32>
          %get3A_355 = arith.index_cast %scan3A_169 : i32 to index
          %get3A_356 = arith.constant 208 : index
          %get3A_357 = tpu.vector_load %arg17[%get3A_355, %get3A_356] {strides = array<i32>} : memref<64x256xf32, #tpu.memory_space<vmem>>, vector<1x16xf32>,
          %get3A_358 = vector.shape_cast %get3A_357 : vector<1x16xf32> to vector<16xf32>
          %add3A_359 = arith.addf %get3A_354, %get3A_358 : vector<16xf32>
          %swap3A_360 = arith.index_cast %scan3A_169 : i32 to index
          %swap3A_361 = arith.constant 208 : index
          %swap3A_362 = tpu.vector_load %arg14[%swap3A_360, %swap3A_361] {strides = array<i32>} : memref<64x256xf32, #tpu.memory_space<vmem>>, vector<1x16xf32>,
          %swap3A_363 = vector.shape_cast %swap3A_362 : vector<1x16xf32> to vector<16xf32>
          %swap3A_364 = vector.shape_cast %add3A_359 : vector<16xf32> to vector<1x16xf32>
          tpu.vector_store %arg14[%swap3A_360, %swap3A_361], %swap3A_364 {strides = array<i32>} : memref<64x256xf32, #tpu.memory_space<vmem>>, vector<1x16xf32>,
          %get3A_365 = arith.index_cast %scan3A_169 : i32 to index
          %get3A_366 = arith.constant 224 : index
          %get3A_367 = tpu.vector_load %arg14[%get3A_365, %get3A_366] {strides = array<i32>} : memref<64x256xf32, #tpu.memory_space<vmem>>, vector<1x16xf32>,
          %get3A_368 = vector.shape_cast %get3A_367 : vector<1x16xf32> to vector<16xf32>
          %get3A_369 = arith.index_cast %scan3A_169 : i32 to index
          %get3A_370 = arith.constant 224 : index
          %get3A_371 = tpu.vector_load %arg17[%get3A_369, %get3A_370] {strides = array<i32>} : memref<64x256xf32, #tpu.memory_space<vmem>>, vector<1x16xf32>,
          %get3A_372 = vector.shape_cast %get3A_371 : vector<1x16xf32> to vector<16xf32>
          %add3A_373 = arith.addf %get3A_368, %get3A_372 : vector<16xf32>
          %swap3A_374 = arith.index_cast %scan3A_169 : i32 to index
          %swap3A_375 = arith.constant 224 : index
          %swap3A_376 = tpu.vector_load %arg14[%swap3A_374, %swap3A_375] {strides = array<i32>} : memref<64x256xf32, #tpu.memory_space<vmem>>, vector<1x16xf32>,
          %swap3A_377 = vector.shape_cast %swap3A_376 : vector<1x16xf32> to vector<16xf32>
          %swap3A_378 = vector.shape_cast %add3A_373 : vector<16xf32> to vector<1x16xf32>
          tpu.vector_store %arg14[%swap3A_374, %swap3A_375], %swap3A_378 {strides = array<i32>} : memref<64x256xf32, #tpu.memory_space<vmem>>, vector<1x16xf32>,
          %get3A_379 = arith.index_cast %scan3A_169 : i32 to index
          %get3A_380 = arith.constant 240 : index
          %get3A_381 = tpu.vector_load %arg14[%get3A_379, %get3A_380] {strides = array<i32>} : memref<64x256xf32, #tpu.memory_space<vmem>>, vector<1x16xf32>,
          %get3A_382 = vector.shape_cast %get3A_381 : vector<1x16xf32> to vector<16xf32>
          %get3A_383 = arith.index_cast %scan3A_169 : i32 to index
          %get3A_384 = arith.constant 240 : index
          %get3A_385 = tpu.vector_load %arg17[%get3A_383, %get3A_384] {strides = array<i32>} : memref<64x256xf32, #tpu.memory_space<vmem>>, vector<1x16xf32>,
          %get3A_386 = vector.shape_cast %get3A_385 : vector<1x16xf32> to vector<16xf32>
          %add3A_387 = arith.addf %get3A_382, %get3A_386 : vector<16xf32>
          %swap3A_388 = arith.index_cast %scan3A_169 : i32 to index
          %swap3A_389 = arith.constant 240 : index
          %swap3A_390 = tpu.vector_load %arg14[%swap3A_388, %swap3A_389] {strides = array<i32>} : memref<64x256xf32, #tpu.memory_space<vmem>>, vector<1x16xf32>,
          %swap3A_391 = vector.shape_cast %swap3A_390 : vector<1x16xf32> to vector<16xf32>
          %swap3A_392 = vector.shape_cast %add3A_387 : vector<16xf32> to vector<1x16xf32>
          tpu.vector_store %arg14[%swap3A_388, %swap3A_389], %swap3A_392 {strides = array<i32>} : memref<64x256xf32, #tpu.memory_space<vmem>>, vector<1x16xf32>,
          %scan3A_393 = arith.constant 0 : i32
          scf.yield %scan3A_393 : i32
        }
        %scan3A_157 = arith.constant 64 : i32
        %sub3A_158 = arith.constant 3 : i32
        %sub3A_159 = arith.subi %select_n3A, %sub3A_158 : i32
        %lt3A_160 = arith.cmpi slt, %mul3A_119, %sub3A_159 : i32
        %convert_element_type3A_161 = arith.extui %lt3A_160 : i1 to i32
        %cond3A_162 = arith.constant 0 : i32
        %cond3A_163 = arith.cmpi ne, %convert_element_type3A_161, %cond3A_162 : i32
        scf.if %cond3A_163 {
          %mul3A_169 = arith.constant 32 : i32
          %mul3A_170 = arith.muli %mul3A_119, %mul3A_169 : i32
          %add3A_171 = arith.addi %add3A, %mul3A_170 : i32
          %mul3A_172 = arith.constant 64 : i32
          %mul3A_173 = arith.muli %add3A_171, %mul3A_172 : i32
          %dma_start3A_174 = arith.constant 0 : i32
          %dma_start3A_175 = tpu.memref_slice %arg5[%mul3A_173, %dma_start3A_174] : memref<80000x256xf32, #tpu.memory_space<hbm>> -> memref<64x256xf32, #tpu.memory_space<hbm>>
          %dma_start3A_176 = arith.constant 0 : i32
          %dma_start3A_177 = tpu.memref_slice %arg5[%mul3A_173, %dma_start3A_176] : memref<80000x256xf32, #tpu.memory_space<hbm>> -> memref<64x256xf32, #tpu.memory_space<hbm>>
          tpu.enqueue_dma source(%arg14 : memref<64x256xf32, #tpu.memory_space<vmem>>) target(%dma_start3A_177 : memref<64x256xf32, #tpu.memory_space<hbm>>) target_semaphore(%arg29 : memref<!tpu.dma_semaphore, #tpu.memory_space<semaphore_mem>>)
        } else {
        }
        %sub3A_164 = arith.constant 3 : i32
        %sub3A_165 = arith.subi %select_n3A, %sub3A_164 : i32
        %ge3A = arith.cmpi sge, %mul3A_119, %sub3A_165 : i32
        %convert_element_type3A_166 = arith.extui %ge3A : i1 to i32
        %cond3A_167 = arith.constant 0 : i32
        %cond3A_168 = arith.cmpi ne, %convert_element_type3A_166, %cond3A_167 : i32
        scf.if %cond3A_168 {
          %mul3A_169 = arith.constant 32 : i32
          %mul3A_170 = arith.muli %mul3A_119, %mul3A_169 : i32
          %add3A_171 = arith.addi %add3A, %mul3A_170 : i32
          %mul3A_172 = arith.constant 64 : i32
          %mul3A_173 = arith.muli %add3A_171, %mul3A_172 : i32
          "tpu.region"() ({
            %run_scoped3A = tpu.sem_alloc : memref<!tpu.dma_semaphore, #tpu.memory_space<semaphore_mem>>
            %dma_start3A_174 = arith.constant 0 : i32
            %dma_start3A_175 = tpu.memref_slice %arg5[%mul3A_173, %dma_start3A_174] : memref<80000x256xf32, #tpu.memory_space<hbm>> -> memref<64x256xf32, #tpu.memory_space<hbm>>
            %dma_start3A_176 = arith.constant 0 : i32
            %dma_start3A_177 = tpu.memref_slice %arg5[%mul3A_173, %dma_start3A_176] : memref<80000x256xf32, #tpu.memory_space<hbm>> -> memref<64x256xf32, #tpu.memory_space<hbm>>
            tpu.enqueue_dma source(%arg14 : memref<64x256xf32, #tpu.memory_space<vmem>>) target(%dma_start3A_177 : memref<64x256xf32, #tpu.memory_space<hbm>>) target_semaphore(%run_scoped3A : memref<!tpu.dma_semaphore, #tpu.memory_space<semaphore_mem>>)
            %dma_wait3A_178 = arith.constant 0 : i32
            %dma_wait3A_179 = tpu.memref_slice %arg5[%mul3A_173, %dma_wait3A_178] : memref<80000x256xf32, #tpu.memory_space<hbm>> -> memref<64x256xf32, #tpu.memory_space<hbm>>
            %dma_wait3A_180 = arith.constant 0 : i32
            %dma_wait3A_181 = tpu.memref_slice %arg5[%mul3A_173, %dma_wait3A_180] : memref<80000x256xf32, #tpu.memory_space<hbm>> -> memref<64x256xf32, #tpu.memory_space<hbm>>
            tpu.wait_dma2 semaphore(%run_scoped3A : memref<!tpu.dma_semaphore, #tpu.memory_space<semaphore_mem>>) src(%arg14 : memref<64x256xf32, #tpu.memory_space<vmem>>) dst(%dma_wait3A_181 : memref<64x256xf32, #tpu.memory_space<hbm>>)
            tpu.yield
          }) : () -> ()
        } else {
        }
      } else {
      }
      %mul3A_123 = arith.constant 3 : i32
      %mul3A_124 = arith.muli %mul3A_123, %while3A_116 : i32
      %add3A_125 = arith.constant 1 : i32
      %add3A_126 = arith.addi %mul3A_124, %add3A_125 : i32
      %lt3A_127 = arith.cmpi slt, %add3A_126, %select_n3A : i32
      %convert_element_type3A_128 = arith.extui %lt3A_127 : i1 to i32
      %cond3A_129 = arith.constant 0 : i32
      %cond3A_130 = arith.cmpi ne, %convert_element_type3A_128, %cond3A_129 : i32
      scf.if %cond3A_130 {
        %add3A_140 = arith.constant 1 : i32
        %add3A_141 = arith.addi %add3A_126, %add3A_140 : i32
        %lt3A_142 = arith.cmpi slt, %add3A_141, %select_n3A : i32
        %convert_element_type3A_143 = arith.extui %lt3A_142 : i1 to i32
        %cond3A_144 = arith.constant 0 : i32
        %cond3A_145 = arith.cmpi ne, %convert_element_type3A_143, %cond3A_144 : i32
        scf.if %cond3A_145 {
          %ge3A_169 = arith.constant 2 : i32
          %ge3A_170 = arith.cmpi sge, %add3A_126, %ge3A_169 : i32
          %convert_element_type3A_171 = arith.extui %ge3A_170 : i1 to i32
          %cond3A_172 = arith.constant 0 : i32
          %cond3A_173 = arith.cmpi ne, %convert_element_type3A_171, %cond3A_172 : i32
          scf.if %cond3A_173 {
            %dma_wait3A_208 = arith.constant 0 : i32
            %dma_wait3A_209 = arith.constant 0 : i32
            %dma_wait3A_210 = tpu.memref_slice %arg5[%dma_wait3A_208, %dma_wait3A_209] : memref<80000x256xf32, #tpu.memory_space<hbm>> -> memref<64x256xf32, #tpu.memory_space<hbm>>
            %dma_wait3A_211 = arith.constant 0 : i32
            %dma_wait3A_212 = arith.constant 0 : i32
            %dma_wait3A_213 = tpu.memref_slice %arg5[%dma_wait3A_211, %dma_wait3A_212] : memref<80000x256xf32, #tpu.memory_space<hbm>> -> memref<64x256xf32, #tpu.memory_space<hbm>>
            tpu.wait_dma2 semaphore(%arg31 : memref<!tpu.dma_semaphore, #tpu.memory_space<semaphore_mem>>) src(%arg16 : memref<64x256xf32, #tpu.memory_space<vmem>>) dst(%dma_wait3A_213 : memref<64x256xf32, #tpu.memory_space<hbm>>)
            %dma_wait3A_214 = arith.constant 0 : i32
            %dma_wait3A_215 = tpu.memref_slice %arg6[%dma_wait3A_214] : memref<10240xf32, #tpu.memory_space<hbm>> -> memref<64xf32, #tpu.memory_space<hbm>>
            %dma_wait3A_216 = arith.constant 0 : i32
            %dma_wait3A_217 = tpu.memref_slice %arg6[%dma_wait3A_216] : memref<10240xf32, #tpu.memory_space<hbm>> -> memref<64xf32, #tpu.memory_space<hbm>>
            tpu.wait_dma2 semaphore(%arg34 : memref<!tpu.dma_semaphore, #tpu.memory_space<semaphore_mem>>) src(%dma_wait3A_217 : memref<64xf32, #tpu.memory_space<hbm>>) dst(%arg20 : memref<64xf32, #tpu.memory_space<vmem>>)
          } else {
          }
          %add3A_174 = arith.constant 1 : i32
          %add3A_175 = arith.addi %add3A_126, %add3A_174 : i32
          %add3A_176 = arith.constant 0 : i32
          %add3A_177 = arith.addi %add3A_176, %add3A : i32
          %mul3A_178 = arith.constant 32 : i32
          %mul3A_179 = arith.muli %add3A_175, %mul3A_178 : i32
          %add3A_180 = arith.addi %add3A_177, %mul3A_179 : i32
          %mul3A_181 = arith.constant 64 : i32
          %mul3A_182 = arith.muli %add3A_180, %mul3A_181 : i32
          "tpu.region"() ({
            %run_scoped3A = tpu.sem_alloc : memref<!tpu.dma_semaphore, #tpu.memory_space<semaphore_mem>>
            %dma_start3A_208 = tpu.memref_slice %arg3[%mul3A_182] : memref<160000xi32, #tpu.memory_space<hbm>> -> memref<64xi32, #tpu.memory_space<hbm>>
            %dma_start3A_209 = tpu.memref_slice %arg3[%mul3A_182] : memref<160000xi32, #tpu.memory_space<hbm>> -> memref<64xi32, #tpu.memory_space<hbm>>
            tpu.enqueue_dma source(%dma_start3A_209 : memref<64xi32, #tpu.memory_space<hbm>>) target(%arg10 : memref<64xi32, #tpu.memory_space<vmem>>) target_semaphore(%run_scoped3A : memref<!tpu.dma_semaphore, #tpu.memory_space<semaphore_mem>>)
            %dma_wait3A_210 = tpu.memref_slice %arg3[%mul3A_182] : memref<160000xi32, #tpu.memory_space<hbm>> -> memref<64xi32, #tpu.memory_space<hbm>>
            %dma_wait3A_211 = tpu.memref_slice %arg3[%mul3A_182] : memref<160000xi32, #tpu.memory_space<hbm>> -> memref<64xi32, #tpu.memory_space<hbm>>
            tpu.wait_dma2 semaphore(%run_scoped3A : memref<!tpu.dma_semaphore, #tpu.memory_space<semaphore_mem>>) src(%dma_wait3A_211 : memref<64xi32, #tpu.memory_space<hbm>>) dst(%arg10 : memref<64xi32, #tpu.memory_space<vmem>>)
            tpu.yield
          }) : () -> ()
          %add3A_183 = arith.constant 0 : i32
          %add3A_184 = arith.addi %add3A_183, %add3A : i32
          %mul3A_185 = arith.constant 32 : i32
          %mul3A_186 = arith.muli %add3A_175, %mul3A_185 : i32
          %add3A_187 = arith.addi %add3A_184, %mul3A_186 : i32
          %mul3A_188 = arith.constant 64 : i32
          %mul3A_189 = arith.muli %add3A_187, %mul3A_188 : i32
          "tpu.region"() ({
            %run_scoped3A = tpu.sem_alloc : memref<!tpu.dma_semaphore, #tpu.memory_space<semaphore_mem>>
            %dma_start3A_208 = tpu.memref_slice %arg4[%mul3A_189] : memref<160000xi32, #tpu.memory_space<hbm>> -> memref<64xi32, #tpu.memory_space<hbm>>
            %dma_start3A_209 = tpu.memref_slice %arg4[%mul3A_189] : memref<160000xi32, #tpu.memory_space<hbm>> -> memref<64xi32, #tpu.memory_space<hbm>>
            tpu.enqueue_dma source(%dma_start3A_209 : memref<64xi32, #tpu.memory_space<hbm>>) target(%arg13 : memref<64xi32, #tpu.memory_space<vmem>>) target_semaphore(%run_scoped3A : memref<!tpu.dma_semaphore, #tpu.memory_space<semaphore_mem>>)
            %dma_wait3A_210 = tpu.memref_slice %arg4[%mul3A_189] : memref<160000xi32, #tpu.memory_space<hbm>> -> memref<64xi32, #tpu.memory_space<hbm>>
            %dma_wait3A_211 = tpu.memref_slice %arg4[%mul3A_189] : memref<160000xi32, #tpu.memory_space<hbm>> -> memref<64xi32, #tpu.memory_space<hbm>>
            tpu.wait_dma2 semaphore(%run_scoped3A : memref<!tpu.dma_semaphore, #tpu.memory_space<semaphore_mem>>) src(%dma_wait3A_211 : memref<64xi32, #tpu.memory_space<hbm>>) dst(%arg13 : memref<64xi32, #tpu.memory_space<vmem>>)
            tpu.yield
          }) : () -> ()
          %dma_start3A_190 = arith.constant 0 : i32
          %dma_start3A_191 = arith.constant 0 : i32
          %dma_start3A_192 = tpu.memref_slice %arg2[%dma_start3A_190, %dma_start3A_191] : memref<10000x256xf32, #tpu.memory_space<hbm>> -> memref<10000x256xf32, #tpu.memory_space<hbm>>
          tpu.enqueue_indirect_dma source(%dma_start3A_192 : memref<10000x256xf32, #tpu.memory_space<hbm>>) target(%arg16 : memref<64x256xf32, #tpu.memory_space<vmem>>) offsets(%arg10 : memref<64xi32, #tpu.memory_space<vmem>>) semaphore(%arg25 : memref<!tpu.dma_semaphore, #tpu.memory_space<semaphore_mem>>)
          %dma_start3A_193 = arith.constant 0 : i32
          %dma_start3A_194 = arith.constant 0 : i32
          %dma_start3A_195 = tpu.memref_slice %arg2[%dma_start3A_193, %dma_start3A_194] : memref<10000x256xf32, #tpu.memory_space<hbm>> -> memref<10000x256xf32, #tpu.memory_space<hbm>>
          tpu.enqueue_indirect_dma source(%dma_start3A_195 : memref<10000x256xf32, #tpu.memory_space<hbm>>) target(%arg19 : memref<64x256xf32, #tpu.memory_space<vmem>>) offsets(%arg13 : memref<64xi32, #tpu.memory_space<vmem>>) semaphore(%arg28 : memref<!tpu.dma_semaphore, #tpu.memory_space<semaphore_mem>>)
          %sub3A_196 = arith.constant 3 : i32
          %sub3A_197 = arith.subi %select_n3A, %sub3A_196 : i32
          %lt3A_198 = arith.cmpi slt, %add3A_175, %sub3A_197 : i32
          %convert_element_type3A_199 = arith.extui %lt3A_198 : i1 to i32
          %cond3A_200 = arith.constant 0 : i32
          %cond3A_201 = arith.cmpi ne, %convert_element_type3A_199, %cond3A_200 : i32
          scf.if %cond3A_201 {
            %dma_start3A_208 = arith.constant 0 : i32
            %dma_start3A_209 = tpu.memref_slice %arg22[%dma_start3A_208] : memref<10240xf32, #tpu.memory_space<vmem_shared>> -> memref<10240xf32, #tpu.memory_space<vmem_shared>>
            tpu.enqueue_indirect_dma source(%arg20 : memref<64xf32, #tpu.memory_space<vmem>>) target(%dma_start3A_209 : memref<10240xf32, #tpu.memory_space<vmem_shared>>) offsets(%arg10 : memref<64xi32, #tpu.memory_space<vmem>>) semaphore(%arg34 : memref<!tpu.dma_semaphore, #tpu.memory_space<semaphore_mem>>) {add = true}
          } else {
          }
          %sub3A_202 = arith.constant 3 : i32
          %sub3A_203 = arith.subi %select_n3A, %sub3A_202 : i32
          %ge3A_204 = arith.cmpi sge, %add3A_175, %sub3A_203 : i32
          %convert_element_type3A_205 = arith.extui %ge3A_204 : i1 to i32
          %cond3A_206 = arith.constant 0 : i32
          %cond3A_207 = arith.cmpi ne, %convert_element_type3A_205, %cond3A_206 : i32
          scf.if %cond3A_207 {
            "tpu.region"() ({
              %run_scoped3A = tpu.sem_alloc : memref<!tpu.dma_semaphore, #tpu.memory_space<semaphore_mem>>
              %dma_start3A_208 = arith.constant 0 : i32
              %dma_start3A_209 = tpu.memref_slice %arg22[%dma_start3A_208] : memref<10240xf32, #tpu.memory_space<vmem_shared>> -> memref<10240xf32, #tpu.memory_space<vmem_shared>>
              tpu.enqueue_indirect_dma source(%arg20 : memref<64xf32, #tpu.memory_space<vmem>>) target(%dma_start3A_209 : memref<10240xf32, #tpu.memory_space<vmem_shared>>) offsets(%arg10 : memref<64xi32, #tpu.memory_space<vmem>>) semaphore(%run_scoped3A : memref<!tpu.dma_semaphore, #tpu.memory_space<semaphore_mem>>) {add = true}
              %dma_wait3A_210 = arith.constant 0 : i32
              %dma_wait3A_211 = tpu.memref_slice %arg22[%dma_wait3A_210] : memref<10240xf32, #tpu.memory_space<vmem_shared>> -> memref<10240xf32, #tpu.memory_space<vmem_shared>>
              tpu.wait_indirect_dma semaphore(%run_scoped3A : memref<!tpu.dma_semaphore, #tpu.memory_space<semaphore_mem>>) src(%arg20 : memref<64xf32, #tpu.memory_space<vmem>>) dst(%dma_wait3A_211 : memref<10240xf32, #tpu.memory_space<vmem_shared>>)
              tpu.yield
            }) : () -> ()
          } else {
          }
        } else {
        }
        %dma_wait3A = arith.constant 0 : i32
        %dma_wait3A_146 = arith.constant 0 : i32
        %dma_wait3A_147 = tpu.memref_slice %arg2[%dma_wait3A, %dma_wait3A_146] : memref<10000x256xf32, #tpu.memory_space<hbm>> -> memref<10000x256xf32, #tpu.memory_space<hbm>>
        tpu.wait_indirect_dma semaphore(%arg24 : memref<!tpu.dma_semaphore, #tpu.memory_space<semaphore_mem>>) src(%dma_wait3A_147 : memref<10000x256xf32, #tpu.memory_space<hbm>>) dst(%arg15 : memref<64x256xf32, #tpu.memory_space<vmem>>)
        %dma_wait3A_148 = arith.constant 0 : i32
        %dma_wait3A_149 = arith.constant 0 : i32
        %dma_wait3A_150 = tpu.memref_slice %arg2[%dma_wait3A_148, %dma_wait3A_149] : memref<10000x256xf32, #tpu.memory_space<hbm>> -> memref<10000x256xf32, #tpu.memory_space<hbm>>
        tpu.wait_indirect_dma semaphore(%arg27 : memref<!tpu.dma_semaphore, #tpu.memory_space<semaphore_mem>>) src(%dma_wait3A_150 : memref<10000x256xf32, #tpu.memory_space<hbm>>) dst(%arg18 : memref<64x256xf32, #tpu.memory_space<vmem>>)
        %scan3A_151 = arith.constant 0 : i32
        %scan3A_152 = arith.constant 0 : i32
        %scan3A_153 = arith.constant 64 : i32
        %scan3A_154 = arith.addi %scan3A_152, %scan3A_153 : i32
        %scan3A_155 = arith.constant 1 : i32
        %scan3A_156 = scf.for %scan3A_169 = %scan3A_152 to %scan3A_154 step %scan3A_155 iter_args(%scan3A_170 = %scan3A_151) -> (i32)  : i32 {
          %get3A = arith.index_cast %scan3A_169 : i32 to index
          %get3A_171 = arith.constant 0 : index
          %get3A_172 = tpu.vector_load %arg15[%get3A, %get3A_171] {strides = array<i32>} : memref<64x256xf32, #tpu.memory_space<vmem>>, vector<1x16xf32>,
          %get3A_173 = vector.shape_cast %get3A_172 : vector<1x16xf32> to vector<16xf32>
          %get3A_174 = arith.index_cast %scan3A_169 : i32 to index
          %get3A_175 = arith.constant 0 : index
          %get3A_176 = tpu.vector_load %arg18[%get3A_174, %get3A_175] {strides = array<i32>} : memref<64x256xf32, #tpu.memory_space<vmem>>, vector<1x16xf32>,
          %get3A_177 = vector.shape_cast %get3A_176 : vector<1x16xf32> to vector<16xf32>
          %add3A_178 = arith.addf %get3A_173, %get3A_177 : vector<16xf32>
          %swap3A = arith.index_cast %scan3A_169 : i32 to index
          %swap3A_179 = arith.constant 0 : index
          %swap3A_180 = tpu.vector_load %arg15[%swap3A, %swap3A_179] {strides = array<i32>} : memref<64x256xf32, #tpu.memory_space<vmem>>, vector<1x16xf32>,
          %swap3A_181 = vector.shape_cast %swap3A_180 : vector<1x16xf32> to vector<16xf32>
          %swap3A_182 = vector.shape_cast %add3A_178 : vector<16xf32> to vector<1x16xf32>
          tpu.vector_store %arg15[%swap3A, %swap3A_179], %swap3A_182 {strides = array<i32>} : memref<64x256xf32, #tpu.memory_space<vmem>>, vector<1x16xf32>,
          %get3A_183 = arith.index_cast %scan3A_169 : i32 to index
          %get3A_184 = arith.constant 16 : index
          %get3A_185 = tpu.vector_load %arg15[%get3A_183, %get3A_184] {strides = array<i32>} : memref<64x256xf32, #tpu.memory_space<vmem>>, vector<1x16xf32>,
          %get3A_186 = vector.shape_cast %get3A_185 : vector<1x16xf32> to vector<16xf32>
          %get3A_187 = arith.index_cast %scan3A_169 : i32 to index
          %get3A_188 = arith.constant 16 : index
          %get3A_189 = tpu.vector_load %arg18[%get3A_187, %get3A_188] {strides = array<i32>} : memref<64x256xf32, #tpu.memory_space<vmem>>, vector<1x16xf32>,
          %get3A_190 = vector.shape_cast %get3A_189 : vector<1x16xf32> to vector<16xf32>
          %add3A_191 = arith.addf %get3A_186, %get3A_190 : vector<16xf32>
          %swap3A_192 = arith.index_cast %scan3A_169 : i32 to index
          %swap3A_193 = arith.constant 16 : index
          %swap3A_194 = tpu.vector_load %arg15[%swap3A_192, %swap3A_193] {strides = array<i32>} : memref<64x256xf32, #tpu.memory_space<vmem>>, vector<1x16xf32>,
          %swap3A_195 = vector.shape_cast %swap3A_194 : vector<1x16xf32> to vector<16xf32>
          %swap3A_196 = vector.shape_cast %add3A_191 : vector<16xf32> to vector<1x16xf32>
          tpu.vector_store %arg15[%swap3A_192, %swap3A_193], %swap3A_196 {strides = array<i32>} : memref<64x256xf32, #tpu.memory_space<vmem>>, vector<1x16xf32>,
          %get3A_197 = arith.index_cast %scan3A_169 : i32 to index
          %get3A_198 = arith.constant 32 : index
          %get3A_199 = tpu.vector_load %arg15[%get3A_197, %get3A_198] {strides = array<i32>} : memref<64x256xf32, #tpu.memory_space<vmem>>, vector<1x16xf32>,
          %get3A_200 = vector.shape_cast %get3A_199 : vector<1x16xf32> to vector<16xf32>
          %get3A_201 = arith.index_cast %scan3A_169 : i32 to index
          %get3A_202 = arith.constant 32 : index
          %get3A_203 = tpu.vector_load %arg18[%get3A_201, %get3A_202] {strides = array<i32>} : memref<64x256xf32, #tpu.memory_space<vmem>>, vector<1x16xf32>,
          %get3A_204 = vector.shape_cast %get3A_203 : vector<1x16xf32> to vector<16xf32>
          %add3A_205 = arith.addf %get3A_200, %get3A_204 : vector<16xf32>
          %swap3A_206 = arith.index_cast %scan3A_169 : i32 to index
          %swap3A_207 = arith.constant 32 : index
          %swap3A_208 = tpu.vector_load %arg15[%swap3A_206, %swap3A_207] {strides = array<i32>} : memref<64x256xf32, #tpu.memory_space<vmem>>, vector<1x16xf32>,
          %swap3A_209 = vector.shape_cast %swap3A_208 : vector<1x16xf32> to vector<16xf32>
          %swap3A_210 = vector.shape_cast %add3A_205 : vector<16xf32> to vector<1x16xf32>
          tpu.vector_store %arg15[%swap3A_206, %swap3A_207], %swap3A_210 {strides = array<i32>} : memref<64x256xf32, #tpu.memory_space<vmem>>, vector<1x16xf32>,
          %get3A_211 = arith.index_cast %scan3A_169 : i32 to index
          %get3A_212 = arith.constant 48 : index
          %get3A_213 = tpu.vector_load %arg15[%get3A_211, %get3A_212] {strides = array<i32>} : memref<64x256xf32, #tpu.memory_space<vmem>>, vector<1x16xf32>,
          %get3A_214 = vector.shape_cast %get3A_213 : vector<1x16xf32> to vector<16xf32>
          %get3A_215 = arith.index_cast %scan3A_169 : i32 to index
          %get3A_216 = arith.constant 48 : index
          %get3A_217 = tpu.vector_load %arg18[%get3A_215, %get3A_216] {strides = array<i32>} : memref<64x256xf32, #tpu.memory_space<vmem>>, vector<1x16xf32>,
          %get3A_218 = vector.shape_cast %get3A_217 : vector<1x16xf32> to vector<16xf32>
          %add3A_219 = arith.addf %get3A_214, %get3A_218 : vector<16xf32>
          %swap3A_220 = arith.index_cast %scan3A_169 : i32 to index
          %swap3A_221 = arith.constant 48 : index
          %swap3A_222 = tpu.vector_load %arg15[%swap3A_220, %swap3A_221] {strides = array<i32>} : memref<64x256xf32, #tpu.memory_space<vmem>>, vector<1x16xf32>,
          %swap3A_223 = vector.shape_cast %swap3A_222 : vector<1x16xf32> to vector<16xf32>
          %swap3A_224 = vector.shape_cast %add3A_219 : vector<16xf32> to vector<1x16xf32>
          tpu.vector_store %arg15[%swap3A_220, %swap3A_221], %swap3A_224 {strides = array<i32>} : memref<64x256xf32, #tpu.memory_space<vmem>>, vector<1x16xf32>,
          %get3A_225 = arith.index_cast %scan3A_169 : i32 to index
          %get3A_226 = arith.constant 64 : index
          %get3A_227 = tpu.vector_load %arg15[%get3A_225, %get3A_226] {strides = array<i32>} : memref<64x256xf32, #tpu.memory_space<vmem>>, vector<1x16xf32>,
          %get3A_228 = vector.shape_cast %get3A_227 : vector<1x16xf32> to vector<16xf32>
          %get3A_229 = arith.index_cast %scan3A_169 : i32 to index
          %get3A_230 = arith.constant 64 : index
          %get3A_231 = tpu.vector_load %arg18[%get3A_229, %get3A_230] {strides = array<i32>} : memref<64x256xf32, #tpu.memory_space<vmem>>, vector<1x16xf32>,
          %get3A_232 = vector.shape_cast %get3A_231 : vector<1x16xf32> to vector<16xf32>
          %add3A_233 = arith.addf %get3A_228, %get3A_232 : vector<16xf32>
          %swap3A_234 = arith.index_cast %scan3A_169 : i32 to index
          %swap3A_235 = arith.constant 64 : index
          %swap3A_236 = tpu.vector_load %arg15[%swap3A_234, %swap3A_235] {strides = array<i32>} : memref<64x256xf32, #tpu.memory_space<vmem>>, vector<1x16xf32>,
          %swap3A_237 = vector.shape_cast %swap3A_236 : vector<1x16xf32> to vector<16xf32>
          %swap3A_238 = vector.shape_cast %add3A_233 : vector<16xf32> to vector<1x16xf32>
          tpu.vector_store %arg15[%swap3A_234, %swap3A_235], %swap3A_238 {strides = array<i32>} : memref<64x256xf32, #tpu.memory_space<vmem>>, vector<1x16xf32>,
          %get3A_239 = arith.index_cast %scan3A_169 : i32 to index
          %get3A_240 = arith.constant 80 : index
          %get3A_241 = tpu.vector_load %arg15[%get3A_239, %get3A_240] {strides = array<i32>} : memref<64x256xf32, #tpu.memory_space<vmem>>, vector<1x16xf32>,
          %get3A_242 = vector.shape_cast %get3A_241 : vector<1x16xf32> to vector<16xf32>
          %get3A_243 = arith.index_cast %scan3A_169 : i32 to index
          %get3A_244 = arith.constant 80 : index
          %get3A_245 = tpu.vector_load %arg18[%get3A_243, %get3A_244] {strides = array<i32>} : memref<64x256xf32, #tpu.memory_space<vmem>>, vector<1x16xf32>,
          %get3A_246 = vector.shape_cast %get3A_245 : vector<1x16xf32> to vector<16xf32>
          %add3A_247 = arith.addf %get3A_242, %get3A_246 : vector<16xf32>
          %swap3A_248 = arith.index_cast %scan3A_169 : i32 to index
          %swap3A_249 = arith.constant 80 : index
          %swap3A_250 = tpu.vector_load %arg15[%swap3A_248, %swap3A_249] {strides = array<i32>} : memref<64x256xf32, #tpu.memory_space<vmem>>, vector<1x16xf32>,
          %swap3A_251 = vector.shape_cast %swap3A_250 : vector<1x16xf32> to vector<16xf32>
          %swap3A_252 = vector.shape_cast %add3A_247 : vector<16xf32> to vector<1x16xf32>
          tpu.vector_store %arg15[%swap3A_248, %swap3A_249], %swap3A_252 {strides = array<i32>} : memref<64x256xf32, #tpu.memory_space<vmem>>, vector<1x16xf32>,
          %get3A_253 = arith.index_cast %scan3A_169 : i32 to index
          %get3A_254 = arith.constant 96 : index
          %get3A_255 = tpu.vector_load %arg15[%get3A_253, %get3A_254] {strides = array<i32>} : memref<64x256xf32, #tpu.memory_space<vmem>>, vector<1x16xf32>,
          %get3A_256 = vector.shape_cast %get3A_255 : vector<1x16xf32> to vector<16xf32>
          %get3A_257 = arith.index_cast %scan3A_169 : i32 to index
          %get3A_258 = arith.constant 96 : index
          %get3A_259 = tpu.vector_load %arg18[%get3A_257, %get3A_258] {strides = array<i32>} : memref<64x256xf32, #tpu.memory_space<vmem>>, vector<1x16xf32>,
          %get3A_260 = vector.shape_cast %get3A_259 : vector<1x16xf32> to vector<16xf32>
          %add3A_261 = arith.addf %get3A_256, %get3A_260 : vector<16xf32>
          %swap3A_262 = arith.index_cast %scan3A_169 : i32 to index
          %swap3A_263 = arith.constant 96 : index
          %swap3A_264 = tpu.vector_load %arg15[%swap3A_262, %swap3A_263] {strides = array<i32>} : memref<64x256xf32, #tpu.memory_space<vmem>>, vector<1x16xf32>,
          %swap3A_265 = vector.shape_cast %swap3A_264 : vector<1x16xf32> to vector<16xf32>
          %swap3A_266 = vector.shape_cast %add3A_261 : vector<16xf32> to vector<1x16xf32>
          tpu.vector_store %arg15[%swap3A_262, %swap3A_263], %swap3A_266 {strides = array<i32>} : memref<64x256xf32, #tpu.memory_space<vmem>>, vector<1x16xf32>,
          %get3A_267 = arith.index_cast %scan3A_169 : i32 to index
          %get3A_268 = arith.constant 112 : index
          %get3A_269 = tpu.vector_load %arg15[%get3A_267, %get3A_268] {strides = array<i32>} : memref<64x256xf32, #tpu.memory_space<vmem>>, vector<1x16xf32>,
          %get3A_270 = vector.shape_cast %get3A_269 : vector<1x16xf32> to vector<16xf32>
          %get3A_271 = arith.index_cast %scan3A_169 : i32 to index
          %get3A_272 = arith.constant 112 : index
          %get3A_273 = tpu.vector_load %arg18[%get3A_271, %get3A_272] {strides = array<i32>} : memref<64x256xf32, #tpu.memory_space<vmem>>, vector<1x16xf32>,
          %get3A_274 = vector.shape_cast %get3A_273 : vector<1x16xf32> to vector<16xf32>
          %add3A_275 = arith.addf %get3A_270, %get3A_274 : vector<16xf32>
          %swap3A_276 = arith.index_cast %scan3A_169 : i32 to index
          %swap3A_277 = arith.constant 112 : index
          %swap3A_278 = tpu.vector_load %arg15[%swap3A_276, %swap3A_277] {strides = array<i32>} : memref<64x256xf32, #tpu.memory_space<vmem>>, vector<1x16xf32>,
          %swap3A_279 = vector.shape_cast %swap3A_278 : vector<1x16xf32> to vector<16xf32>
          %swap3A_280 = vector.shape_cast %add3A_275 : vector<16xf32> to vector<1x16xf32>
          tpu.vector_store %arg15[%swap3A_276, %swap3A_277], %swap3A_280 {strides = array<i32>} : memref<64x256xf32, #tpu.memory_space<vmem>>, vector<1x16xf32>,
          %get3A_281 = arith.index_cast %scan3A_169 : i32 to index
          %get3A_282 = arith.constant 128 : index
          %get3A_283 = tpu.vector_load %arg15[%get3A_281, %get3A_282] {strides = array<i32>} : memref<64x256xf32, #tpu.memory_space<vmem>>, vector<1x16xf32>,
          %get3A_284 = vector.shape_cast %get3A_283 : vector<1x16xf32> to vector<16xf32>
          %get3A_285 = arith.index_cast %scan3A_169 : i32 to index
          %get3A_286 = arith.constant 128 : index
          %get3A_287 = tpu.vector_load %arg18[%get3A_285, %get3A_286] {strides = array<i32>} : memref<64x256xf32, #tpu.memory_space<vmem>>, vector<1x16xf32>,
          %get3A_288 = vector.shape_cast %get3A_287 : vector<1x16xf32> to vector<16xf32>
          %add3A_289 = arith.addf %get3A_284, %get3A_288 : vector<16xf32>
          %swap3A_290 = arith.index_cast %scan3A_169 : i32 to index
          %swap3A_291 = arith.constant 128 : index
          %swap3A_292 = tpu.vector_load %arg15[%swap3A_290, %swap3A_291] {strides = array<i32>} : memref<64x256xf32, #tpu.memory_space<vmem>>, vector<1x16xf32>,
          %swap3A_293 = vector.shape_cast %swap3A_292 : vector<1x16xf32> to vector<16xf32>
          %swap3A_294 = vector.shape_cast %add3A_289 : vector<16xf32> to vector<1x16xf32>
          tpu.vector_store %arg15[%swap3A_290, %swap3A_291], %swap3A_294 {strides = array<i32>} : memref<64x256xf32, #tpu.memory_space<vmem>>, vector<1x16xf32>,
          %get3A_295 = arith.index_cast %scan3A_169 : i32 to index
          %get3A_296 = arith.constant 144 : index
          %get3A_297 = tpu.vector_load %arg15[%get3A_295, %get3A_296] {strides = array<i32>} : memref<64x256xf32, #tpu.memory_space<vmem>>, vector<1x16xf32>,
          %get3A_298 = vector.shape_cast %get3A_297 : vector<1x16xf32> to vector<16xf32>
          %get3A_299 = arith.index_cast %scan3A_169 : i32 to index
          %get3A_300 = arith.constant 144 : index
          %get3A_301 = tpu.vector_load %arg18[%get3A_299, %get3A_300] {strides = array<i32>} : memref<64x256xf32, #tpu.memory_space<vmem>>, vector<1x16xf32>,
          %get3A_302 = vector.shape_cast %get3A_301 : vector<1x16xf32> to vector<16xf32>
          %add3A_303 = arith.addf %get3A_298, %get3A_302 : vector<16xf32>
          %swap3A_304 = arith.index_cast %scan3A_169 : i32 to index
          %swap3A_305 = arith.constant 144 : index
          %swap3A_306 = tpu.vector_load %arg15[%swap3A_304, %swap3A_305] {strides = array<i32>} : memref<64x256xf32, #tpu.memory_space<vmem>>, vector<1x16xf32>,
          %swap3A_307 = vector.shape_cast %swap3A_306 : vector<1x16xf32> to vector<16xf32>
          %swap3A_308 = vector.shape_cast %add3A_303 : vector<16xf32> to vector<1x16xf32>
          tpu.vector_store %arg15[%swap3A_304, %swap3A_305], %swap3A_308 {strides = array<i32>} : memref<64x256xf32, #tpu.memory_space<vmem>>, vector<1x16xf32>,
          %get3A_309 = arith.index_cast %scan3A_169 : i32 to index
          %get3A_310 = arith.constant 160 : index
          %get3A_311 = tpu.vector_load %arg15[%get3A_309, %get3A_310] {strides = array<i32>} : memref<64x256xf32, #tpu.memory_space<vmem>>, vector<1x16xf32>,
          %get3A_312 = vector.shape_cast %get3A_311 : vector<1x16xf32> to vector<16xf32>
          %get3A_313 = arith.index_cast %scan3A_169 : i32 to index
          %get3A_314 = arith.constant 160 : index
          %get3A_315 = tpu.vector_load %arg18[%get3A_313, %get3A_314] {strides = array<i32>} : memref<64x256xf32, #tpu.memory_space<vmem>>, vector<1x16xf32>,
          %get3A_316 = vector.shape_cast %get3A_315 : vector<1x16xf32> to vector<16xf32>
          %add3A_317 = arith.addf %get3A_312, %get3A_316 : vector<16xf32>
          %swap3A_318 = arith.index_cast %scan3A_169 : i32 to index
          %swap3A_319 = arith.constant 160 : index
          %swap3A_320 = tpu.vector_load %arg15[%swap3A_318, %swap3A_319] {strides = array<i32>} : memref<64x256xf32, #tpu.memory_space<vmem>>, vector<1x16xf32>,
          %swap3A_321 = vector.shape_cast %swap3A_320 : vector<1x16xf32> to vector<16xf32>
          %swap3A_322 = vector.shape_cast %add3A_317 : vector<16xf32> to vector<1x16xf32>
          tpu.vector_store %arg15[%swap3A_318, %swap3A_319], %swap3A_322 {strides = array<i32>} : memref<64x256xf32, #tpu.memory_space<vmem>>, vector<1x16xf32>,
          %get3A_323 = arith.index_cast %scan3A_169 : i32 to index
          %get3A_324 = arith.constant 176 : index
          %get3A_325 = tpu.vector_load %arg15[%get3A_323, %get3A_324] {strides = array<i32>} : memref<64x256xf32, #tpu.memory_space<vmem>>, vector<1x16xf32>,
          %get3A_326 = vector.shape_cast %get3A_325 : vector<1x16xf32> to vector<16xf32>
          %get3A_327 = arith.index_cast %scan3A_169 : i32 to index
          %get3A_328 = arith.constant 176 : index
          %get3A_329 = tpu.vector_load %arg18[%get3A_327, %get3A_328] {strides = array<i32>} : memref<64x256xf32, #tpu.memory_space<vmem>>, vector<1x16xf32>,
          %get3A_330 = vector.shape_cast %get3A_329 : vector<1x16xf32> to vector<16xf32>
          %add3A_331 = arith.addf %get3A_326, %get3A_330 : vector<16xf32>
          %swap3A_332 = arith.index_cast %scan3A_169 : i32 to index
          %swap3A_333 = arith.constant 176 : index
          %swap3A_334 = tpu.vector_load %arg15[%swap3A_332, %swap3A_333] {strides = array<i32>} : memref<64x256xf32, #tpu.memory_space<vmem>>, vector<1x16xf32>,
          %swap3A_335 = vector.shape_cast %swap3A_334 : vector<1x16xf32> to vector<16xf32>
          %swap3A_336 = vector.shape_cast %add3A_331 : vector<16xf32> to vector<1x16xf32>
          tpu.vector_store %arg15[%swap3A_332, %swap3A_333], %swap3A_336 {strides = array<i32>} : memref<64x256xf32, #tpu.memory_space<vmem>>, vector<1x16xf32>,
          %get3A_337 = arith.index_cast %scan3A_169 : i32 to index
          %get3A_338 = arith.constant 192 : index
          %get3A_339 = tpu.vector_load %arg15[%get3A_337, %get3A_338] {strides = array<i32>} : memref<64x256xf32, #tpu.memory_space<vmem>>, vector<1x16xf32>,
          %get3A_340 = vector.shape_cast %get3A_339 : vector<1x16xf32> to vector<16xf32>
          %get3A_341 = arith.index_cast %scan3A_169 : i32 to index
          %get3A_342 = arith.constant 192 : index
          %get3A_343 = tpu.vector_load %arg18[%get3A_341, %get3A_342] {strides = array<i32>} : memref<64x256xf32, #tpu.memory_space<vmem>>, vector<1x16xf32>,
          %get3A_344 = vector.shape_cast %get3A_343 : vector<1x16xf32> to vector<16xf32>
          %add3A_345 = arith.addf %get3A_340, %get3A_344 : vector<16xf32>
          %swap3A_346 = arith.index_cast %scan3A_169 : i32 to index
          %swap3A_347 = arith.constant 192 : index
          %swap3A_348 = tpu.vector_load %arg15[%swap3A_346, %swap3A_347] {strides = array<i32>} : memref<64x256xf32, #tpu.memory_space<vmem>>, vector<1x16xf32>,
          %swap3A_349 = vector.shape_cast %swap3A_348 : vector<1x16xf32> to vector<16xf32>
          %swap3A_350 = vector.shape_cast %add3A_345 : vector<16xf32> to vector<1x16xf32>
          tpu.vector_store %arg15[%swap3A_346, %swap3A_347], %swap3A_350 {strides = array<i32>} : memref<64x256xf32, #tpu.memory_space<vmem>>, vector<1x16xf32>,
          %get3A_351 = arith.index_cast %scan3A_169 : i32 to index
          %get3A_352 = arith.constant 208 : index
          %get3A_353 = tpu.vector_load %arg15[%get3A_351, %get3A_352] {strides = array<i32>} : memref<64x256xf32, #tpu.memory_space<vmem>>, vector<1x16xf32>,
          %get3A_354 = vector.shape_cast %get3A_353 : vector<1x16xf32> to vector<16xf32>
          %get3A_355 = arith.index_cast %scan3A_169 : i32 to index
          %get3A_356 = arith.constant 208 : index
          %get3A_357 = tpu.vector_load %arg18[%get3A_355, %get3A_356] {strides = array<i32>} : memref<64x256xf32, #tpu.memory_space<vmem>>, vector<1x16xf32>,
          %get3A_358 = vector.shape_cast %get3A_357 : vector<1x16xf32> to vector<16xf32>
          %add3A_359 = arith.addf %get3A_354, %get3A_358 : vector<16xf32>
          %swap3A_360 = arith.index_cast %scan3A_169 : i32 to index
          %swap3A_361 = arith.constant 208 : index
          %swap3A_362 = tpu.vector_load %arg15[%swap3A_360, %swap3A_361] {strides = array<i32>} : memref<64x256xf32, #tpu.memory_space<vmem>>, vector<1x16xf32>,
          %swap3A_363 = vector.shape_cast %swap3A_362 : vector<1x16xf32> to vector<16xf32>
          %swap3A_364 = vector.shape_cast %add3A_359 : vector<16xf32> to vector<1x16xf32>
          tpu.vector_store %arg15[%swap3A_360, %swap3A_361], %swap3A_364 {strides = array<i32>} : memref<64x256xf32, #tpu.memory_space<vmem>>, vector<1x16xf32>,
          %get3A_365 = arith.index_cast %scan3A_169 : i32 to index
          %get3A_366 = arith.constant 224 : index
          %get3A_367 = tpu.vector_load %arg15[%get3A_365, %get3A_366] {strides = array<i32>} : memref<64x256xf32, #tpu.memory_space<vmem>>, vector<1x16xf32>,
          %get3A_368 = vector.shape_cast %get3A_367 : vector<1x16xf32> to vector<16xf32>
          %get3A_369 = arith.index_cast %scan3A_169 : i32 to index
          %get3A_370 = arith.constant 224 : index
          %get3A_371 = tpu.vector_load %arg18[%get3A_369, %get3A_370] {strides = array<i32>} : memref<64x256xf32, #tpu.memory_space<vmem>>, vector<1x16xf32>,
          %get3A_372 = vector.shape_cast %get3A_371 : vector<1x16xf32> to vector<16xf32>
          %add3A_373 = arith.addf %get3A_368, %get3A_372 : vector<16xf32>
          %swap3A_374 = arith.index_cast %scan3A_169 : i32 to index
          %swap3A_375 = arith.constant 224 : index
          %swap3A_376 = tpu.vector_load %arg15[%swap3A_374, %swap3A_375] {strides = array<i32>} : memref<64x256xf32, #tpu.memory_space<vmem>>, vector<1x16xf32>,
          %swap3A_377 = vector.shape_cast %swap3A_376 : vector<1x16xf32> to vector<16xf32>
          %swap3A_378 = vector.shape_cast %add3A_373 : vector<16xf32> to vector<1x16xf32>
          tpu.vector_store %arg15[%swap3A_374, %swap3A_375], %swap3A_378 {strides = array<i32>} : memref<64x256xf32, #tpu.memory_space<vmem>>, vector<1x16xf32>,
          %get3A_379 = arith.index_cast %scan3A_169 : i32 to index
          %get3A_380 = arith.constant 240 : index
          %get3A_381 = tpu.vector_load %arg15[%get3A_379, %get3A_380] {strides = array<i32>} : memref<64x256xf32, #tpu.memory_space<vmem>>, vector<1x16xf32>,
          %get3A_382 = vector.shape_cast %get3A_381 : vector<1x16xf32> to vector<16xf32>
          %get3A_383 = arith.index_cast %scan3A_169 : i32 to index
          %get3A_384 = arith.constant 240 : index
          %get3A_385 = tpu.vector_load %arg18[%get3A_383, %get3A_384] {strides = array<i32>} : memref<64x256xf32, #tpu.memory_space<vmem>>, vector<1x16xf32>,
          %get3A_386 = vector.shape_cast %get3A_385 : vector<1x16xf32> to vector<16xf32>
          %add3A_387 = arith.addf %get3A_382, %get3A_386 : vector<16xf32>
          %swap3A_388 = arith.index_cast %scan3A_169 : i32 to index
          %swap3A_389 = arith.constant 240 : index
          %swap3A_390 = tpu.vector_load %arg15[%swap3A_388, %swap3A_389] {strides = array<i32>} : memref<64x256xf32, #tpu.memory_space<vmem>>, vector<1x16xf32>,
          %swap3A_391 = vector.shape_cast %swap3A_390 : vector<1x16xf32> to vector<16xf32>
          %swap3A_392 = vector.shape_cast %add3A_387 : vector<16xf32> to vector<1x16xf32>
          tpu.vector_store %arg15[%swap3A_388, %swap3A_389], %swap3A_392 {strides = array<i32>} : memref<64x256xf32, #tpu.memory_space<vmem>>, vector<1x16xf32>,
          %scan3A_393 = arith.constant 0 : i32
          scf.yield %scan3A_393 : i32
        }
        %scan3A_157 = arith.constant 64 : i32
        %sub3A_158 = arith.constant 3 : i32
        %sub3A_159 = arith.subi %select_n3A, %sub3A_158 : i32
        %lt3A_160 = arith.cmpi slt, %add3A_126, %sub3A_159 : i32
        %convert_element_type3A_161 = arith.extui %lt3A_160 : i1 to i32
        %cond3A_162 = arith.constant 0 : i32
        %cond3A_163 = arith.cmpi ne, %convert_element_type3A_161, %cond3A_162 : i32
        scf.if %cond3A_163 {
          %mul3A_169 = arith.constant 32 : i32
          %mul3A_170 = arith.muli %add3A_126, %mul3A_169 : i32
          %add3A_171 = arith.addi %add3A, %mul3A_170 : i32
          %mul3A_172 = arith.constant 64 : i32
          %mul3A_173 = arith.muli %add3A_171, %mul3A_172 : i32
          %dma_start3A_174 = arith.constant 0 : i32
          %dma_start3A_175 = tpu.memref_slice %arg5[%mul3A_173, %dma_start3A_174] : memref<80000x256xf32, #tpu.memory_space<hbm>> -> memref<64x256xf32, #tpu.memory_space<hbm>>
          %dma_start3A_176 = arith.constant 0 : i32
          %dma_start3A_177 = tpu.memref_slice %arg5[%mul3A_173, %dma_start3A_176] : memref<80000x256xf32, #tpu.memory_space<hbm>> -> memref<64x256xf32, #tpu.memory_space<hbm>>
          tpu.enqueue_dma source(%arg15 : memref<64x256xf32, #tpu.memory_space<vmem>>) target(%dma_start3A_177 : memref<64x256xf32, #tpu.memory_space<hbm>>) target_semaphore(%arg30 : memref<!tpu.dma_semaphore, #tpu.memory_space<semaphore_mem>>)
        } else {
        }
        %sub3A_164 = arith.constant 3 : i32
        %sub3A_165 = arith.subi %select_n3A, %sub3A_164 : i32
        %ge3A = arith.cmpi sge, %add3A_126, %sub3A_165 : i32
        %convert_element_type3A_166 = arith.extui %ge3A : i1 to i32
        %cond3A_167 = arith.constant 0 : i32
        %cond3A_168 = arith.cmpi ne, %convert_element_type3A_166, %cond3A_167 : i32
        scf.if %cond3A_168 {
          %mul3A_169 = arith.constant 32 : i32
          %mul3A_170 = arith.muli %add3A_126, %mul3A_169 : i32
          %add3A_171 = arith.addi %add3A, %mul3A_170 : i32
          %mul3A_172 = arith.constant 64 : i32
          %mul3A_173 = arith.muli %add3A_171, %mul3A_172 : i32
          "tpu.region"() ({
            %run_scoped3A = tpu.sem_alloc : memref<!tpu.dma_semaphore, #tpu.memory_space<semaphore_mem>>
            %dma_start3A_174 = arith.constant 0 : i32
            %dma_start3A_175 = tpu.memref_slice %arg5[%mul3A_173, %dma_start3A_174] : memref<80000x256xf32, #tpu.memory_space<hbm>> -> memref<64x256xf32, #tpu.memory_space<hbm>>
            %dma_start3A_176 = arith.constant 0 : i32
            %dma_start3A_177 = tpu.memref_slice %arg5[%mul3A_173, %dma_start3A_176] : memref<80000x256xf32, #tpu.memory_space<hbm>> -> memref<64x256xf32, #tpu.memory_space<hbm>>
            tpu.enqueue_dma source(%arg15 : memref<64x256xf32, #tpu.memory_space<vmem>>) target(%dma_start3A_177 : memref<64x256xf32, #tpu.memory_space<hbm>>) target_semaphore(%run_scoped3A : memref<!tpu.dma_semaphore, #tpu.memory_space<semaphore_mem>>)
            %dma_wait3A_178 = arith.constant 0 : i32
            %dma_wait3A_179 = tpu.memref_slice %arg5[%mul3A_173, %dma_wait3A_178] : memref<80000x256xf32, #tpu.memory_space<hbm>> -> memref<64x256xf32, #tpu.memory_space<hbm>>
            %dma_wait3A_180 = arith.constant 0 : i32
            %dma_wait3A_181 = tpu.memref_slice %arg5[%mul3A_173, %dma_wait3A_180] : memref<80000x256xf32, #tpu.memory_space<hbm>> -> memref<64x256xf32, #tpu.memory_space<hbm>>
            tpu.wait_dma2 semaphore(%run_scoped3A : memref<!tpu.dma_semaphore, #tpu.memory_space<semaphore_mem>>) src(%arg15 : memref<64x256xf32, #tpu.memory_space<vmem>>) dst(%dma_wait3A_181 : memref<64x256xf32, #tpu.memory_space<hbm>>)
            tpu.yield
          }) : () -> ()
        } else {
        }
      } else {
      }
      %mul3A_131 = arith.constant 3 : i32
      %mul3A_132 = arith.muli %mul3A_131, %while3A_116 : i32
      %add3A_133 = arith.constant 2 : i32
      %add3A_134 = arith.addi %mul3A_132, %add3A_133 : i32
      %lt3A_135 = arith.cmpi slt, %add3A_134, %select_n3A : i32
      %convert_element_type3A_136 = arith.extui %lt3A_135 : i1 to i32
      %cond3A_137 = arith.constant 0 : i32
      %cond3A_138 = arith.cmpi ne, %convert_element_type3A_136, %cond3A_137 : i32
      scf.if %cond3A_138 {
        %add3A_140 = arith.constant 1 : i32
        %add3A_141 = arith.addi %add3A_134, %add3A_140 : i32
        %lt3A_142 = arith.cmpi slt, %add3A_141, %select_n3A : i32
        %convert_element_type3A_143 = arith.extui %lt3A_142 : i1 to i32
        %cond3A_144 = arith.constant 0 : i32
        %cond3A_145 = arith.cmpi ne, %convert_element_type3A_143, %cond3A_144 : i32
        scf.if %cond3A_145 {
          %ge3A_169 = arith.constant 2 : i32
          %ge3A_170 = arith.cmpi sge, %add3A_134, %ge3A_169 : i32
          %convert_element_type3A_171 = arith.extui %ge3A_170 : i1 to i32
          %cond3A_172 = arith.constant 0 : i32
          %cond3A_173 = arith.cmpi ne, %convert_element_type3A_171, %cond3A_172 : i32
          scf.if %cond3A_173 {
            %dma_wait3A_208 = arith.constant 0 : i32
            %dma_wait3A_209 = arith.constant 0 : i32
            %dma_wait3A_210 = tpu.memref_slice %arg5[%dma_wait3A_208, %dma_wait3A_209] : memref<80000x256xf32, #tpu.memory_space<hbm>> -> memref<64x256xf32, #tpu.memory_space<hbm>>
            %dma_wait3A_211 = arith.constant 0 : i32
            %dma_wait3A_212 = arith.constant 0 : i32
            %dma_wait3A_213 = tpu.memref_slice %arg5[%dma_wait3A_211, %dma_wait3A_212] : memref<80000x256xf32, #tpu.memory_space<hbm>> -> memref<64x256xf32, #tpu.memory_space<hbm>>
            tpu.wait_dma2 semaphore(%arg29 : memref<!tpu.dma_semaphore, #tpu.memory_space<semaphore_mem>>) src(%arg14 : memref<64x256xf32, #tpu.memory_space<vmem>>) dst(%dma_wait3A_213 : memref<64x256xf32, #tpu.memory_space<hbm>>)
            %dma_wait3A_214 = arith.constant 0 : i32
            %dma_wait3A_215 = tpu.memref_slice %arg6[%dma_wait3A_214] : memref<10240xf32, #tpu.memory_space<hbm>> -> memref<64xf32, #tpu.memory_space<hbm>>
            %dma_wait3A_216 = arith.constant 0 : i32
            %dma_wait3A_217 = tpu.memref_slice %arg6[%dma_wait3A_216] : memref<10240xf32, #tpu.memory_space<hbm>> -> memref<64xf32, #tpu.memory_space<hbm>>
            tpu.wait_dma2 semaphore(%arg32 : memref<!tpu.dma_semaphore, #tpu.memory_space<semaphore_mem>>) src(%dma_wait3A_217 : memref<64xf32, #tpu.memory_space<hbm>>) dst(%arg20 : memref<64xf32, #tpu.memory_space<vmem>>)
          } else {
          }
          %add3A_174 = arith.constant 1 : i32
          %add3A_175 = arith.addi %add3A_134, %add3A_174 : i32
          %add3A_176 = arith.constant 0 : i32
          %add3A_177 = arith.addi %add3A_176, %add3A : i32
          %mul3A_178 = arith.constant 32 : i32
          %mul3A_179 = arith.muli %add3A_175, %mul3A_178 : i32
          %add3A_180 = arith.addi %add3A_177, %mul3A_179 : i32
          %mul3A_181 = arith.constant 64 : i32
          %mul3A_182 = arith.muli %add3A_180, %mul3A_181 : i32
          "tpu.region"() ({
            %run_scoped3A = tpu.sem_alloc : memref<!tpu.dma_semaphore, #tpu.memory_space<semaphore_mem>>
            %dma_start3A_208 = tpu.memref_slice %arg3[%mul3A_182] : memref<160000xi32, #tpu.memory_space<hbm>> -> memref<64xi32, #tpu.memory_space<hbm>>
            %dma_start3A_209 = tpu.memref_slice %arg3[%mul3A_182] : memref<160000xi32, #tpu.memory_space<hbm>> -> memref<64xi32, #tpu.memory_space<hbm>>
            tpu.enqueue_dma source(%dma_start3A_209 : memref<64xi32, #tpu.memory_space<hbm>>) target(%arg8 : memref<64xi32, #tpu.memory_space<vmem>>) target_semaphore(%run_scoped3A : memref<!tpu.dma_semaphore, #tpu.memory_space<semaphore_mem>>)
            %dma_wait3A_210 = tpu.memref_slice %arg3[%mul3A_182] : memref<160000xi32, #tpu.memory_space<hbm>> -> memref<64xi32, #tpu.memory_space<hbm>>
            %dma_wait3A_211 = tpu.memref_slice %arg3[%mul3A_182] : memref<160000xi32, #tpu.memory_space<hbm>> -> memref<64xi32, #tpu.memory_space<hbm>>
            tpu.wait_dma2 semaphore(%run_scoped3A : memref<!tpu.dma_semaphore, #tpu.memory_space<semaphore_mem>>) src(%dma_wait3A_211 : memref<64xi32, #tpu.memory_space<hbm>>) dst(%arg8 : memref<64xi32, #tpu.memory_space<vmem>>)
            tpu.yield
          }) : () -> ()
          %add3A_183 = arith.constant 0 : i32
          %add3A_184 = arith.addi %add3A_183, %add3A : i32
          %mul3A_185 = arith.constant 32 : i32
          %mul3A_186 = arith.muli %add3A_175, %mul3A_185 : i32
          %add3A_187 = arith.addi %add3A_184, %mul3A_186 : i32
          %mul3A_188 = arith.constant 64 : i32
          %mul3A_189 = arith.muli %add3A_187, %mul3A_188 : i32
          "tpu.region"() ({
            %run_scoped3A = tpu.sem_alloc : memref<!tpu.dma_semaphore, #tpu.memory_space<semaphore_mem>>
            %dma_start3A_208 = tpu.memref_slice %arg4[%mul3A_189] : memref<160000xi32, #tpu.memory_space<hbm>> -> memref<64xi32, #tpu.memory_space<hbm>>
            %dma_start3A_209 = tpu.memref_slice %arg4[%mul3A_189] : memref<160000xi32, #tpu.memory_space<hbm>> -> memref<64xi32, #tpu.memory_space<hbm>>
            tpu.enqueue_dma source(%dma_start3A_209 : memref<64xi32, #tpu.memory_space<hbm>>) target(%arg11 : memref<64xi32, #tpu.memory_space<vmem>>) target_semaphore(%run_scoped3A : memref<!tpu.dma_semaphore, #tpu.memory_space<semaphore_mem>>)
            %dma_wait3A_210 = tpu.memref_slice %arg4[%mul3A_189] : memref<160000xi32, #tpu.memory_space<hbm>> -> memref<64xi32, #tpu.memory_space<hbm>>
            %dma_wait3A_211 = tpu.memref_slice %arg4[%mul3A_189] : memref<160000xi32, #tpu.memory_space<hbm>> -> memref<64xi32, #tpu.memory_space<hbm>>
            tpu.wait_dma2 semaphore(%run_scoped3A : memref<!tpu.dma_semaphore, #tpu.memory_space<semaphore_mem>>) src(%dma_wait3A_211 : memref<64xi32, #tpu.memory_space<hbm>>) dst(%arg11 : memref<64xi32, #tpu.memory_space<vmem>>)
            tpu.yield
          }) : () -> ()
          %dma_start3A_190 = arith.constant 0 : i32
          %dma_start3A_191 = arith.constant 0 : i32
          %dma_start3A_192 = tpu.memref_slice %arg2[%dma_start3A_190, %dma_start3A_191] : memref<10000x256xf32, #tpu.memory_space<hbm>> -> memref<10000x256xf32, #tpu.memory_space<hbm>>
          tpu.enqueue_indirect_dma source(%dma_start3A_192 : memref<10000x256xf32, #tpu.memory_space<hbm>>) target(%arg14 : memref<64x256xf32, #tpu.memory_space<vmem>>) offsets(%arg8 : memref<64xi32, #tpu.memory_space<vmem>>) semaphore(%arg23 : memref<!tpu.dma_semaphore, #tpu.memory_space<semaphore_mem>>)
          %dma_start3A_193 = arith.constant 0 : i32
          %dma_start3A_194 = arith.constant 0 : i32
          %dma_start3A_195 = tpu.memref_slice %arg2[%dma_start3A_193, %dma_start3A_194] : memref<10000x256xf32, #tpu.memory_space<hbm>> -> memref<10000x256xf32, #tpu.memory_space<hbm>>
          tpu.enqueue_indirect_dma source(%dma_start3A_195 : memref<10000x256xf32, #tpu.memory_space<hbm>>) target(%arg17 : memref<64x256xf32, #tpu.memory_space<vmem>>) offsets(%arg11 : memref<64xi32, #tpu.memory_space<vmem>>) semaphore(%arg26 : memref<!tpu.dma_semaphore, #tpu.memory_space<semaphore_mem>>)
          %sub3A_196 = arith.constant 3 : i32
          %sub3A_197 = arith.subi %select_n3A, %sub3A_196 : i32
          %lt3A_198 = arith.cmpi slt, %add3A_175, %sub3A_197 : i32
          %convert_element_type3A_199 = arith.extui %lt3A_198 : i1 to i32
          %cond3A_200 = arith.constant 0 : i32
          %cond3A_201 = arith.cmpi ne, %convert_element_type3A_199, %cond3A_200 : i32
          scf.if %cond3A_201 {
            %dma_start3A_208 = arith.constant 0 : i32
            %dma_start3A_209 = tpu.memref_slice %arg22[%dma_start3A_208] : memref<10240xf32, #tpu.memory_space<vmem_shared>> -> memref<10240xf32, #tpu.memory_space<vmem_shared>>
            tpu.enqueue_indirect_dma source(%arg20 : memref<64xf32, #tpu.memory_space<vmem>>) target(%dma_start3A_209 : memref<10240xf32, #tpu.memory_space<vmem_shared>>) offsets(%arg8 : memref<64xi32, #tpu.memory_space<vmem>>) semaphore(%arg32 : memref<!tpu.dma_semaphore, #tpu.memory_space<semaphore_mem>>) {add = true}
          } else {
          }
          %sub3A_202 = arith.constant 3 : i32
          %sub3A_203 = arith.subi %select_n3A, %sub3A_202 : i32
          %ge3A_204 = arith.cmpi sge, %add3A_175, %sub3A_203 : i32
          %convert_element_type3A_205 = arith.extui %ge3A_204 : i1 to i32
          %cond3A_206 = arith.constant 0 : i32
          %cond3A_207 = arith.cmpi ne, %convert_element_type3A_205, %cond3A_206 : i32
          scf.if %cond3A_207 {
            "tpu.region"() ({
              %run_scoped3A = tpu.sem_alloc : memref<!tpu.dma_semaphore, #tpu.memory_space<semaphore_mem>>
              %dma_start3A_208 = arith.constant 0 : i32
              %dma_start3A_209 = tpu.memref_slice %arg22[%dma_start3A_208] : memref<10240xf32, #tpu.memory_space<vmem_shared>> -> memref<10240xf32, #tpu.memory_space<vmem_shared>>
              tpu.enqueue_indirect_dma source(%arg20 : memref<64xf32, #tpu.memory_space<vmem>>) target(%dma_start3A_209 : memref<10240xf32, #tpu.memory_space<vmem_shared>>) offsets(%arg8 : memref<64xi32, #tpu.memory_space<vmem>>) semaphore(%run_scoped3A : memref<!tpu.dma_semaphore, #tpu.memory_space<semaphore_mem>>) {add = true}
              %dma_wait3A_210 = arith.constant 0 : i32
              %dma_wait3A_211 = tpu.memref_slice %arg22[%dma_wait3A_210] : memref<10240xf32, #tpu.memory_space<vmem_shared>> -> memref<10240xf32, #tpu.memory_space<vmem_shared>>
              tpu.wait_indirect_dma semaphore(%run_scoped3A : memref<!tpu.dma_semaphore, #tpu.memory_space<semaphore_mem>>) src(%arg20 : memref<64xf32, #tpu.memory_space<vmem>>) dst(%dma_wait3A_211 : memref<10240xf32, #tpu.memory_space<vmem_shared>>)
              tpu.yield
            }) : () -> ()
          } else {
          }
        } else {
        }
        %dma_wait3A = arith.constant 0 : i32
        %dma_wait3A_146 = arith.constant 0 : i32
        %dma_wait3A_147 = tpu.memref_slice %arg2[%dma_wait3A, %dma_wait3A_146] : memref<10000x256xf32, #tpu.memory_space<hbm>> -> memref<10000x256xf32, #tpu.memory_space<hbm>>
        tpu.wait_indirect_dma semaphore(%arg25 : memref<!tpu.dma_semaphore, #tpu.memory_space<semaphore_mem>>) src(%dma_wait3A_147 : memref<10000x256xf32, #tpu.memory_space<hbm>>) dst(%arg16 : memref<64x256xf32, #tpu.memory_space<vmem>>)
        %dma_wait3A_148 = arith.constant 0 : i32
        %dma_wait3A_149 = arith.constant 0 : i32
        %dma_wait3A_150 = tpu.memref_slice %arg2[%dma_wait3A_148, %dma_wait3A_149] : memref<10000x256xf32, #tpu.memory_space<hbm>> -> memref<10000x256xf32, #tpu.memory_space<hbm>>
        tpu.wait_indirect_dma semaphore(%arg28 : memref<!tpu.dma_semaphore, #tpu.memory_space<semaphore_mem>>) src(%dma_wait3A_150 : memref<10000x256xf32, #tpu.memory_space<hbm>>) dst(%arg19 : memref<64x256xf32, #tpu.memory_space<vmem>>)
        %scan3A_151 = arith.constant 0 : i32
        %scan3A_152 = arith.constant 0 : i32
        %scan3A_153 = arith.constant 64 : i32
        %scan3A_154 = arith.addi %scan3A_152, %scan3A_153 : i32
        %scan3A_155 = arith.constant 1 : i32
        %scan3A_156 = scf.for %scan3A_169 = %scan3A_152 to %scan3A_154 step %scan3A_155 iter_args(%scan3A_170 = %scan3A_151) -> (i32)  : i32 {
          %get3A = arith.index_cast %scan3A_169 : i32 to index
          %get3A_171 = arith.constant 0 : index
          %get3A_172 = tpu.vector_load %arg16[%get3A, %get3A_171] {strides = array<i32>} : memref<64x256xf32, #tpu.memory_space<vmem>>, vector<1x16xf32>,
          %get3A_173 = vector.shape_cast %get3A_172 : vector<1x16xf32> to vector<16xf32>
          %get3A_174 = arith.index_cast %scan3A_169 : i32 to index
          %get3A_175 = arith.constant 0 : index
          %get3A_176 = tpu.vector_load %arg19[%get3A_174, %get3A_175] {strides = array<i32>} : memref<64x256xf32, #tpu.memory_space<vmem>>, vector<1x16xf32>,
          %get3A_177 = vector.shape_cast %get3A_176 : vector<1x16xf32> to vector<16xf32>
          %add3A_178 = arith.addf %get3A_173, %get3A_177 : vector<16xf32>
          %swap3A = arith.index_cast %scan3A_169 : i32 to index
          %swap3A_179 = arith.constant 0 : index
          %swap3A_180 = tpu.vector_load %arg16[%swap3A, %swap3A_179] {strides = array<i32>} : memref<64x256xf32, #tpu.memory_space<vmem>>, vector<1x16xf32>,
          %swap3A_181 = vector.shape_cast %swap3A_180 : vector<1x16xf32> to vector<16xf32>
          %swap3A_182 = vector.shape_cast %add3A_178 : vector<16xf32> to vector<1x16xf32>
          tpu.vector_store %arg16[%swap3A, %swap3A_179], %swap3A_182 {strides = array<i32>} : memref<64x256xf32, #tpu.memory_space<vmem>>, vector<1x16xf32>,
          %get3A_183 = arith.index_cast %scan3A_169 : i32 to index
          %get3A_184 = arith.constant 16 : index
          %get3A_185 = tpu.vector_load %arg16[%get3A_183, %get3A_184] {strides = array<i32>} : memref<64x256xf32, #tpu.memory_space<vmem>>, vector<1x16xf32>,
          %get3A_186 = vector.shape_cast %get3A_185 : vector<1x16xf32> to vector<16xf32>
          %get3A_187 = arith.index_cast %scan3A_169 : i32 to index
          %get3A_188 = arith.constant 16 : index
          %get3A_189 = tpu.vector_load %arg19[%get3A_187, %get3A_188] {strides = array<i32>} : memref<64x256xf32, #tpu.memory_space<vmem>>, vector<1x16xf32>,
          %get3A_190 = vector.shape_cast %get3A_189 : vector<1x16xf32> to vector<16xf32>
          %add3A_191 = arith.addf %get3A_186, %get3A_190 : vector<16xf32>
          %swap3A_192 = arith.index_cast %scan3A_169 : i32 to index
          %swap3A_193 = arith.constant 16 : index
          %swap3A_194 = tpu.vector_load %arg16[%swap3A_192, %swap3A_193] {strides = array<i32>} : memref<64x256xf32, #tpu.memory_space<vmem>>, vector<1x16xf32>,
          %swap3A_195 = vector.shape_cast %swap3A_194 : vector<1x16xf32> to vector<16xf32>
          %swap3A_196 = vector.shape_cast %add3A_191 : vector<16xf32> to vector<1x16xf32>
          tpu.vector_store %arg16[%swap3A_192, %swap3A_193], %swap3A_196 {strides = array<i32>} : memref<64x256xf32, #tpu.memory_space<vmem>>, vector<1x16xf32>,
          %get3A_197 = arith.index_cast %scan3A_169 : i32 to index
          %get3A_198 = arith.constant 32 : index
          %get3A_199 = tpu.vector_load %arg16[%get3A_197, %get3A_198] {strides = array<i32>} : memref<64x256xf32, #tpu.memory_space<vmem>>, vector<1x16xf32>,
          %get3A_200 = vector.shape_cast %get3A_199 : vector<1x16xf32> to vector<16xf32>
          %get3A_201 = arith.index_cast %scan3A_169 : i32 to index
          %get3A_202 = arith.constant 32 : index
          %get3A_203 = tpu.vector_load %arg19[%get3A_201, %get3A_202] {strides = array<i32>} : memref<64x256xf32, #tpu.memory_space<vmem>>, vector<1x16xf32>,
          %get3A_204 = vector.shape_cast %get3A_203 : vector<1x16xf32> to vector<16xf32>
          %add3A_205 = arith.addf %get3A_200, %get3A_204 : vector<16xf32>
          %swap3A_206 = arith.index_cast %scan3A_169 : i32 to index
          %swap3A_207 = arith.constant 32 : index
          %swap3A_208 = tpu.vector_load %arg16[%swap3A_206, %swap3A_207] {strides = array<i32>} : memref<64x256xf32, #tpu.memory_space<vmem>>, vector<1x16xf32>,
          %swap3A_209 = vector.shape_cast %swap3A_208 : vector<1x16xf32> to vector<16xf32>
          %swap3A_210 = vector.shape_cast %add3A_205 : vector<16xf32> to vector<1x16xf32>
          tpu.vector_store %arg16[%swap3A_206, %swap3A_207], %swap3A_210 {strides = array<i32>} : memref<64x256xf32, #tpu.memory_space<vmem>>, vector<1x16xf32>,
          %get3A_211 = arith.index_cast %scan3A_169 : i32 to index
          %get3A_212 = arith.constant 48 : index
          %get3A_213 = tpu.vector_load %arg16[%get3A_211, %get3A_212] {strides = array<i32>} : memref<64x256xf32, #tpu.memory_space<vmem>>, vector<1x16xf32>,
          %get3A_214 = vector.shape_cast %get3A_213 : vector<1x16xf32> to vector<16xf32>
          %get3A_215 = arith.index_cast %scan3A_169 : i32 to index
          %get3A_216 = arith.constant 48 : index
          %get3A_217 = tpu.vector_load %arg19[%get3A_215, %get3A_216] {strides = array<i32>} : memref<64x256xf32, #tpu.memory_space<vmem>>, vector<1x16xf32>,
          %get3A_218 = vector.shape_cast %get3A_217 : vector<1x16xf32> to vector<16xf32>
          %add3A_219 = arith.addf %get3A_214, %get3A_218 : vector<16xf32>
          %swap3A_220 = arith.index_cast %scan3A_169 : i32 to index
          %swap3A_221 = arith.constant 48 : index
          %swap3A_222 = tpu.vector_load %arg16[%swap3A_220, %swap3A_221] {strides = array<i32>} : memref<64x256xf32, #tpu.memory_space<vmem>>, vector<1x16xf32>,
          %swap3A_223 = vector.shape_cast %swap3A_222 : vector<1x16xf32> to vector<16xf32>
          %swap3A_224 = vector.shape_cast %add3A_219 : vector<16xf32> to vector<1x16xf32>
          tpu.vector_store %arg16[%swap3A_220, %swap3A_221], %swap3A_224 {strides = array<i32>} : memref<64x256xf32, #tpu.memory_space<vmem>>, vector<1x16xf32>,
          %get3A_225 = arith.index_cast %scan3A_169 : i32 to index
          %get3A_226 = arith.constant 64 : index
          %get3A_227 = tpu.vector_load %arg16[%get3A_225, %get3A_226] {strides = array<i32>} : memref<64x256xf32, #tpu.memory_space<vmem>>, vector<1x16xf32>,
          %get3A_228 = vector.shape_cast %get3A_227 : vector<1x16xf32> to vector<16xf32>
          %get3A_229 = arith.index_cast %scan3A_169 : i32 to index
          %get3A_230 = arith.constant 64 : index
          %get3A_231 = tpu.vector_load %arg19[%get3A_229, %get3A_230] {strides = array<i32>} : memref<64x256xf32, #tpu.memory_space<vmem>>, vector<1x16xf32>,
          %get3A_232 = vector.shape_cast %get3A_231 : vector<1x16xf32> to vector<16xf32>
          %add3A_233 = arith.addf %get3A_228, %get3A_232 : vector<16xf32>
          %swap3A_234 = arith.index_cast %scan3A_169 : i32 to index
          %swap3A_235 = arith.constant 64 : index
          %swap3A_236 = tpu.vector_load %arg16[%swap3A_234, %swap3A_235] {strides = array<i32>} : memref<64x256xf32, #tpu.memory_space<vmem>>, vector<1x16xf32>,
          %swap3A_237 = vector.shape_cast %swap3A_236 : vector<1x16xf32> to vector<16xf32>
          %swap3A_238 = vector.shape_cast %add3A_233 : vector<16xf32> to vector<1x16xf32>
          tpu.vector_store %arg16[%swap3A_234, %swap3A_235], %swap3A_238 {strides = array<i32>} : memref<64x256xf32, #tpu.memory_space<vmem>>, vector<1x16xf32>,
          %get3A_239 = arith.index_cast %scan3A_169 : i32 to index
          %get3A_240 = arith.constant 80 : index
          %get3A_241 = tpu.vector_load %arg16[%get3A_239, %get3A_240] {strides = array<i32>} : memref<64x256xf32, #tpu.memory_space<vmem>>, vector<1x16xf32>,
          %get3A_242 = vector.shape_cast %get3A_241 : vector<1x16xf32> to vector<16xf32>
          %get3A_243 = arith.index_cast %scan3A_169 : i32 to index
          %get3A_244 = arith.constant 80 : index
          %get3A_245 = tpu.vector_load %arg19[%get3A_243, %get3A_244] {strides = array<i32>} : memref<64x256xf32, #tpu.memory_space<vmem>>, vector<1x16xf32>,
          %get3A_246 = vector.shape_cast %get3A_245 : vector<1x16xf32> to vector<16xf32>
          %add3A_247 = arith.addf %get3A_242, %get3A_246 : vector<16xf32>
          %swap3A_248 = arith.index_cast %scan3A_169 : i32 to index
          %swap3A_249 = arith.constant 80 : index
          %swap3A_250 = tpu.vector_load %arg16[%swap3A_248, %swap3A_249] {strides = array<i32>} : memref<64x256xf32, #tpu.memory_space<vmem>>, vector<1x16xf32>,
          %swap3A_251 = vector.shape_cast %swap3A_250 : vector<1x16xf32> to vector<16xf32>
          %swap3A_252 = vector.shape_cast %add3A_247 : vector<16xf32> to vector<1x16xf32>
          tpu.vector_store %arg16[%swap3A_248, %swap3A_249], %swap3A_252 {strides = array<i32>} : memref<64x256xf32, #tpu.memory_space<vmem>>, vector<1x16xf32>,
          %get3A_253 = arith.index_cast %scan3A_169 : i32 to index
          %get3A_254 = arith.constant 96 : index
          %get3A_255 = tpu.vector_load %arg16[%get3A_253, %get3A_254] {strides = array<i32>} : memref<64x256xf32, #tpu.memory_space<vmem>>, vector<1x16xf32>,
          %get3A_256 = vector.shape_cast %get3A_255 : vector<1x16xf32> to vector<16xf32>
          %get3A_257 = arith.index_cast %scan3A_169 : i32 to index
          %get3A_258 = arith.constant 96 : index
          %get3A_259 = tpu.vector_load %arg19[%get3A_257, %get3A_258] {strides = array<i32>} : memref<64x256xf32, #tpu.memory_space<vmem>>, vector<1x16xf32>,
          %get3A_260 = vector.shape_cast %get3A_259 : vector<1x16xf32> to vector<16xf32>
          %add3A_261 = arith.addf %get3A_256, %get3A_260 : vector<16xf32>
          %swap3A_262 = arith.index_cast %scan3A_169 : i32 to index
          %swap3A_263 = arith.constant 96 : index
          %swap3A_264 = tpu.vector_load %arg16[%swap3A_262, %swap3A_263] {strides = array<i32>} : memref<64x256xf32, #tpu.memory_space<vmem>>, vector<1x16xf32>,
          %swap3A_265 = vector.shape_cast %swap3A_264 : vector<1x16xf32> to vector<16xf32>
          %swap3A_266 = vector.shape_cast %add3A_261 : vector<16xf32> to vector<1x16xf32>
          tpu.vector_store %arg16[%swap3A_262, %swap3A_263], %swap3A_266 {strides = array<i32>} : memref<64x256xf32, #tpu.memory_space<vmem>>, vector<1x16xf32>,
          %get3A_267 = arith.index_cast %scan3A_169 : i32 to index
          %get3A_268 = arith.constant 112 : index
          %get3A_269 = tpu.vector_load %arg16[%get3A_267, %get3A_268] {strides = array<i32>} : memref<64x256xf32, #tpu.memory_space<vmem>>, vector<1x16xf32>,
          %get3A_270 = vector.shape_cast %get3A_269 : vector<1x16xf32> to vector<16xf32>
          %get3A_271 = arith.index_cast %scan3A_169 : i32 to index
          %get3A_272 = arith.constant 112 : index
          %get3A_273 = tpu.vector_load %arg19[%get3A_271, %get3A_272] {strides = array<i32>} : memref<64x256xf32, #tpu.memory_space<vmem>>, vector<1x16xf32>,
          %get3A_274 = vector.shape_cast %get3A_273 : vector<1x16xf32> to vector<16xf32>
          %add3A_275 = arith.addf %get3A_270, %get3A_274 : vector<16xf32>
          %swap3A_276 = arith.index_cast %scan3A_169 : i32 to index
          %swap3A_277 = arith.constant 112 : index
          %swap3A_278 = tpu.vector_load %arg16[%swap3A_276, %swap3A_277] {strides = array<i32>} : memref<64x256xf32, #tpu.memory_space<vmem>>, vector<1x16xf32>,
          %swap3A_279 = vector.shape_cast %swap3A_278 : vector<1x16xf32> to vector<16xf32>
          %swap3A_280 = vector.shape_cast %add3A_275 : vector<16xf32> to vector<1x16xf32>
          tpu.vector_store %arg16[%swap3A_276, %swap3A_277], %swap3A_280 {strides = array<i32>} : memref<64x256xf32, #tpu.memory_space<vmem>>, vector<1x16xf32>,
          %get3A_281 = arith.index_cast %scan3A_169 : i32 to index
          %get3A_282 = arith.constant 128 : index
          %get3A_283 = tpu.vector_load %arg16[%get3A_281, %get3A_282] {strides = array<i32>} : memref<64x256xf32, #tpu.memory_space<vmem>>, vector<1x16xf32>,
          %get3A_284 = vector.shape_cast %get3A_283 : vector<1x16xf32> to vector<16xf32>
          %get3A_285 = arith.index_cast %scan3A_169 : i32 to index
          %get3A_286 = arith.constant 128 : index
          %get3A_287 = tpu.vector_load %arg19[%get3A_285, %get3A_286] {strides = array<i32>} : memref<64x256xf32, #tpu.memory_space<vmem>>, vector<1x16xf32>,
          %get3A_288 = vector.shape_cast %get3A_287 : vector<1x16xf32> to vector<16xf32>
          %add3A_289 = arith.addf %get3A_284, %get3A_288 : vector<16xf32>
          %swap3A_290 = arith.index_cast %scan3A_169 : i32 to index
          %swap3A_291 = arith.constant 128 : index
          %swap3A_292 = tpu.vector_load %arg16[%swap3A_290, %swap3A_291] {strides = array<i32>} : memref<64x256xf32, #tpu.memory_space<vmem>>, vector<1x16xf32>,
          %swap3A_293 = vector.shape_cast %swap3A_292 : vector<1x16xf32> to vector<16xf32>
          %swap3A_294 = vector.shape_cast %add3A_289 : vector<16xf32> to vector<1x16xf32>
          tpu.vector_store %arg16[%swap3A_290, %swap3A_291], %swap3A_294 {strides = array<i32>} : memref<64x256xf32, #tpu.memory_space<vmem>>, vector<1x16xf32>,
          %get3A_295 = arith.index_cast %scan3A_169 : i32 to index
          %get3A_296 = arith.constant 144 : index
          %get3A_297 = tpu.vector_load %arg16[%get3A_295, %get3A_296] {strides = array<i32>} : memref<64x256xf32, #tpu.memory_space<vmem>>, vector<1x16xf32>,
          %get3A_298 = vector.shape_cast %get3A_297 : vector<1x16xf32> to vector<16xf32>
          %get3A_299 = arith.index_cast %scan3A_169 : i32 to index
          %get3A_300 = arith.constant 144 : index
          %get3A_301 = tpu.vector_load %arg19[%get3A_299, %get3A_300] {strides = array<i32>} : memref<64x256xf32, #tpu.memory_space<vmem>>, vector<1x16xf32>,
          %get3A_302 = vector.shape_cast %get3A_301 : vector<1x16xf32> to vector<16xf32>
          %add3A_303 = arith.addf %get3A_298, %get3A_302 : vector<16xf32>
          %swap3A_304 = arith.index_cast %scan3A_169 : i32 to index
          %swap3A_305 = arith.constant 144 : index
          %swap3A_306 = tpu.vector_load %arg16[%swap3A_304, %swap3A_305] {strides = array<i32>} : memref<64x256xf32, #tpu.memory_space<vmem>>, vector<1x16xf32>,
          %swap3A_307 = vector.shape_cast %swap3A_306 : vector<1x16xf32> to vector<16xf32>
          %swap3A_308 = vector.shape_cast %add3A_303 : vector<16xf32> to vector<1x16xf32>
          tpu.vector_store %arg16[%swap3A_304, %swap3A_305], %swap3A_308 {strides = array<i32>} : memref<64x256xf32, #tpu.memory_space<vmem>>, vector<1x16xf32>,
          %get3A_309 = arith.index_cast %scan3A_169 : i32 to index
          %get3A_310 = arith.constant 160 : index
          %get3A_311 = tpu.vector_load %arg16[%get3A_309, %get3A_310] {strides = array<i32>} : memref<64x256xf32, #tpu.memory_space<vmem>>, vector<1x16xf32>,
          %get3A_312 = vector.shape_cast %get3A_311 : vector<1x16xf32> to vector<16xf32>
          %get3A_313 = arith.index_cast %scan3A_169 : i32 to index
          %get3A_314 = arith.constant 160 : index
          %get3A_315 = tpu.vector_load %arg19[%get3A_313, %get3A_314] {strides = array<i32>} : memref<64x256xf32, #tpu.memory_space<vmem>>, vector<1x16xf32>,
          %get3A_316 = vector.shape_cast %get3A_315 : vector<1x16xf32> to vector<16xf32>
          %add3A_317 = arith.addf %get3A_312, %get3A_316 : vector<16xf32>
          %swap3A_318 = arith.index_cast %scan3A_169 : i32 to index
          %swap3A_319 = arith.constant 160 : index
          %swap3A_320 = tpu.vector_load %arg16[%swap3A_318, %swap3A_319] {strides = array<i32>} : memref<64x256xf32, #tpu.memory_space<vmem>>, vector<1x16xf32>,
          %swap3A_321 = vector.shape_cast %swap3A_320 : vector<1x16xf32> to vector<16xf32>
          %swap3A_322 = vector.shape_cast %add3A_317 : vector<16xf32> to vector<1x16xf32>
          tpu.vector_store %arg16[%swap3A_318, %swap3A_319], %swap3A_322 {strides = array<i32>} : memref<64x256xf32, #tpu.memory_space<vmem>>, vector<1x16xf32>,
          %get3A_323 = arith.index_cast %scan3A_169 : i32 to index
          %get3A_324 = arith.constant 176 : index
          %get3A_325 = tpu.vector_load %arg16[%get3A_323, %get3A_324] {strides = array<i32>} : memref<64x256xf32, #tpu.memory_space<vmem>>, vector<1x16xf32>,
          %get3A_326 = vector.shape_cast %get3A_325 : vector<1x16xf32> to vector<16xf32>
          %get3A_327 = arith.index_cast %scan3A_169 : i32 to index
          %get3A_328 = arith.constant 176 : index
          %get3A_329 = tpu.vector_load %arg19[%get3A_327, %get3A_328] {strides = array<i32>} : memref<64x256xf32, #tpu.memory_space<vmem>>, vector<1x16xf32>,
          %get3A_330 = vector.shape_cast %get3A_329 : vector<1x16xf32> to vector<16xf32>
          %add3A_331 = arith.addf %get3A_326, %get3A_330 : vector<16xf32>
          %swap3A_332 = arith.index_cast %scan3A_169 : i32 to index
          %swap3A_333 = arith.constant 176 : index
          %swap3A_334 = tpu.vector_load %arg16[%swap3A_332, %swap3A_333] {strides = array<i32>} : memref<64x256xf32, #tpu.memory_space<vmem>>, vector<1x16xf32>,
          %swap3A_335 = vector.shape_cast %swap3A_334 : vector<1x16xf32> to vector<16xf32>
          %swap3A_336 = vector.shape_cast %add3A_331 : vector<16xf32> to vector<1x16xf32>
          tpu.vector_store %arg16[%swap3A_332, %swap3A_333], %swap3A_336 {strides = array<i32>} : memref<64x256xf32, #tpu.memory_space<vmem>>, vector<1x16xf32>,
          %get3A_337 = arith.index_cast %scan3A_169 : i32 to index
          %get3A_338 = arith.constant 192 : index
          %get3A_339 = tpu.vector_load %arg16[%get3A_337, %get3A_338] {strides = array<i32>} : memref<64x256xf32, #tpu.memory_space<vmem>>, vector<1x16xf32>,
          %get3A_340 = vector.shape_cast %get3A_339 : vector<1x16xf32> to vector<16xf32>
          %get3A_341 = arith.index_cast %scan3A_169 : i32 to index
          %get3A_342 = arith.constant 192 : index
          %get3A_343 = tpu.vector_load %arg19[%get3A_341, %get3A_342] {strides = array<i32>} : memref<64x256xf32, #tpu.memory_space<vmem>>, vector<1x16xf32>,
          %get3A_344 = vector.shape_cast %get3A_343 : vector<1x16xf32> to vector<16xf32>
          %add3A_345 = arith.addf %get3A_340, %get3A_344 : vector<16xf32>
          %swap3A_346 = arith.index_cast %scan3A_169 : i32 to index
          %swap3A_347 = arith.constant 192 : index
          %swap3A_348 = tpu.vector_load %arg16[%swap3A_346, %swap3A_347] {strides = array<i32>} : memref<64x256xf32, #tpu.memory_space<vmem>>, vector<1x16xf32>,
          %swap3A_349 = vector.shape_cast %swap3A_348 : vector<1x16xf32> to vector<16xf32>
          %swap3A_350 = vector.shape_cast %add3A_345 : vector<16xf32> to vector<1x16xf32>
          tpu.vector_store %arg16[%swap3A_346, %swap3A_347], %swap3A_350 {strides = array<i32>} : memref<64x256xf32, #tpu.memory_space<vmem>>, vector<1x16xf32>,
          %get3A_351 = arith.index_cast %scan3A_169 : i32 to index
          %get3A_352 = arith.constant 208 : index
          %get3A_353 = tpu.vector_load %arg16[%get3A_351, %get3A_352] {strides = array<i32>} : memref<64x256xf32, #tpu.memory_space<vmem>>, vector<1x16xf32>,
          %get3A_354 = vector.shape_cast %get3A_353 : vector<1x16xf32> to vector<16xf32>
          %get3A_355 = arith.index_cast %scan3A_169 : i32 to index
          %get3A_356 = arith.constant 208 : index
          %get3A_357 = tpu.vector_load %arg19[%get3A_355, %get3A_356] {strides = array<i32>} : memref<64x256xf32, #tpu.memory_space<vmem>>, vector<1x16xf32>,
          %get3A_358 = vector.shape_cast %get3A_357 : vector<1x16xf32> to vector<16xf32>
          %add3A_359 = arith.addf %get3A_354, %get3A_358 : vector<16xf32>
          %swap3A_360 = arith.index_cast %scan3A_169 : i32 to index
          %swap3A_361 = arith.constant 208 : index
          %swap3A_362 = tpu.vector_load %arg16[%swap3A_360, %swap3A_361] {strides = array<i32>} : memref<64x256xf32, #tpu.memory_space<vmem>>, vector<1x16xf32>,
          %swap3A_363 = vector.shape_cast %swap3A_362 : vector<1x16xf32> to vector<16xf32>
          %swap3A_364 = vector.shape_cast %add3A_359 : vector<16xf32> to vector<1x16xf32>
          tpu.vector_store %arg16[%swap3A_360, %swap3A_361], %swap3A_364 {strides = array<i32>} : memref<64x256xf32, #tpu.memory_space<vmem>>, vector<1x16xf32>,
          %get3A_365 = arith.index_cast %scan3A_169 : i32 to index
          %get3A_366 = arith.constant 224 : index
          %get3A_367 = tpu.vector_load %arg16[%get3A_365, %get3A_366] {strides = array<i32>} : memref<64x256xf32, #tpu.memory_space<vmem>>, vector<1x16xf32>,
          %get3A_368 = vector.shape_cast %get3A_367 : vector<1x16xf32> to vector<16xf32>
          %get3A_369 = arith.index_cast %scan3A_169 : i32 to index
          %get3A_370 = arith.constant 224 : index
          %get3A_371 = tpu.vector_load %arg19[%get3A_369, %get3A_370] {strides = array<i32>} : memref<64x256xf32, #tpu.memory_space<vmem>>, vector<1x16xf32>,
          %get3A_372 = vector.shape_cast %get3A_371 : vector<1x16xf32> to vector<16xf32>
          %add3A_373 = arith.addf %get3A_368, %get3A_372 : vector<16xf32>
          %swap3A_374 = arith.index_cast %scan3A_169 : i32 to index
          %swap3A_375 = arith.constant 224 : index
          %swap3A_376 = tpu.vector_load %arg16[%swap3A_374, %swap3A_375] {strides = array<i32>} : memref<64x256xf32, #tpu.memory_space<vmem>>, vector<1x16xf32>,
          %swap3A_377 = vector.shape_cast %swap3A_376 : vector<1x16xf32> to vector<16xf32>
          %swap3A_378 = vector.shape_cast %add3A_373 : vector<16xf32> to vector<1x16xf32>
          tpu.vector_store %arg16[%swap3A_374, %swap3A_375], %swap3A_378 {strides = array<i32>} : memref<64x256xf32, #tpu.memory_space<vmem>>, vector<1x16xf32>,
          %get3A_379 = arith.index_cast %scan3A_169 : i32 to index
          %get3A_380 = arith.constant 240 : index
          %get3A_381 = tpu.vector_load %arg16[%get3A_379, %get3A_380] {strides = array<i32>} : memref<64x256xf32, #tpu.memory_space<vmem>>, vector<1x16xf32>,
          %get3A_382 = vector.shape_cast %get3A_381 : vector<1x16xf32> to vector<16xf32>
          %get3A_383 = arith.index_cast %scan3A_169 : i32 to index
          %get3A_384 = arith.constant 240 : index
          %get3A_385 = tpu.vector_load %arg19[%get3A_383, %get3A_384] {strides = array<i32>} : memref<64x256xf32, #tpu.memory_space<vmem>>, vector<1x16xf32>,
          %get3A_386 = vector.shape_cast %get3A_385 : vector<1x16xf32> to vector<16xf32>
          %add3A_387 = arith.addf %get3A_382, %get3A_386 : vector<16xf32>
          %swap3A_388 = arith.index_cast %scan3A_169 : i32 to index
          %swap3A_389 = arith.constant 240 : index
          %swap3A_390 = tpu.vector_load %arg16[%swap3A_388, %swap3A_389] {strides = array<i32>} : memref<64x256xf32, #tpu.memory_space<vmem>>, vector<1x16xf32>,
          %swap3A_391 = vector.shape_cast %swap3A_390 : vector<1x16xf32> to vector<16xf32>
          %swap3A_392 = vector.shape_cast %add3A_387 : vector<16xf32> to vector<1x16xf32>
          tpu.vector_store %arg16[%swap3A_388, %swap3A_389], %swap3A_392 {strides = array<i32>} : memref<64x256xf32, #tpu.memory_space<vmem>>, vector<1x16xf32>,
          %scan3A_393 = arith.constant 0 : i32
          scf.yield %scan3A_393 : i32
        }
        %scan3A_157 = arith.constant 64 : i32
        %sub3A_158 = arith.constant 3 : i32
        %sub3A_159 = arith.subi %select_n3A, %sub3A_158 : i32
        %lt3A_160 = arith.cmpi slt, %add3A_134, %sub3A_159 : i32
        %convert_element_type3A_161 = arith.extui %lt3A_160 : i1 to i32
        %cond3A_162 = arith.constant 0 : i32
        %cond3A_163 = arith.cmpi ne, %convert_element_type3A_161, %cond3A_162 : i32
        scf.if %cond3A_163 {
          %mul3A_169 = arith.constant 32 : i32
          %mul3A_170 = arith.muli %add3A_134, %mul3A_169 : i32
          %add3A_171 = arith.addi %add3A, %mul3A_170 : i32
          %mul3A_172 = arith.constant 64 : i32
          %mul3A_173 = arith.muli %add3A_171, %mul3A_172 : i32
          %dma_start3A_174 = arith.constant 0 : i32
          %dma_start3A_175 = tpu.memref_slice %arg5[%mul3A_173, %dma_start3A_174] : memref<80000x256xf32, #tpu.memory_space<hbm>> -> memref<64x256xf32, #tpu.memory_space<hbm>>
          %dma_start3A_176 = arith.constant 0 : i32
          %dma_start3A_177 = tpu.memref_slice %arg5[%mul3A_173, %dma_start3A_176] : memref<80000x256xf32, #tpu.memory_space<hbm>> -> memref<64x256xf32, #tpu.memory_space<hbm>>
          tpu.enqueue_dma source(%arg16 : memref<64x256xf32, #tpu.memory_space<vmem>>) target(%dma_start3A_177 : memref<64x256xf32, #tpu.memory_space<hbm>>) target_semaphore(%arg31 : memref<!tpu.dma_semaphore, #tpu.memory_space<semaphore_mem>>)
        } else {
        }
        %sub3A_164 = arith.constant 3 : i32
        %sub3A_165 = arith.subi %select_n3A, %sub3A_164 : i32
        %ge3A = arith.cmpi sge, %add3A_134, %sub3A_165 : i32
        %convert_element_type3A_166 = arith.extui %ge3A : i1 to i32
        %cond3A_167 = arith.constant 0 : i32
        %cond3A_168 = arith.cmpi ne, %convert_element_type3A_166, %cond3A_167 : i32
        scf.if %cond3A_168 {
          %mul3A_169 = arith.constant 32 : i32
          %mul3A_170 = arith.muli %add3A_134, %mul3A_169 : i32
          %add3A_171 = arith.addi %add3A, %mul3A_170 : i32
          %mul3A_172 = arith.constant 64 : i32
          %mul3A_173 = arith.muli %add3A_171, %mul3A_172 : i32
          "tpu.region"() ({
            %run_scoped3A = tpu.sem_alloc : memref<!tpu.dma_semaphore, #tpu.memory_space<semaphore_mem>>
            %dma_start3A_174 = arith.constant 0 : i32
            %dma_start3A_175 = tpu.memref_slice %arg5[%mul3A_173, %dma_start3A_174] : memref<80000x256xf32, #tpu.memory_space<hbm>> -> memref<64x256xf32, #tpu.memory_space<hbm>>
            %dma_start3A_176 = arith.constant 0 : i32
            %dma_start3A_177 = tpu.memref_slice %arg5[%mul3A_173, %dma_start3A_176] : memref<80000x256xf32, #tpu.memory_space<hbm>> -> memref<64x256xf32, #tpu.memory_space<hbm>>
            tpu.enqueue_dma source(%arg16 : memref<64x256xf32, #tpu.memory_space<vmem>>) target(%dma_start3A_177 : memref<64x256xf32, #tpu.memory_space<hbm>>) target_semaphore(%run_scoped3A : memref<!tpu.dma_semaphore, #tpu.memory_space<semaphore_mem>>)
            %dma_wait3A_178 = arith.constant 0 : i32
            %dma_wait3A_179 = tpu.memref_slice %arg5[%mul3A_173, %dma_wait3A_178] : memref<80000x256xf32, #tpu.memory_space<hbm>> -> memref<64x256xf32, #tpu.memory_space<hbm>>
            %dma_wait3A_180 = arith.constant 0 : i32
            %dma_wait3A_181 = tpu.memref_slice %arg5[%mul3A_173, %dma_wait3A_180] : memref<80000x256xf32, #tpu.memory_space<hbm>> -> memref<64x256xf32, #tpu.memory_space<hbm>>
            tpu.wait_dma2 semaphore(%run_scoped3A : memref<!tpu.dma_semaphore, #tpu.memory_space<semaphore_mem>>) src(%arg16 : memref<64x256xf32, #tpu.memory_space<vmem>>) dst(%dma_wait3A_181 : memref<64x256xf32, #tpu.memory_space<hbm>>)
            tpu.yield
          }) : () -> ()
        } else {
        }
      } else {
      }
      %while3A_139 = arith.constant 0 : i32
      scf.yield %while3A_139 : i32
    }
    %barrier3A_100 = arith.constant 0 : index
    tpu.barrier barrier_id(%barrier3A_100)
    %eq3A = arith.constant 0 : i32
    %eq3A_101 = arith.cmpi eq, %arg1, %eq3A : i32
    %eq3A_102 = arith.constant 0 : i32
    %eq3A_103 = arith.cmpi eq, %arg0, %eq3A_102 : i32
    %and3A_104 = arith.andi %eq3A_101, %eq3A_103 : i1
    %convert_element_type3A_105 = arith.extui %and3A_104 : i1 to i32
    %cond3A_106 = arith.constant 0 : i32
    %cond3A_107 = arith.cmpi ne, %convert_element_type3A_105, %cond3A_106 : i32
    scf.if %cond3A_107 {
      "tpu.region"() ({
        %run_scoped3A = tpu.sem_alloc : memref<!tpu.dma_semaphore, #tpu.memory_space<semaphore_mem>>
        tpu.enqueue_dma source(%arg22 : memref<10240xf32, #tpu.memory_space<vmem_shared>>) target(%arg6 : memref<10240xf32, #tpu.memory_space<hbm>>) target_semaphore(%run_scoped3A : memref<!tpu.dma_semaphore, #tpu.memory_space<semaphore_mem>>)
        tpu.wait_dma2 semaphore(%run_scoped3A : memref<!tpu.dma_semaphore, #tpu.memory_space<semaphore_mem>>) src(%arg22 : memref<10240xf32, #tpu.memory_space<vmem_shared>>) dst(%arg6 : memref<10240xf32, #tpu.memory_space<hbm>>)
        tpu.yield
      }) : () -> ()
    } else {
    }
    %eq3A_108 = arith.constant 0 : i32
    %eq3A_109 = arith.cmpi eq, %arg1, %eq3A_108 : i32
    %eq3A_110 = arith.constant 1 : i32
    %eq3A_111 = arith.cmpi eq, %arg0, %eq3A_110 : i32
    %and3A_112 = arith.andi %eq3A_109, %eq3A_111 : i1
    %convert_element_type3A_113 = arith.extui %and3A_112 : i1 to i32
    %cond3A_114 = arith.constant 0 : i32
    %cond3A_115 = arith.cmpi ne, %convert_element_type3A_113, %cond3A_114 : i32
    scf.if %cond3A_115 {
      "tpu.region"() ({
        %run_scoped3A = tpu.sem_alloc : memref<!tpu.dma_semaphore, #tpu.memory_space<semaphore_mem>>
        tpu.enqueue_dma source(%arg22 : memref<10240xf32, #tpu.memory_space<vmem_shared>>) target(%arg7 : memref<10240xf32, #tpu.memory_space<hbm>>) target_semaphore(%run_scoped3A : memref<!tpu.dma_semaphore, #tpu.memory_space<semaphore_mem>>)
        tpu.wait_dma2 semaphore(%run_scoped3A : memref<!tpu.dma_semaphore, #tpu.memory_space<semaphore_mem>>) src(%arg22 : memref<10240xf32, #tpu.memory_space<vmem_shared>>) dst(%arg7 : memref<10240xf32, #tpu.memory_space<hbm>>)
        tpu.yield
      }) : () -> ()
    } else {
    }
    return
  }
}

</mosaic_0001>

<sc_bundles>
// kernel: _sc_gather.3.cloned.1.call-start
scs
__scs_entry_jumppad:
0x0: {  	(pc) =	sbr.rel $0x88, $3  }
0x1: {  	(tag) =	ssettag $0x0;
	lr =	simm.s32 $0x1  }
0x2: {  	[smem:$0x3F9E] =	sst lr;
	_ =	strace $0xD0000000  }
0x3: {  	_ = 	snop  }
0x4: {  	_ = 	snop  }
0x5: {  	_ = 	snop  }
0x6: {  	_ = 	snop  }
0x7: {  	_ = 	snop  }
__scs_overlays_trampoline_lowered:
0x8: {  	[smem:$0x3FAD] =	sst s0  }
0x9: {  	[smem:$0x3FAE] =	sst s1  }
0xa: {  	[smem:$0x3FAF] =	sst s2  }
0xb: {  	[smem:$0x3FB0] =	sst s3  }
0xc: {  	[smem:$0x3FB1] =	sst s4  }
0xd: {  	[smem:$0x3FB2] =	sst s5  }
0xe: {  	[smem:$0x3FB3] =	sst s6  }
0xf: {  	[smem:$0x3FB4] =	sst s7  }
0x10: {  	[smem:$0x3FB5] =	sst s8  }
0x11: {  	[smem:$0x3FB6] =	sst s9;
	s0 =	simm.s32 @!p0 $0x0  }
0x12: {  	s1 =	sld [smem:$0x3F9C];
	s0 =	simm.s32 @p0 $0x1  }
0x13: {  	[smem:$0x3FB7] =	sst s0;
	s0 =	simm.s32 @!p1 $0x0  }
0x14: {  	s2 =	sld [smem:$0x3F9B];
	s0 =	simm.s32 @p1 $0x1  }
0x15: {  	[smem:$0x3FB8] =	sst s0;
	s0 =	simm.s32 @!p2 $0x0  }
0x16: {  	s3 =	sld [smem:$0x3FDB];
	s0 =	simm.s32 @p2 $0x1  }
0x17: {  	s4 =	simm.s32 $0x1BF5;
	[smem:$0x3FBA] =	sst s0  }
0x18: {  	s0 =	sld [smem:$0x3F9D];
	_ =	swait.ge [sflag:s4], $0x0  }
0x19: {  	s7 =	sld [smem:$0x3F9E]  }
0x1a: {  	s8 =	sadd.s32 $0xFFFFE003, lr  }
0x1b: {  	s9 =	sadd.s32 $0xFFFFFEF7, lr;
	s5 =	simm.s32 $0xFFFFFFFF;
	p2 =	slt.u32 s8, $0xFFFFF086  }
0x1c: {  	p1 =	slt.u32 s9, $0xF7A;
	s5 =	simm.s32 @!p2 $0x0  }
0x1d: {  	s5 =	simm.s32 @p1 $0x1;
	p0 =	seq.s32 s7, s2  }
0x1e: {  	s7 =	smul.u32 @!p0 $0xF7A, s2;
	p2 =	seq.s32 @!p0 s5, $0x0  }
0x1f: {  	s9 =	smul.u32 $0xF7A, s1;
	s8 =	simm.s32 @!p0 $0x1BF5;
	p2 =	por !p2, p0  }
0x20: {  	[sflag:s8] =	ssyncset.s32 @!p0 $0xFFFFF086;
	s6 =	sadd.s32 @!p0 s3, s7;
	s7 =	simm.s32 @!p0 $0x108  }
0x21: {  	s3 =	sadd.s32 s3, s9;
	s6 =	sadd.s32 @!p0 $0x88, s6;
	s7 =	simm.s32 @p2 $0x1082  }
0x22: {  	[simem:s7], [sflag:s8] =	dma.local @!p0 [hbm:s6], $0xF7A  }
0x23: {  	s9 =	sor.u32 $0xD0000000, s2;
	s6 =	simm.s32 $0x108;
	_ =	swait.ge @!p0 [sflag:s8], $0x0  }
0x24: {  	s3 =	sadd.s32 $0x88, s3;
	s6 =	simm.s32 @!p1 $0x1082;
	[sflag:s4] =	ssyncset.s32 $0xFFFFF086  }
0x25: {  	[simem:s6], [sflag:s4] =	dma.local [hbm:s3], $0xF7A  }
0x26: {  	[smem:$0x3F9E] =	sst s1;
	(tag) =	ssettag s2;
	_ =	strace s9  }
0x27: {  	s1 =	sld [smem:$0x3FAE]  }
0x28: {  	s2 =	sld [smem:$0x3FAF]  }
0x29: {  	s4 =	sld [smem:$0x3FB1]  }
0x2a: {  	p0 =	seq.s32 s5, $0x0;
	s5 =	sld [smem:$0x3FB2]  }
0x2b: {  	s6 =	sld [smem:$0x3FB3]  }
0x2c: {  	s7 =	sld [smem:$0x3FB4]  }
0x2d: {  	s3 =	simm.s32 $0x108;
	s8 =	sld [smem:$0x3FB5]  }
0x2e: {  	s3 =	simm.s32 @!p0 $0x1082;
	s9 =	sld [smem:$0x3FB6]  }
0x2f: {  	lr =	sadd.s32 s0, s3;
	s0 =	sld [smem:$0x3FAD]  }
0x30: {  	s3 =	sld [smem:$0x3FB0]  }
0x31: {  	[smem:$0x3FB9] =	sst s10  }
0x32: {  	s10 =	sld [smem:$0x3FB7];
	_ =	sdelay $0x3  }
0x33: {  	p0 =	seq.s32 s10, $0x1;
	s10 =	sld [smem:$0x3FB9];
	_ =	sdelay $0x3  }
0x34: {  	[smem:$0x3FB9] =	sst s10  }
0x35: {  	s10 =	sld [smem:$0x3FB8];
	_ =	sdelay $0x3  }
0x36: {  	p1 =	seq.s32 s10, $0x1;
	s10 =	sld [smem:$0x3FB9];
	_ =	sdelay $0x3  }
0x37: {  	[smem:$0x3FB9] =	sst s10  }
0x38: {  	s10 =	sld [smem:$0x3FBA]  }
0x39: {  	_ = 	snop;
	(pc) =	sbr.ind lr, $3  }
0x3a: {  	_ = 	snop  }
0x3b: {  	_ = 	snop  }
0x3c: {  	p2 =	seq.s32 s10, $0x1;
	s10 =	sld [smem:$0x3FB9]  }
0x3d: {  	_ =	shalt  }
0x3e: {  	_ =	shalt  }
0x3f: {  	_ =	shalt  }
0x40: {  	_ =	shalt  }
0x41: {  	_ =	shalt  }
0x42: {  	_ =	shalt  }
0x43: {  	_ =	shalt  }
0x44: {  	_ =	shalt  }
0x45: {  	_ =	shalt  }
0x46: {  	_ =	shalt  }
0x47: {  	_ =	shalt  }
0x48: {  	_ =	shalt  }
0x49: {  	_ =	shalt  }
0x4a: {  	_ =	shalt  }
0x4b: {  	_ =	shalt  }
0x4c: {  	_ =	shalt  }
0x4d: {  	_ =	shalt  }
0x4e: {  	_ =	shalt  }
0x4f: {  	_ =	shalt  }
0x50: {  	_ =	shalt  }
0x51: {  	_ =	shalt  }
0x52: {  	_ =	shalt  }
0x53: {  	_ =	shalt  }
0x54: {  	_ =	shalt  }
0x55: {  	_ =	shalt  }
0x56: {  	_ =	shalt  }
0x57: {  	_ =	shalt  }
0x58: {  	_ =	shalt  }
0x59: {  	_ =	shalt  }
0x5a: {  	_ =	shalt  }
0x5b: {  	_ =	shalt  }
0x5c: {  	_ =	shalt  }
0x5d: {  	_ =	shalt  }
0x5e: {  	_ =	shalt  }
0x5f: {  	_ =	shalt  }
0x60: {  	_ =	shalt  }
0x61: {  	_ =	shalt  }
0x62: {  	_ =	shalt  }
0x63: {  	_ =	shalt  }
0x64: {  	_ =	shalt  }
0x65: {  	_ =	shalt  }
0x66: {  	_ =	shalt  }
0x67: {  	_ =	shalt  }
0x68: {  	_ =	shalt  }
0x69: {  	_ =	shalt  }
0x6a: {  	_ =	shalt  }
0x6b: {  	_ =	shalt  }
0x6c: {  	_ =	shalt  }
0x6d: {  	_ =	shalt  }
0x6e: {  	_ =	shalt  }
0x6f: {  	_ =	shalt  }
0x70: {  	_ =	shalt  }
0x71: {  	_ =	shalt  }
0x72: {  	_ =	shalt  }
0x73: {  	_ =	shalt  }
0x74: {  	_ =	shalt  }
0x75: {  	_ =	shalt  }
0x76: {  	_ =	shalt  }
0x77: {  	_ =	shalt  }
0x78: {  	_ =	shalt  }
0x79: {  	_ =	shalt  }
0x7a: {  	_ =	shalt  }
0x7b: {  	_ =	shalt  }
0x7c: {  	_ =	shalt  }
0x7d: {  	_ =	shalt  }
0x7e: {  	_ =	shalt  }
0x7f: {  	_ =	shalt  }
0x80: {  	_ =	shalt  }
0x81: {  	_ =	shalt  }
0x82: {  	_ =	shalt  }
0x83: {  	_ =	shalt  }
0x84: {  	_ =	shalt  }
0x85: {  	_ =	shalt  }
0x86: {  	_ =	shalt  }
0x87: {  	_ =	shalt  }
.Lfunc_end0:
.L_simem_size_0:
called_computation_lowered:
.L_overlay_start_0:
0x88: {  	s2 =	sld [smem:$0x3FD9]  }
0x89: {  	s3 =	sld [smem:$0x3FFE];
	_ =	sdelay $0x1  }
0x8a: {  	s1 =	srdreg.scid  }
0x8b: {  	s0 =	sand.u32 $0x1, s1  }
0x8c: {  	s15 =	sshll.u32 s0, $0xA;
	s2 =	sadd.s32 s3, s2  }
0x8d: {  	s2 =	sadd.s32 s2, s15  }
0x8e: {  	[smem:$0x3FC5] =	sst s2  }
0x8f: {  	_ = 	snop  }
0x90: {  	s2 =	sld [smem:$0x3FD0]  }
0x91: {  	s16 =	sld [smem:$0x3FC9]  }
0x92: {  	s4 =	sld [smem:$0x3FC8]  }
0x93: {  	s6 =	simm.s32 $0xA;
	s7 =	simm.s32 $0x10;
	s5 =	sld [smem:$0x3FC7]  }
0x94: {  	[smem:s7], [sflag:s6] =	dma.local [hbm:s2], $0x1  }
0x95: {  	_ =	swait.eq [sflag:s6], $0x1  }
0x96: {  	s17 =	sld [smem:$0x10];
	[sflag:s6] =	ssyncset.done $0x0  }
0x97: {  	s18 =	sld [smem:$0x11];
	[sflag:s6] =	ssyncadd.s32 $0xFFFFFFFF  }
0x98: {  	s19 =	sld [smem:$0x12];
	(tm) =	ssettm $0x1  }
0x99: {  	s8 =	sld [smem:$0x3FFB];
	_ =	sdelay $0x3  }
0x9a: {  	_ =	strace s8  }
0x9b: {  	s8 =	sld [smem:$0x3FFC];
	_ =	sdelay $0x3  }
0x9c: {  	_ =	strace s8  }
0x9d: {  	s8 =	sld [smem:$0x3FFD];
	_ =	sdelay $0x3  }
0x9e: {  	_ =	strace s8  }
0x9f: {  	_ =	strace $0x8FFFFFFF  }
0xa0: {  	s20 =	sld [smem:$0x3FDB];
	_ =	sdelay $0x1  }
0xa1: {  	s9 =	simm.s32 $_scs_section_size  }
0xa2: {  	s10 =	simm.s32 $_size__tile_overlayer_lowered;
	s11 =	simm.s32 $_tile_overlayer_lowered  }
0xa3: {  	s23 =	simm.s32 $0x1BFF;
	s22 =	sshll.u32 s11, $0x1;
	s8 =	sadd.s32 s9, s20  }
0xa4: {  	s12 =	simm.s32 $0x0;
	s21 =	sshll.u32 s10, $0x1;
	s10 =	sadd.s32 s22, s8  }
0xa5: {  	[timem:s12], [sflag:s23] =	dma.local [hbm:s10], s21  }
0xa6: {  	_ =	swait.ge [sflag:s23], s21  }
0xa7: {  	s9 =	ssub.s32 $0x0, s21;
	[sflag:s23] =	ssyncset.done $0x0  }
0xa8: {  	[sflag:s23] =	ssyncadd.s32 s9;
	_ =	sdelay $0x1  }
0xa9: {  	s24 =	simm.s32 $0x1B8B  }
0xaa: {  	_ =	swait.ge [sflag:s24], $0x1  }
0xab: {  	[sflag:s24] =	ssyncset.done $0x0  }
0xac: {  	s25 =	simm.s32 $0x1B8E;
	[sflag:s24] =	ssyncadd.s32 $0xFFFFFFFF  }
0xad: {  	s26 =	simm.s32 $execute0_lowered;
	[smem:$0x3FD2] =	sst s25  }
0xae: {  	s9 =	sshll.u32 s26, $0x1;
	_ =	strace $0x80000046;
	[dreg:$0x1] =	wrdreg $0xFFFFFFFF  }
0xaf: {  	s28 =	simm.s32 $_size_execute0_lowered;
	s8 =	sadd.s32 s8, s9;
	[dreg:$0x0] =	wrdreg $0x0  }
0xb0: {  	s9 =	sshll.u32 s28, $0x1;
	[dreg:$0x2] =	wrdreg s8  }
0xb1: {  	[dreg:$0x3] =	wrdreg s9  }
0xb2: {  	[dreg:$0x4] =	wrdreg $0xC0  }
0xb3: {  	_ =	task [dreg:s12], $0x5FFFF  }
0xb4: {  	[dreg:$0x1] =	wrdreg $0xFFFFFFFF  }
0xb5: {  	[dreg:$0x0] =	wrdreg $0x60  }
0xb6: {  	[dreg:$0x2] =	wrdreg s16  }
0xb7: {  	[dreg:$0x3] =	wrdreg s4  }
0xb8: {  	[dreg:$0x4] =	wrdreg s5  }
0xb9: {  	[dreg:$0x5] =	wrdreg s17  }
0xba: {  	[dreg:$0x6] =	wrdreg s18  }
0xbb: {  	[dreg:$0x7] =	wrdreg s19  }
0xbc: {  	[dreg:$0x8] =	wrdreg $0x186000  }
0xbd: {  	[dreg:$0x9] =	wrdreg $0x9  }
0xbe: {  	_ =	task.clear_ibuf [dreg:s12], $0xAFFFF;
	_ =	strace $0x90000046  }
0xbf: {  	s29 =	simm.s32 $0x9;
	_ =	strace $0x80000048  }
0xc0: {  	_ =	swait.ge [sflag:s29], $0x1  }
0xc1: {  	[sflag:s29] =	ssyncadd.s32 $0xFFFFFFFF  }
0xc2: {  	_ =	strace $0x90000048  }
0xc3: {  	_ =	sfence  }
0xc4: {  	s30 =	sld [smem:$0x0];
	_ =	sdelay $0x2  }
0xc5: {  	s31 =	sshll.u32 s1, $0xD;
	s1 =	sshrl.u32 s1, $0x2  }
0xc6: {  	s3 =	sand.u32 $0x4000, s31;
	s1 =	sadd.s32 s1, s30  }
0xc7: {  	s0 =	sor.u32 s3, s0;
	s1 =	sshll.u32 s1, $0x11  }
0xc8: {  	s0 =	sor.u32 s1, s0  }
0xc9: {  	s0 =	sadd.s32 $0x8F2B, s0  }
0xca: {  	[sflag:s0] =	ssyncadd.remote.s32 $0x1  }
0xcb: {  	_ =	sfence.sel $0xFFFF  }
0xcc: {  	[dreg:$0x0] =	wrdreg $0xFFFFFFFF;
	(pc) =	sbr.abs _section_cstart, $3  }
0xcd: {  	[dreg:$0x1] =	wrdreg $0xFFFFFFFF  }
0xce: {  	_ =	task.clear_ibuf [dreg:s12], $0x2FFFF;
	_ =	strace $0x9FFFFFFF  }
0xcf: {  	(tm) =	ssettm $0x7FFFFFFF  }
tec
execute0_lowered:
.L_overlay_start_1:
0x0: {  	(tag) =	ssettag $0x1  }
0x1: {  	s0 =	rddreg [dreg:$0x0]  }
0x2: {  	s1 =	rddreg [dreg:$0x1]  }
0x3: {  	s3 =	rddreg [dreg:$0x2]  }
0x4: {  	s4 =	rddreg [dreg:$0x3]  }
0x5: {  	s7 =	rddreg [dreg:$0x6];
	s2 =	srdreg.scid;
	s9 =	simm.s32 $0x0  }
0x6: {  	s13 =	stileid.u32;
	s19 =	simm.s32 $0xE;
	s21 =	simm.s32 $0x1  }
0x7: {  	s28 =	simm.s32 $0x3;
	s29 =	simm.s32 $0x6;
	s30 =	simm.s32 $0x0  }
0x8: {  	s2 =	sand.u32 $0x1, s2;
	[smem:$0x7FF] =	sst s9;
	s11 =	smul.u32 $0xA00, s13  }
0x9: {  	p0 =	seq.s32 s13, $0x0;
	s5 =	ssub.s32 $0x2, s2;
	s8 =	sshll.u32 s2, $0x4  }
0xa: {  	_ =	strace $0x80000047;
	p1 =	seq.s32 s2, $0x1;
	s2 =	sor.u32 s2, s13  }
0xb: {  	s6 =	sshrl.u32 s5, $0x1;
	s10 =	sor.u32 s13, s8;
	s23 =	sshrl.u32 s11, $0x2  }
0xc: {  	p0 =	por !p0, !p1;
	p1 =	sne.s32 s2, $0x0;
	s5 =	ssub.s32 s5, s6  }
0xd: {  	s22 =	ssub.s32 $0x501, s10;
	s12 =	sshll.u32 s10, $0x3;
	s24 =	sadd.s32 s23, s7  }
0xe: {  	s16 =	sshll.u32 s10, $0x6;
	s17 =	sshll.u32 s10, $0xE;
	p0 =	por !p0, !p0  }
0xf: {  	s23 =	simm.s32 $0x2;
	s11 =	sshrl.u32 s22, $0x5;
	[dreg:$0x8] =	wrdreg s24  }
.Ltmp0:
0x10: {  	s25 =	sadd.s32 s1, s12;
	s26 =	sadd.s32 s3, s12;
	(pc) =	sbr.rel .LBB2_1-.Ltmp0, $4  }
0x11: {  	s5 =	smax.u32 s5, $0x1;
	[dreg:$0x9] =	wrdreg s25;
	s31 =	smul.u32 $0x56, s11  }
0x12: {  	v0 =	vimm.f32 $1.000000000e+00;
	v4 =	vlaneseq.u32;
	s22 =	simm.s32 $0x4;
	s24 =	simm.s32 $0x5;
	[dreg:$0xa] =	wrdreg s26  }
0x13: {  	v1 =	vimm.f32 $0.0e+00;
	vm0 =	vmmov $0xffff;
	v3 =	vshrl.u32 v4, $0x3;
	s15 =	sadd.s32 $0xFFFFFFFD, s11;
	[dreg:$0xb] =	wrdreg s5;
	s6 =	sadd.s32 $0xAC, s31  }
0x14: {  	v2 =	vand.u32 $0x7, v4;
	v4 =	vor.u32 $0x8, v4;
	v3 =	vmul.u32 $0x8, v3;
	s25 =	simm.s32 $0x7;
	s26 =	simm.s32 $0xA;
	s18 =	sshrl.u32 s6, $0x8  }
.LBB2_21:
0x15: {  	s2 =	stileid.u32  }
0x16: {  	[bflag:$0x0] =	sbarrier.arrive $0xFFFF;
	s2 =	sshll.u32 @!p1 s2, $0x6  }
0x17: {  	s5 =	sshrl.u32 @!p1 s7, $0x3;
	s6 =	rddreg [dreg:$0x4];
	s2 =	sor.u32 @!p1 $0x1C0D, s2  }
0x18: {  	[hbm:s6], [sflag:s2] =	dma.local @!p1 [spmem:s5], $0x500  }
0x19: {  	s2 =	simm.s32 @!p1 $0xD  }
0x1a: {  	_ =	swait.ge @!p1 [sflag:s2], $0x500  }
0x1b: {  	[sflag:s2] =	ssyncset.done @!p1 $0x0  }
0x1c: {  	[sflag:s2] =	ssyncadd.s32 @!p1 $0xFFFFFB00  }
0x1d: {  	s5 =	simm.s32 @p0 $0x1C0D;
	s2 =	sshrl.u32 @p0 s7, $0x3;
	s6 =	rddreg [dreg:$0x5]  }
0x1e: {  	[hbm:s6], [sflag:s5] =	dma.local @p0 [spmem:s2], $0x500  }
0x1f: {  	s2 =	simm.s32 @p0 $0xD  }
0x20: {  	_ =	swait.ge @p0 [sflag:s2], $0x500  }
0x21: {  	s30 =	sadd.s32 $0x1, s30;
	s31 =	rddreg [dreg:$0xb]  }
0x22: {  	p2 =	sne.s32 s30, s31  }
.Ltmp1:
0x23: {  	_ = 	snop;
	(pc) =	sbr.rel @!p2 .LBB2_22-.Ltmp1, $3  }
0x24: {  	_ =	sdelay $0x1  }
0x25: {  	[sflag:s2] =	ssyncset.done @p0 $0x0  }
0x26: {  	[sflag:s2] =	ssyncadd.s32 @p0 $0xFFFFFB00  }
.LBB2_1:
0x27: {  	[tilespmem:$0x18300] =	vst v0  }
0x28: {  	[tilespmem:$0x18310] =	vst v0  }
0x29: {  	[tilespmem:$0x18320] =	vst v0  }
0x2a: {  	[tilespmem:$0x18330] =	vst v0  }
0x2b: {  	[tilespmem:$0x18380] =	vst v1  }
0x2c: {  	[tilespmem:$0x18390] =	vst v1  }
0x2d: {  	[tilespmem:$0x183A0] =	vst v1  }
0x2e: {  	[tilespmem:$0x183B0] =	vst v1  }
0x2f: {  	[tilespmem:$0x183C0] =	vst v1  }
0x30: {  	[tilespmem:$0x183D0] =	vst v1  }
0x31: {  	[tilespmem:$0x183E0] =	vst v1  }
0x32: {  	[tilespmem:$0x183F0] =	vst v1  }
0x33: {  	[tilespmem:$0x18400] =	vst v1  }
0x34: {  	[tilespmem:$0x18410] =	vst v1  }
0x35: {  	[tilespmem:$0x18420] =	vst v1  }
0x36: {  	[tilespmem:$0x18430] =	vst v1  }
0x37: {  	[tilespmem:$0x18440] =	vst v1  }
0x38: {  	[tilespmem:$0x18450] =	vst v1  }
0x39: {  	[tilespmem:$0x18460] =	vst v1  }
0x3a: {  	[tilespmem:$0x18470] =	vst v1  }
0x3b: {  	[tilespmem:$0x18480] =	vst v1  }
0x3c: {  	[tilespmem:$0x18490] =	vst v1  }
0x3d: {  	[tilespmem:$0x184A0] =	vst v1  }
0x3e: {  	[tilespmem:$0x184B0] =	vst v1  }
0x3f: {  	[tilespmem:$0x184C0] =	vst v1  }
0x40: {  	[tilespmem:$0x184D0] =	vst v1  }
0x41: {  	[tilespmem:$0x184E0] =	vst v1  }
0x42: {  	[tilespmem:$0x184F0] =	vst v1  }
0x43: {  	[tilespmem:$0x18500] =	vst v1  }
0x44: {  	[tilespmem:$0x18510] =	vst v1  }
0x45: {  	[tilespmem:$0x18520] =	vst v1  }
0x46: {  	[tilespmem:$0x18530] =	vst v1  }
0x47: {  	[tilespmem:$0x18540] =	vst v1  }
0x48: {  	[tilespmem:$0x18550] =	vst v1  }
0x49: {  	[tilespmem:$0x18560] =	vst v1  }
0x4a: {  	[tilespmem:$0x18570] =	vst v1  }
0x4b: {  	[tilespmem:$0x18580] =	vst v1  }
0x4c: {  	[tilespmem:$0x18590] =	vst v1  }
0x4d: {  	[tilespmem:$0x185A0] =	vst v1  }
0x4e: {  	[tilespmem:$0x185B0] =	vst v1  }
0x4f: {  	[tilespmem:$0x185C0] =	vst v1  }
0x50: {  	[tilespmem:$0x185D0] =	vst v1  }
0x51: {  	[tilespmem:$0x185E0] =	vst v1  }
0x52: {  	[tilespmem:$0x185F0] =	vst v1;
	s2 =	rddreg [dreg:$0x8];
	s5 =	simm.s32 $0x18380;
	s20 =	simm.s32 $0xD  }
0x53: {  	[spmem:s2] =	stream.linear.scatter [tilespmem:s5], [sflag:$0xD], $0x280, $0x38;
	[tilespmem:$0x18880] =	vst v63  }
0x54: {  	_ =	swait.ge [sflag:s20], $0x280  }
0x55: {  	[sflag:s20] =	ssyncset.done $0x0  }
0x56: {  	[sflag:s20] =	ssyncadd.s32 $0xFFFFFD80  }
0x57: {  	[bflag:$0x0] =	sbarrier.arrive $0xFFFF  }
0x58: {  	s6 =	rddreg [dreg:$0x9]  }
0x59: {  	[tilespmem:s9], [sflag:$0xD] =	stream.linear.gather [hbm4b:s6+s9], $0x40, $0x38;
	[tilespmem:$0x18880] =	vst v63  }
0x5a: {  	_ =	swait.ge [sflag:s20], $0x40  }
0x5b: {  	[sflag:s20] =	ssyncset.done $0x0  }
0x5c: {  	s6 =	simm.s32 $0x180;
	s8 =	rddreg [dreg:$0xa];
	[sflag:s20] =	ssyncadd.s32 $0xFFFFFFC0  }
0x5d: {  	[tilespmem:s6], [sflag:$0xD] =	stream.linear.gather [hbm4b:s8+s9], $0x40, $0x38;
	[tilespmem:$0x18880] =	vst v63  }
0x5e: {  	_ =	swait.ge [sflag:s20], $0x40  }
0x5f: {  	[sflag:s20] =	ssyncset.done $0x0  }
0x60: {  	[sflag:s20] =	ssyncadd.s32 $0xFFFFFFC0  }
0x61: {  	v5 =	vld [tilespmem:$0x0];
	_ =	sdelay $0x4  }
0x62: {  	v6 =	vshll.u32 v5, $0x1  }
0x63: {  	v5 =	vand.u32 $0x7, v5;
	v6 =	vand.u32 $0xFFFFFFF0, v6  }
0x64: {  	v5 =	vor.u32 v5, v6  }
0x65: {  	v6 =	vperm.xlane v5, v2;
	_ =	sdelay $0x1  }
0x66: {  	v5 =	vperm.xlane v5, v4;
	v6 =	vadd.s32 v3, v6;
	_ =	sdelay $0x1  }
0x67: {  	v5 =	vadd.s32 v3, v5;
	_ =	sdelay $0x1  }
0x68: {  	s12 =	simm.s32 $0x300  }
0x69: {  	[tilespmem:s12], [sflag:$0x1] =	stream.indirect_vreg.gather [hbm4b:s0+s9], $0x80, v6, vm0, $0xb8;
	[tilespmem:$0x18880] =	vst v63  }
0x6a: {  	s13 =	simm.s32 $0xB00  }
0x6b: {  	[tilespmem:s13], [sflag:$0x1] =	stream.indirect_vreg.gather [hbm4b:s0+s9], $0x80, v5, vm0, $0xb8;
	[tilespmem:$0x18880] =	vst v63  }
0x6c: {  	v5 =	vld [tilespmem:$0x10];
	_ =	sdelay $0x4  }
0x6d: {  	v6 =	vshll.u32 v5, $0x1  }
0x6e: {  	v5 =	vand.u32 $0x7, v5;
	v6 =	vand.u32 $0xFFFFFFF0, v6  }
0x6f: {  	v5 =	vor.u32 v5, v6  }
0x70: {  	v6 =	vperm.xlane v5, v2;
	_ =	sdelay $0x1  }
0x71: {  	v5 =	vperm.xlane v5, v4;
	v6 =	vadd.s32 v3, v6;
	_ =	sdelay $0x1  }
0x72: {  	v5 =	vadd.s32 v3, v5;
	_ =	sdelay $0x1  }
0x73: {  	s14 =	simm.s32 $0x1300  }
0x74: {  	[tilespmem:s14], [sflag:$0x1] =	stream.indirect_vreg.gather [hbm4b:s0+s9], $0x80, v6, vm0, $0xb8;
	[tilespmem:$0x18880] =	vst v63  }
0x75: {  	s20 =	simm.s32 $0x1B00  }
0x76: {  	[tilespmem:s20], [sflag:$0x1] =	stream.indirect_vreg.gather [hbm4b:s0+s9], $0x80, v5, vm0, $0xb8;
	[tilespmem:$0x18880] =	vst v63  }
0x77: {  	v5 =	vld [tilespmem:$0x20];
	_ =	sdelay $0x4  }
0x78: {  	v6 =	vshll.u32 v5, $0x1  }
0x79: {  	v5 =	vand.u32 $0x7, v5;
	v6 =	vand.u32 $0xFFFFFFF0, v6  }
0x7a: {  	v5 =	vor.u32 v5, v6  }
0x7b: {  	v6 =	vperm.xlane v5, v2;
	_ =	sdelay $0x1  }
0x7c: {  	v5 =	vperm.xlane v5, v4;
	v6 =	vadd.s32 v3, v6;
	_ =	sdelay $0x1  }
0x7d: {  	v5 =	vadd.s32 v3, v5;
	_ =	sdelay $0x1  }
0x7e: {  	s5 =	simm.s32 $0x2300  }
0x7f: {  	[tilespmem:s5], [sflag:$0x1] =	stream.indirect_vreg.gather [hbm4b:s0+s9], $0x80, v6, vm0, $0xb8;
	[tilespmem:$0x18880] =	vst v63  }
0x80: {  	s6 =	simm.s32 $0x2B00  }
0x81: {  	[tilespmem:s6], [sflag:$0x1] =	stream.indirect_vreg.gather [hbm4b:s0+s9], $0x80, v5, vm0, $0xb8;
	[tilespmem:$0x18880] =	vst v63  }
0x82: {  	v5 =	vld [tilespmem:$0x30];
	_ =	sdelay $0x4  }
0x83: {  	v6 =	vshll.u32 v5, $0x1  }
0x84: {  	v5 =	vand.u32 $0x7, v5;
	v6 =	vand.u32 $0xFFFFFFF0, v6  }
0x85: {  	v5 =	vor.u32 v5, v6  }
0x86: {  	v6 =	vperm.xlane v5, v2;
	_ =	sdelay $0x1  }
0x87: {  	v5 =	vperm.xlane v5, v4;
	v6 =	vadd.s32 v3, v6;
	_ =	sdelay $0x1  }
0x88: {  	v5 =	vadd.s32 v3, v5;
	_ =	sdelay $0x1  }
0x89: {  	s8 =	simm.s32 $0x3300  }
0x8a: {  	[tilespmem:s8], [sflag:$0x1] =	stream.indirect_vreg.gather [hbm4b:s0+s9], $0x80, v6, vm0, $0xb8;
	[tilespmem:$0x18880] =	vst v63  }
0x8b: {  	s12 =	simm.s32 $0x3B00  }
0x8c: {  	[tilespmem:s12], [sflag:$0x1] =	stream.indirect_vreg.gather [hbm4b:s0+s9], $0x80, v5, vm0, $0xb8;
	[tilespmem:$0x18880] =	vst v63  }
0x8d: {  	v5 =	vld [tilespmem:$0x180];
	_ =	sdelay $0x4  }
0x8e: {  	v6 =	vshll.u32 v5, $0x1  }
0x8f: {  	v5 =	vand.u32 $0x7, v5;
	v6 =	vand.u32 $0xFFFFFFF0, v6  }
0x90: {  	v5 =	vor.u32 v5, v6  }
0x91: {  	v6 =	vperm.xlane v5, v2;
	_ =	sdelay $0x1  }
0x92: {  	v5 =	vperm.xlane v5, v4;
	v6 =	vadd.s32 v3, v6;
	_ =	sdelay $0x1  }
0x93: {  	v5 =	vadd.s32 v3, v5;
	_ =	sdelay $0x1  }
0x94: {  	s13 =	simm.s32 $0xC300  }
0x95: {  	[tilespmem:s13], [sflag:$0x4] =	stream.indirect_vreg.gather [hbm4b:s0+s9], $0x80, v6, vm0, $0xb8;
	[tilespmem:$0x18880] =	vst v63  }
0x96: {  	s14 =	simm.s32 $0xCB00  }
0x97: {  	[tilespmem:s14], [sflag:$0x4] =	stream.indirect_vreg.gather [hbm4b:s0+s9], $0x80, v5, vm0, $0xb8;
	[tilespmem:$0x18880] =	vst v63  }
0x98: {  	v5 =	vld [tilespmem:$0x190];
	_ =	sdelay $0x4  }
0x99: {  	v6 =	vshll.u32 v5, $0x1  }
0x9a: {  	v5 =	vand.u32 $0x7, v5;
	v6 =	vand.u32 $0xFFFFFFF0, v6  }
0x9b: {  	v5 =	vor.u32 v5, v6  }
0x9c: {  	v6 =	vperm.xlane v5, v2;
	_ =	sdelay $0x1  }
0x9d: {  	v5 =	vperm.xlane v5, v4;
	v6 =	vadd.s32 v3, v6;
	_ =	sdelay $0x1  }
0x9e: {  	v5 =	vadd.s32 v3, v5;
	_ =	sdelay $0x1  }
0x9f: {  	s20 =	simm.s32 $0xD300  }
0xa0: {  	[tilespmem:s20], [sflag:$0x4] =	stream.indirect_vreg.gather [hbm4b:s0+s9], $0x80, v6, vm0, $0xb8;
	[tilespmem:$0x18880] =	vst v63  }
0xa1: {  	s5 =	simm.s32 $0xDB00  }
0xa2: {  	[tilespmem:s5], [sflag:$0x4] =	stream.indirect_vreg.gather [hbm4b:s0+s9], $0x80, v5, vm0, $0xb8;
	[tilespmem:$0x18880] =	vst v63  }
0xa3: {  	v5 =	vld [tilespmem:$0x1A0];
	_ =	sdelay $0x4  }
0xa4: {  	v6 =	vshll.u32 v5, $0x1  }
0xa5: {  	v5 =	vand.u32 $0x7, v5;
	v6 =	vand.u32 $0xFFFFFFF0, v6  }
0xa6: {  	v5 =	vor.u32 v5, v6  }
0xa7: {  	v6 =	vperm.xlane v5, v2;
	_ =	sdelay $0x1  }
0xa8: {  	v5 =	vperm.xlane v5, v4;
	v6 =	vadd.s32 v3, v6;
	_ =	sdelay $0x1  }
0xa9: {  	v5 =	vadd.s32 v3, v5;
	_ =	sdelay $0x1  }
0xaa: {  	s6 =	simm.s32 $0xE300  }
0xab: {  	[tilespmem:s6], [sflag:$0x4] =	stream.indirect_vreg.gather [hbm4b:s0+s9], $0x80, v6, vm0, $0xb8;
	[tilespmem:$0x18880] =	vst v63  }
0xac: {  	s8 =	simm.s32 $0xEB00  }
0xad: {  	[tilespmem:s8], [sflag:$0x4] =	stream.indirect_vreg.gather [hbm4b:s0+s9], $0x80, v5, vm0, $0xb8;
	[tilespmem:$0x18880] =	vst v63  }
0xae: {  	v5 =	vld [tilespmem:$0x1B0];
	_ =	sdelay $0x4  }
0xaf: {  	v6 =	vshll.u32 v5, $0x1  }
0xb0: {  	v5 =	vand.u32 $0x7, v5;
	v6 =	vand.u32 $0xFFFFFFF0, v6  }
0xb1: {  	v5 =	vor.u32 v5, v6  }
0xb2: {  	v6 =	vperm.xlane v5, v2;
	_ =	sdelay $0x1  }
0xb3: {  	v6 =	vadd.s32 v3, v6  }
0xb4: {  	v5 =	vperm.xlane v5, v4;
	_ =	sdelay $0x1  }
0xb5: {  	v5 =	vadd.s32 v3, v5  }
0xb6: {  	s12 =	simm.s32 $0xF300  }
0xb7: {  	[tilespmem:s12], [sflag:$0x4] =	stream.indirect_vreg.gather [hbm4b:s0+s9], $0x80, v6, vm0, $0xb8;
	[tilespmem:$0x18880] =	vst v63  }
.Ltmp2:
0xb8: {  	_ = 	snop;
	(pc) =	sbr.rel .LBB2_2-.Ltmp2, $4  }
0xb9: {  	s13 =	simm.s32 $0xFB00  }
0xba: {  	[tilespmem:s13], [sflag:$0x4] =	stream.indirect_vreg.gather [hbm4b:s0+s9], $0x80, v5, vm0, $0xb8;
	[tilespmem:$0x18880] =	vst v63  }
0xbb: {  	s31 =	simm.s32 $0x0;
	s14 =	simm.s32 $0x40;
	s20 =	simm.s32 $0x18300  }
0xbc: {  	[spmem:s7] =	stream.indirect.scatter.add.f32 [tilespmem:s20], [sflag:$0xA], $0x1, s9, s14, $0xb8;
	[tilespmem:$0x18880] =	vst v63  }
.LBB2_20:
0xbd: {  	s31 =	sadd.s32 $0x1, s31  }
0xbe: {  	p2 =	sne.s32 s31, s18  }
.Ltmp3:
0xbf: {  	_ = 	snop;
	(pc) =	sbr.rel @!p2 .LBB2_21-.Ltmp3, $1  }
0xc0: {  	_ =	sdelay $0x3  }
.LBB2_2:
0xc1: {  	s2 =	smul.u32 $0x3, s31;
	_ =	sdelay $0x1  }
0xc2: {  	p3 =	sge.u32 s2, s11  }
.Ltmp4:
0xc3: {  	_ = 	snop;
	(pc) =	sbr.rel @p3 .LBB2_8-.Ltmp4, $3  }
0xc4: {  	_ =	sdelay $0x1  }
0xc5: {  	s5 =	sadd.s32 $0x1, s2  }
0xc6: {  	p2 =	sge.u32 s5, s11  }
.Ltmp5:
0xc7: {  	(pc) =	sbr.rel @p2 .LBB2_5-.Ltmp5, $1  }
0xc8: {  	_ =	sdelay $0x3  }
0xc9: {  	p3 =	seq.s32 s31, $0x0  }
0xca: {  	s6 =	simm.s32 @!p3 $0x8  }
0xcb: {  	_ =	swait.ge @!p3 [sflag:s6], $0x4000  }
0xcc: {  	[sflag:s6] =	ssyncset.done @!p3 $0x0  }
0xcd: {  	s8 =	sshll.u32 s5, $0xB;
	[sflag:s6] =	ssyncadd.s32 @!p3 $0xFFFFC000;
	s6 =	simm.s32 @!p3 $0xB  }
0xce: {  	s8 =	sor.u32 s16, s8;
	_ =	swait.ge @!p3 [sflag:s6], $0x40  }
0xcf: {  	s8 =	sshrl.u32 s8, $0x3;
	[sflag:s6] =	ssyncset.done @!p3 $0x0  }
0xd0: {  	s12 =	simm.s32 $0x80;
	s20 =	sadd.s32 s1, s8;
	[sflag:s6] =	ssyncadd.s32 @!p3 $0xFFFFFFC0  }
0xd1: {  	[tilespmem:s12], [sflag:$0xE] =	stream.linear.gather [hbm4b:s20+s9], $0x40, $0x38;
	[tilespmem:$0x18880] =	vst v63  }
0xd2: {  	_ =	swait.ge [sflag:s19], $0x40  }
0xd3: {  	[sflag:s19] =	ssyncset.done $0x0  }
0xd4: {  	s14 =	simm.s32 $0x200;
	s13 =	sadd.s32 s3, s8;
	[sflag:s19] =	ssyncadd.s32 $0xFFFFFFC0  }
0xd5: {  	[tilespmem:s14], [sflag:$0xE] =	stream.linear.gather [hbm4b:s13+s9], $0x40, $0x38;
	[tilespmem:$0x18880] =	vst v63  }
0xd6: {  	_ =	swait.ge [sflag:s19], $0x40  }
0xd7: {  	[sflag:s19] =	ssyncset.done $0x0  }
0xd8: {  	[sflag:s19] =	ssyncadd.s32 $0xFFFFFFC0  }
0xd9: {  	v5 =	vld [tilespmem:$0x80];
	_ =	sdelay $0x4  }
0xda: {  	v6 =	vshll.u32 v5, $0x1  }
0xdb: {  	v5 =	vand.u32 $0x7, v5;
	v6 =	vand.u32 $0xFFFFFFF0, v6  }
0xdc: {  	v5 =	vor.u32 v5, v6  }
0xdd: {  	v6 =	vperm.xlane v5, v2;
	_ =	sdelay $0x1  }
0xde: {  	v5 =	vperm.xlane v5, v4;
	v6 =	vadd.s32 v3, v6;
	_ =	sdelay $0x1  }
0xdf: {  	v5 =	vadd.s32 v3, v5;
	_ =	sdelay $0x1  }
0xe0: {  	s20 =	simm.s32 $0x4300  }
0xe1: {  	[tilespmem:s20], [sflag:$0x2] =	stream.indirect_vreg.gather [hbm4b:s0+s9], $0x80, v6, vm0, $0xb8;
	[tilespmem:$0x18880] =	vst v63  }
0xe2: {  	s8 =	simm.s32 $0x4B00  }
0xe3: {  	[tilespmem:s8], [sflag:$0x2] =	stream.indirect_vreg.gather [hbm4b:s0+s9], $0x80, v5, vm0, $0xb8;
	[tilespmem:$0x18880] =	vst v63  }
0xe4: {  	v5 =	vld [tilespmem:$0x90];
	_ =	sdelay $0x4  }
0xe5: {  	v6 =	vshll.u32 v5, $0x1  }
0xe6: {  	v5 =	vand.u32 $0x7, v5;
	v6 =	vand.u32 $0xFFFFFFF0, v6  }
0xe7: {  	v5 =	vor.u32 v5, v6  }
0xe8: {  	v6 =	vperm.xlane v5, v2;
	_ =	sdelay $0x1  }
0xe9: {  	v5 =	vperm.xlane v5, v4;
	v6 =	vadd.s32 v3, v6;
	_ =	sdelay $0x1  }
0xea: {  	v5 =	vadd.s32 v3, v5;
	_ =	sdelay $0x1  }
0xeb: {  	s12 =	simm.s32 $0x5300  }
0xec: {  	[tilespmem:s12], [sflag:$0x2] =	stream.indirect_vreg.gather [hbm4b:s0+s9], $0x80, v6, vm0, $0xb8;
	[tilespmem:$0x18880] =	vst v63  }
0xed: {  	s13 =	simm.s32 $0x5B00  }
0xee: {  	[tilespmem:s13], [sflag:$0x2] =	stream.indirect_vreg.gather [hbm4b:s0+s9], $0x80, v5, vm0, $0xb8;
	[tilespmem:$0x18880] =	vst v63  }
0xef: {  	v5 =	vld [tilespmem:$0xA0];
	_ =	sdelay $0x4  }
0xf0: {  	v6 =	vshll.u32 v5, $0x1  }
0xf1: {  	v5 =	vand.u32 $0x7, v5;
	v6 =	vand.u32 $0xFFFFFFF0, v6  }
0xf2: {  	v5 =	vor.u32 v5, v6  }
0xf3: {  	v6 =	vperm.xlane v5, v2;
	_ =	sdelay $0x1  }
0xf4: {  	v5 =	vperm.xlane v5, v4;
	v6 =	vadd.s32 v3, v6;
	_ =	sdelay $0x1  }
0xf5: {  	v5 =	vadd.s32 v3, v5;
	_ =	sdelay $0x1  }
0xf6: {  	s14 =	simm.s32 $0x6300  }
0xf7: {  	[tilespmem:s14], [sflag:$0x2] =	stream.indirect_vreg.gather [hbm4b:s0+s9], $0x80, v6, vm0, $0xb8;
	[tilespmem:$0x18880] =	vst v63  }
0xf8: {  	s20 =	simm.s32 $0x6B00  }
0xf9: {  	[tilespmem:s20], [sflag:$0x2] =	stream.indirect_vreg.gather [hbm4b:s0+s9], $0x80, v5, vm0, $0xb8;
	[tilespmem:$0x18880] =	vst v63  }
0xfa: {  	v5 =	vld [tilespmem:$0xB0];
	_ =	sdelay $0x4  }
0xfb: {  	v6 =	vshll.u32 v5, $0x1  }
0xfc: {  	v5 =	vand.u32 $0x7, v5;
	v6 =	vand.u32 $0xFFFFFFF0, v6  }
0xfd: {  	v5 =	vor.u32 v5, v6  }
0xfe: {  	v6 =	vperm.xlane v5, v2;
	_ =	sdelay $0x1  }
0xff: {  	v5 =	vperm.xlane v5, v4;
	v6 =	vadd.s32 v3, v6;
	_ =	sdelay $0x1  }
0x100: {  	v5 =	vadd.s32 v3, v5;
	_ =	sdelay $0x1  }
0x101: {  	s8 =	simm.s32 $0x7300  }
0x102: {  	[tilespmem:s8], [sflag:$0x2] =	stream.indirect_vreg.gather [hbm4b:s0+s9], $0x80, v6, vm0, $0xb8;
	[tilespmem:$0x18880] =	vst v63  }
0x103: {  	s12 =	simm.s32 $0x7B00  }
0x104: {  	[tilespmem:s12], [sflag:$0x2] =	stream.indirect_vreg.gather [hbm4b:s0+s9], $0x80, v5, vm0, $0xb8;
	[tilespmem:$0x18880] =	vst v63  }
0x105: {  	v5 =	vld [tilespmem:$0x200];
	_ =	sdelay $0x4  }
0x106: {  	v6 =	vshll.u32 v5, $0x1  }
0x107: {  	v5 =	vand.u32 $0x7, v5;
	v6 =	vand.u32 $0xFFFFFFF0, v6  }
0x108: {  	v5 =	vor.u32 v5, v6  }
0x109: {  	v6 =	vperm.xlane v5, v2;
	_ =	sdelay $0x1  }
0x10a: {  	v5 =	vperm.xlane v5, v4;
	v6 =	vadd.s32 v3, v6;
	_ =	sdelay $0x1  }
0x10b: {  	v5 =	vadd.s32 v3, v5;
	_ =	sdelay $0x1  }
0x10c: {  	s13 =	simm.s32 $0x10300  }
0x10d: {  	[tilespmem:s13], [sflag:$0x5] =	stream.indirect_vreg.gather [hbm4b:s0+s9], $0x80, v6, vm0, $0xb8;
	[tilespmem:$0x18880] =	vst v63  }
0x10e: {  	s14 =	simm.s32 $0x10B00  }
0x10f: {  	[tilespmem:s14], [sflag:$0x5] =	stream.indirect_vreg.gather [hbm4b:s0+s9], $0x80, v5, vm0, $0xb8;
	[tilespmem:$0x18880] =	vst v63  }
0x110: {  	v5 =	vld [tilespmem:$0x210];
	_ =	sdelay $0x4  }
0x111: {  	v6 =	vshll.u32 v5, $0x1  }
0x112: {  	v5 =	vand.u32 $0x7, v5;
	v6 =	vand.u32 $0xFFFFFFF0, v6  }
0x113: {  	v5 =	vor.u32 v5, v6  }
0x114: {  	v6 =	vperm.xlane v5, v2;
	_ =	sdelay $0x1  }
0x115: {  	v5 =	vperm.xlane v5, v4;
	v6 =	vadd.s32 v3, v6;
	_ =	sdelay $0x1  }
0x116: {  	v5 =	vadd.s32 v3, v5;
	_ =	sdelay $0x1  }
0x117: {  	s20 =	simm.s32 $0x11300  }
0x118: {  	[tilespmem:s20], [sflag:$0x5] =	stream.indirect_vreg.gather [hbm4b:s0+s9], $0x80, v6, vm0, $0xb8;
	[tilespmem:$0x18880] =	vst v63  }
0x119: {  	s8 =	simm.s32 $0x11B00  }
0x11a: {  	[tilespmem:s8], [sflag:$0x5] =	stream.indirect_vreg.gather [hbm4b:s0+s9], $0x80, v5, vm0, $0xb8;
	[tilespmem:$0x18880] =	vst v63  }
0x11b: {  	v5 =	vld [tilespmem:$0x220];
	_ =	sdelay $0x4  }
0x11c: {  	v6 =	vshll.u32 v5, $0x1  }
0x11d: {  	v5 =	vand.u32 $0x7, v5;
	v6 =	vand.u32 $0xFFFFFFF0, v6  }
0x11e: {  	v5 =	vor.u32 v5, v6  }
0x11f: {  	v6 =	vperm.xlane v5, v2;
	_ =	sdelay $0x1  }
0x120: {  	v5 =	vperm.xlane v5, v4;
	v6 =	vadd.s32 v3, v6;
	_ =	sdelay $0x1  }
0x121: {  	v5 =	vadd.s32 v3, v5;
	_ =	sdelay $0x1  }
0x122: {  	s12 =	simm.s32 $0x12300  }
0x123: {  	[tilespmem:s12], [sflag:$0x5] =	stream.indirect_vreg.gather [hbm4b:s0+s9], $0x80, v6, vm0, $0xb8;
	[tilespmem:$0x18880] =	vst v63  }
0x124: {  	s13 =	simm.s32 $0x12B00  }
0x125: {  	[tilespmem:s13], [sflag:$0x5] =	stream.indirect_vreg.gather [hbm4b:s0+s9], $0x80, v5, vm0, $0xb8;
	[tilespmem:$0x18880] =	vst v63  }
0x126: {  	v5 =	vld [tilespmem:$0x230];
	_ =	sdelay $0x4  }
0x127: {  	v6 =	vshll.u32 v5, $0x1  }
0x128: {  	v5 =	vand.u32 $0x7, v5;
	v6 =	vand.u32 $0xFFFFFFF0, v6  }
0x129: {  	v5 =	vor.u32 v5, v6  }
0x12a: {  	v6 =	vperm.xlane v5, v2;
	_ =	sdelay $0x1  }
0x12b: {  	v5 =	vperm.xlane v5, v4;
	v6 =	vadd.s32 v3, v6;
	_ =	sdelay $0x1  }
0x12c: {  	v5 =	vadd.s32 v3, v5;
	_ =	sdelay $0x1  }
0x12d: {  	s14 =	simm.s32 $0x13300  }
0x12e: {  	[tilespmem:s14], [sflag:$0x5] =	stream.indirect_vreg.gather [hbm4b:s0+s9], $0x80, v6, vm0, $0xb8;
	[tilespmem:$0x18880] =	vst v63  }
0x12f: {  	p3 =	sge.u32 s5, s15;
	s20 =	simm.s32 $0x13B00  }
0x130: {  	[tilespmem:s20], [sflag:$0x5] =	stream.indirect_vreg.gather [hbm4b:s0+s9], $0x80, v5, vm0, $0xb8;
	[tilespmem:$0x18880] =	vst v63  }
0x131: {  	s6 =	simm.s32 @p3 $0x40;
	s8 =	simm.s32 @p3 $0x80;
	s12 =	simm.s32 @p3 $0x18300  }
0x132: {  	[spmem:s7] =	stream.indirect.scatter.add.f32 @p3 [tilespmem:s12], [sflag:$0xE], $0x1, s8, s6, $0xb8;
	[tilespmem:$0x18880] =	vst v63  }
0x133: {  	s6 =	simm.s32 @p3 $0xE  }
0x134: {  	_ =	swait.ge @p3 [sflag:s6], $0x40  }
0x135: {  	s8 =	simm.s32 @!p3 $0x80;
	[sflag:s6] =	ssyncset.done @p3 $0x0  }
0x136: {  	s12 =	simm.s32 @!p3 $0x18300;
	[sflag:s6] =	ssyncadd.s32 @p3 $0xFFFFFFC0;
	s6 =	simm.s32 @!p3 $0x40  }
0x137: {  	[spmem:s7] =	stream.indirect.scatter.add.f32 @!p3 [tilespmem:s12], [sflag:$0xB], $0x1, s8, s6, $0xb8;
	[tilespmem:$0x18880] =	vst v63  }
.LBB2_5:
0x138: {  	_ =	swait.ge [sflag:s21], $0x4000  }
0x139: {  	[sflag:s21] =	ssyncset.done $0x0  }
0x13a: {  	[sflag:s21] =	ssyncadd.s32 $0xFFFFC000  }
0x13b: {  	s6 =	simm.s32 $0x0;
	_ =	swait.ge [sflag:s22], $0x4000  }
0x13c: {  	s8 =	sand.u32 $0x3800, s6;
	s6 =	sand.u32 $0x380, s6;
	[sflag:s22] =	ssyncset.done $0x0  }
0x13d: {  	s6 =	sor.u32 s6, s8;
	[sflag:s22] =	ssyncadd.s32 $0xFFFFC000  }
0x13e: {  	v12 =	vld [tilespmem:s6+$0xC300]  }
0x13f: {  	v13 =	vld [tilespmem:s6+$0xC310]  }
0x140: {  	v14 =	vld [tilespmem:s6+$0xC320]  }
0x141: {  	v15 =	vld [tilespmem:s6+$0xC330]  }
0x142: {  	v16 =	vld [tilespmem:s6+$0xC340]  }
0x143: {  	v17 =	vld [tilespmem:s6+$0xC350]  }
0x144: {  	v18 =	vld [tilespmem:s6+$0xC360]  }
0x145: {  	v19 =	vld [tilespmem:s6+$0xC370]  }
0x146: {  	v20 =	vld [tilespmem:s6+$0xC700]  }
0x147: {  	v11 =	vld [tilespmem:s6+$0xC710]  }
0x148: {  	v10 =	vld [tilespmem:s6+$0xC720]  }
0x149: {  	v9 =	vld [tilespmem:s6+$0xC730]  }
0x14a: {  	v8 =	vld [tilespmem:s6+$0xC740]  }
0x14b: {  	v7 =	vld [tilespmem:s6+$0xC750]  }
0x14c: {  	v6 =	vld [tilespmem:s6+$0xC760]  }
0x14d: {  	v21 =	vld [tilespmem:s6+$0x300]  }
0x14e: {  	v22 =	vld [tilespmem:s6+$0x310]  }
0x14f: {  	v23 =	vld [tilespmem:s6+$0x320]  }
0x150: {  	v24 =	vld [tilespmem:s6+$0x330]  }
0x151: {  	v60 =	vld [tilespmem:s6+$0x350]  }
0x152: {  	v25 =	vld [tilespmem:s6+$0x340]  }
0x153: {  	v5 =	vld [tilespmem:s6+$0xC770];
	v12 =	vadd.f32 v12, v21  }
0x154: {  	v61 =	vld [tilespmem:s6+$0x360];
	v13 =	vadd.f32 v13, v22  }
0x155: {  	[tilespmem:s6+$0x300] =	vst v12;
	v12 =	vadd.f32 v14, v23;
	v14 =	vld [tilespmem:s6+$0x370]  }
0x156: {  	v62 =	vld [tilespmem:s6+$0x700];
	v17 =	vadd.f32 v17, v60;
	[tilespmem:s6+$0x310] =	vst v13  }
0x157: {  	v13 =	vadd.f32 v15, v24;
	[tilespmem:s6+$0x320] =	vst v12;
	v12 =	vadd.f32 v16, v25;
	v16 =	vld [tilespmem:s6+$0x710]  }
0x158: {  	v15 =	vld [tilespmem:s6+$0x720];
	[tilespmem:s6+$0x350] =	vst v17  }
0x159: {  	v63 =	vadd.f32 v18, v61;
	[tilespmem:s6+$0x330] =	vst v13;
	v13 =	vld [tilespmem:s6+$0x730]  }
0x15a: {  	[tilespmem:s6+$0x340] =	vst v12;
	v12 =	vld [tilespmem:s6+$0x740];
	v18 =	vadd.f32 v19, v14  }
0x15b: {  	s20 =	simm.s32 $0x80;
	s8 =	simm.s32 $0x100;
	[tilespmem:s6+$0x360] =	vst v63;
	v17 =	vadd.f32 v20, v62;
	v14 =	vld [tilespmem:s6+$0x750]  }
.LBB2_6:
0x15c: {  	s12 =	sand.u32 $0x3800, s8;
	s13 =	sand.u32 $0x380, s20;
	p3 =	sne.s32 s8, $0x3F00;
	[tilespmem:s6+$0x370] =	vst v18;
	v11 =	vadd.f32 v11, v16;
	v16 =	vld [tilespmem:s6+$0x760]  }
0x15d: {  	s12 =	sor.u32 s13, s12;
	[tilespmem:s6+$0x700] =	vst v17;
	v10 =	vadd.f32 v10, v15;
	v15 =	vld [tilespmem:s6+$0x770]  }
0x15e: {  	v17 =	vld [tilespmem:s12+$0xC300];
	[tilespmem:s6+$0x710] =	vst v11;
	v9 =	vadd.f32 v9, v13  }
0x15f: {  	v13 =	vld [tilespmem:s12+$0xC310];
	[tilespmem:s6+$0x720] =	vst v10;
	v8 =	vadd.f32 v8, v12  }
0x160: {  	v12 =	vld [tilespmem:s12+$0xC320];
	[tilespmem:s6+$0x730] =	vst v9;
	v7 =	vadd.f32 v7, v14  }
0x161: {  	v14 =	vld [tilespmem:s12+$0xC330];
	[tilespmem:s6+$0x740] =	vst v8;
	v6 =	vadd.f32 v6, v16  }
0x162: {  	v16 =	vld [tilespmem:s12+$0xC340];
	[tilespmem:s6+$0x750] =	vst v7;
	v5 =	vadd.f32 v5, v15  }
0x163: {  	v15 =	vld [tilespmem:s12+$0xC350];
	[tilespmem:s6+$0x760] =	vst v6  }
0x164: {  	v18 =	vld [tilespmem:s12+$0xC360];
	[tilespmem:s6+$0x770] =	vst v5;
	s6 =	smov.u32 s12  }
0x165: {  	v19 =	vld [tilespmem:s6+$0xC370]  }
0x166: {  	v20 =	vld [tilespmem:s6+$0xC700]  }
0x167: {  	v11 =	vld [tilespmem:s6+$0xC710]  }
0x168: {  	v10 =	vld [tilespmem:s6+$0xC720]  }
0x169: {  	v9 =	vld [tilespmem:s6+$0xC730]  }
0x16a: {  	v8 =	vld [tilespmem:s6+$0xC740]  }
0x16b: {  	v7 =	vld [tilespmem:s6+$0xC750]  }
0x16c: {  	v6 =	vld [tilespmem:s6+$0xC760]  }
0x16d: {  	v5 =	vld [tilespmem:s6+$0xC770]  }
0x16e: {  	v21 =	vld [tilespmem:s6+$0x300]  }
0x16f: {  	v22 =	vld [tilespmem:s6+$0x310]  }
0x170: {  	v23 =	vld [tilespmem:s6+$0x320]  }
0x171: {  	v24 =	vld [tilespmem:s6+$0x330]  }
0x172: {  	v25 =	vld [tilespmem:s6+$0x340]  }
0x173: {  	v17 =	vadd.f32 v17, v21;
	v21 =	vld [tilespmem:s6+$0x350]  }
0x174: {  	v13 =	vadd.f32 v13, v22;
	v22 =	vld [tilespmem:s6+$0x360]  }
0x175: {  	[tilespmem:s6+$0x300] =	vst v17;
	v12 =	vadd.f32 v12, v23;
	v17 =	vld [tilespmem:s6+$0x370]  }
0x176: {  	[tilespmem:s6+$0x310] =	vst v13;
	v13 =	vadd.f32 v14, v24;
	v14 =	vld [tilespmem:s6+$0x700]  }
.Ltmp6:
0x177: {  	[tilespmem:s6+$0x320] =	vst v12;
	v12 =	vadd.f32 v16, v25;
	v16 =	vld [tilespmem:s6+$0x710];
	(pc) =	sbr.rel @p3 .LBB2_6-.Ltmp6, $4  }
0x178: {  	[tilespmem:s6+$0x330] =	vst v13;
	v21 =	vadd.f32 v15, v21;
	v15 =	vld [tilespmem:s6+$0x720]  }
0x179: {  	[tilespmem:s6+$0x340] =	vst v12;
	v22 =	vadd.f32 v18, v22;
	v13 =	vld [tilespmem:s6+$0x730]  }
0x17a: {  	[tilespmem:s6+$0x350] =	vst v21;
	v18 =	vadd.f32 v19, v17;
	v12 =	vld [tilespmem:s6+$0x740]  }
0x17b: {  	s20 =	sadd.s32 $0x80, s20;
	s8 =	sadd.s32 $0x100, s8;
	[tilespmem:s6+$0x360] =	vst v22;
	v17 =	vadd.f32 v20, v14;
	v14 =	vld [tilespmem:s6+$0x750]  }
0x17c: {  	[tilespmem:s6+$0x370] =	vst v18;
	v11 =	vadd.f32 v11, v16;
	v62 =	vld [tilespmem:s6+$0x760]  }
0x17d: {  	v63 =	vld [tilespmem:s6+$0x770];
	[tilespmem:s6+$0x700] =	vst v17;
	v10 =	vadd.f32 v10, v15  }
0x17e: {  	p3 =	sge.u32 s2, s15;
	[tilespmem:s6+$0x710] =	vst v11;
	v9 =	vadd.f32 v9, v13  }
0x17f: {  	s8 =	smul.u32 @p3 $0x60, s31;
	[tilespmem:s6+$0x720] =	vst v10;
	v8 =	vadd.f32 v8, v12  }
0x180: {  	[tilespmem:s6+$0x730] =	vst v9;
	v7 =	vadd.f32 v7, v14  }
0x181: {  	s8 =	sor.u32 @p3 s10, s8;
	[tilespmem:s6+$0x740] =	vst v8;
	v6 =	vadd.f32 v6, v62  }
0x182: {  	s8 =	sshll.u32 @p3 s8, $0xB;
	v5 =	vadd.f32 v5, v63;
	[tilespmem:s6+$0x750] =	vst v7  }
0x183: {  	s8 =	sand.u32 @p3 $0x1FFFF800, s8;
	[tilespmem:s6+$0x760] =	vst v6  }
0x184: {  	s12 =	simm.s32 @p3 $0x300;
	[tilespmem:s6+$0x770] =	vst v5;
	s6 =	sadd.s32 @p3 s4, s8;
	s8 =	simm.s32 @p3 $0x0  }
0x185: {  	[hbm4b:s6+s8] =	stream.linear.scatter @p3 [tilespmem:s12], [sflag:$0xE], $0x4000, $0x38;
	[tilespmem:$0x18880] =	vst v63  }
0x186: {  	s6 =	smul.u32 @!p3 $0x60, s31;
	_ =	sdelay $0x1  }
0x187: {  	s8 =	simm.s32 @p3 $0xE;
	s6 =	sor.u32 @!p3 s10, s6  }
0x188: {  	_ =	swait.ge @p3 [sflag:s8], $0x4000;
	s6 =	sshll.u32 @!p3 s6, $0xB  }
0x189: {  	s12 =	simm.s32 @!p3 $0x300;
	[sflag:s8] =	ssyncset.done @p3 $0x0;
	s6 =	sand.u32 @!p3 $0x1FFFF800, s6  }
0x18a: {  	[sflag:s8] =	ssyncadd.s32 @p3 $0xFFFFC000;
	s8 =	simm.s32 @!p3 $0x0;
	s6 =	sadd.s32 @!p3 s4, s6  }
0x18b: {  	[hbm4b:s6+s8] =	stream.linear.scatter @!p3 [tilespmem:s12], [sflag:$0x7], $0x4000, $0x38;
	[tilespmem:$0x18880] =	vst v63  }
.LBB2_8:
.Ltmp7:
0x18c: {  	(pc) =	sbr.rel @p2 .LBB2_14-.Ltmp7, $3  }
0x18d: {  	_ =	sdelay $0x1  }
0x18e: {  	s6 =	sadd.s32 $0x2, s2  }
0x18f: {  	p3 =	sge.u32 s6, s11  }
.Ltmp8:
0x190: {  	(pc) =	sbr.rel @p3 .LBB2_11-.Ltmp8, $1  }
0x191: {  	_ =	sdelay $0x3  }
0x192: {  	p2 =	seq.s32 s31, $0x0  }
0x193: {  	s8 =	simm.s32 @!p2 $0x9  }
0x194: {  	_ =	swait.ge @!p2 [sflag:s8], $0x4000  }
0x195: {  	[sflag:s8] =	ssyncset.done @!p2 $0x0  }
0x196: {  	s12 =	sshll.u32 s6, $0xB;
	[sflag:s8] =	ssyncadd.s32 @!p2 $0xFFFFC000;
	s8 =	simm.s32 @!p2 $0xC  }
0x197: {  	s12 =	sor.u32 s16, s12;
	_ =	swait.ge @!p2 [sflag:s8], $0x40  }
0x198: {  	s12 =	sshrl.u32 s12, $0x3;
	[sflag:s8] =	ssyncset.done @!p2 $0x0  }
0x199: {  	s13 =	simm.s32 $0x100;
	s20 =	sadd.s32 s1, s12;
	[sflag:s8] =	ssyncadd.s32 @!p2 $0xFFFFFFC0  }
0x19a: {  	[tilespmem:s13], [sflag:$0xE] =	stream.linear.gather [hbm4b:s20+s9], $0x40, $0x38;
	[tilespmem:$0x18880] =	vst v63  }
0x19b: {  	_ =	swait.ge [sflag:s19], $0x40  }
0x19c: {  	[sflag:s19] =	ssyncset.done $0x0  }
0x19d: {  	s14 =	sadd.s32 s3, s12;
	s20 =	simm.s32 $0x280;
	[sflag:s19] =	ssyncadd.s32 $0xFFFFFFC0  }
0x19e: {  	[tilespmem:s20], [sflag:$0xE] =	stream.linear.gather [hbm4b:s14+s9], $0x40, $0x38;
	[tilespmem:$0x18880] =	vst v63  }
0x19f: {  	_ =	swait.ge [sflag:s19], $0x40  }
0x1a0: {  	[sflag:s19] =	ssyncset.done $0x0  }
0x1a1: {  	[sflag:s19] =	ssyncadd.s32 $0xFFFFFFC0  }
0x1a2: {  	v5 =	vld [tilespmem:$0x100];
	_ =	sdelay $0x4  }
0x1a3: {  	v6 =	vshll.u32 v5, $0x1  }
0x1a4: {  	v5 =	vand.u32 $0x7, v5;
	v6 =	vand.u32 $0xFFFFFFF0, v6  }
0x1a5: {  	v5 =	vor.u32 v5, v6  }
0x1a6: {  	v6 =	vperm.xlane v5, v2;
	_ =	sdelay $0x1  }
0x1a7: {  	v5 =	vperm.xlane v5, v4;
	v6 =	vadd.s32 v3, v6;
	_ =	sdelay $0x1  }
0x1a8: {  	v5 =	vadd.s32 v3, v5;
	_ =	sdelay $0x1  }
0x1a9: {  	s12 =	simm.s32 $0x8300  }
0x1aa: {  	[tilespmem:s12], [sflag:$0x3] =	stream.indirect_vreg.gather [hbm4b:s0+s9], $0x80, v6, vm0, $0xb8;
	[tilespmem:$0x18880] =	vst v63  }
0x1ab: {  	s13 =	simm.s32 $0x8B00  }
0x1ac: {  	[tilespmem:s13], [sflag:$0x3] =	stream.indirect_vreg.gather [hbm4b:s0+s9], $0x80, v5, vm0, $0xb8;
	[tilespmem:$0x18880] =	vst v63  }
0x1ad: {  	v5 =	vld [tilespmem:$0x110];
	_ =	sdelay $0x4  }
0x1ae: {  	v6 =	vshll.u32 v5, $0x1  }
0x1af: {  	v5 =	vand.u32 $0x7, v5;
	v6 =	vand.u32 $0xFFFFFFF0, v6  }
0x1b0: {  	v5 =	vor.u32 v5, v6  }
0x1b1: {  	v6 =	vperm.xlane v5, v2;
	_ =	sdelay $0x1  }
0x1b2: {  	v5 =	vperm.xlane v5, v4;
	v6 =	vadd.s32 v3, v6;
	_ =	sdelay $0x1  }
0x1b3: {  	v5 =	vadd.s32 v3, v5;
	_ =	sdelay $0x1  }
0x1b4: {  	s14 =	simm.s32 $0x9300  }
0x1b5: {  	[tilespmem:s14], [sflag:$0x3] =	stream.indirect_vreg.gather [hbm4b:s0+s9], $0x80, v6, vm0, $0xb8;
	[tilespmem:$0x18880] =	vst v63  }
0x1b6: {  	s20 =	simm.s32 $0x9B00  }
0x1b7: {  	[tilespmem:s20], [sflag:$0x3] =	stream.indirect_vreg.gather [hbm4b:s0+s9], $0x80, v5, vm0, $0xb8;
	[tilespmem:$0x18880] =	vst v63  }
0x1b8: {  	v5 =	vld [tilespmem:$0x120];
	_ =	sdelay $0x4  }
0x1b9: {  	v6 =	vshll.u32 v5, $0x1  }
0x1ba: {  	v5 =	vand.u32 $0x7, v5;
	v6 =	vand.u32 $0xFFFFFFF0, v6  }
0x1bb: {  	v5 =	vor.u32 v5, v6  }
0x1bc: {  	v6 =	vperm.xlane v5, v2;
	_ =	sdelay $0x1  }
0x1bd: {  	v5 =	vperm.xlane v5, v4;
	v6 =	vadd.s32 v3, v6;
	_ =	sdelay $0x1  }
0x1be: {  	v5 =	vadd.s32 v3, v5;
	_ =	sdelay $0x1  }
0x1bf: {  	s12 =	simm.s32 $0xA300  }
0x1c0: {  	[tilespmem:s12], [sflag:$0x3] =	stream.indirect_vreg.gather [hbm4b:s0+s9], $0x80, v6, vm0, $0xb8;
	[tilespmem:$0x18880] =	vst v63  }
0x1c1: {  	s13 =	simm.s32 $0xAB00  }
0x1c2: {  	[tilespmem:s13], [sflag:$0x3] =	stream.indirect_vreg.gather [hbm4b:s0+s9], $0x80, v5, vm0, $0xb8;
	[tilespmem:$0x18880] =	vst v63  }
0x1c3: {  	v5 =	vld [tilespmem:$0x130];
	_ =	sdelay $0x4  }
0x1c4: {  	v6 =	vshll.u32 v5, $0x1  }
0x1c5: {  	v5 =	vand.u32 $0x7, v5;
	v6 =	vand.u32 $0xFFFFFFF0, v6  }
0x1c6: {  	v5 =	vor.u32 v5, v6  }
0x1c7: {  	v6 =	vperm.xlane v5, v2;
	_ =	sdelay $0x1  }
0x1c8: {  	v5 =	vperm.xlane v5, v4;
	v6 =	vadd.s32 v3, v6;
	_ =	sdelay $0x1  }
0x1c9: {  	v5 =	vadd.s32 v3, v5;
	_ =	sdelay $0x1  }
0x1ca: {  	s14 =	simm.s32 $0xB300  }
0x1cb: {  	[tilespmem:s14], [sflag:$0x3] =	stream.indirect_vreg.gather [hbm4b:s0+s9], $0x80, v6, vm0, $0xb8;
	[tilespmem:$0x18880] =	vst v63  }
0x1cc: {  	s20 =	simm.s32 $0xBB00  }
0x1cd: {  	[tilespmem:s20], [sflag:$0x3] =	stream.indirect_vreg.gather [hbm4b:s0+s9], $0x80, v5, vm0, $0xb8;
	[tilespmem:$0x18880] =	vst v63  }
0x1ce: {  	v5 =	vld [tilespmem:$0x280];
	_ =	sdelay $0x4  }
0x1cf: {  	v6 =	vshll.u32 v5, $0x1  }
0x1d0: {  	v5 =	vand.u32 $0x7, v5;
	v6 =	vand.u32 $0xFFFFFFF0, v6  }
0x1d1: {  	v5 =	vor.u32 v5, v6  }
0x1d2: {  	v6 =	vperm.xlane v5, v2;
	_ =	sdelay $0x1  }
0x1d3: {  	v5 =	vperm.xlane v5, v4;
	v6 =	vadd.s32 v3, v6;
	_ =	sdelay $0x1  }
0x1d4: {  	v5 =	vadd.s32 v3, v5;
	_ =	sdelay $0x1  }
0x1d5: {  	s12 =	simm.s32 $0x14300  }
0x1d6: {  	[tilespmem:s12], [sflag:$0x6] =	stream.indirect_vreg.gather [hbm4b:s0+s9], $0x80, v6, vm0, $0xb8;
	[tilespmem:$0x18880] =	vst v63  }
0x1d7: {  	s13 =	simm.s32 $0x14B00  }
0x1d8: {  	[tilespmem:s13], [sflag:$0x6] =	stream.indirect_vreg.gather [hbm4b:s0+s9], $0x80, v5, vm0, $0xb8;
	[tilespmem:$0x18880] =	vst v63  }
0x1d9: {  	v5 =	vld [tilespmem:$0x290];
	_ =	sdelay $0x4  }
0x1da: {  	v6 =	vshll.u32 v5, $0x1  }
0x1db: {  	v5 =	vand.u32 $0x7, v5;
	v6 =	vand.u32 $0xFFFFFFF0, v6  }
0x1dc: {  	v5 =	vor.u32 v5, v6  }
0x1dd: {  	v6 =	vperm.xlane v5, v2;
	_ =	sdelay $0x1  }
0x1de: {  	v5 =	vperm.xlane v5, v4;
	v6 =	vadd.s32 v3, v6;
	_ =	sdelay $0x1  }
0x1df: {  	v5 =	vadd.s32 v3, v5;
	_ =	sdelay $0x1  }
0x1e0: {  	s14 =	simm.s32 $0x15300  }
0x1e1: {  	[tilespmem:s14], [sflag:$0x6] =	stream.indirect_vreg.gather [hbm4b:s0+s9], $0x80, v6, vm0, $0xb8;
	[tilespmem:$0x18880] =	vst v63  }
0x1e2: {  	s20 =	simm.s32 $0x15B00  }
0x1e3: {  	[tilespmem:s20], [sflag:$0x6] =	stream.indirect_vreg.gather [hbm4b:s0+s9], $0x80, v5, vm0, $0xb8;
	[tilespmem:$0x18880] =	vst v63  }
0x1e4: {  	v5 =	vld [tilespmem:$0x2A0];
	_ =	sdelay $0x4  }
0x1e5: {  	v6 =	vshll.u32 v5, $0x1  }
0x1e6: {  	v5 =	vand.u32 $0x7, v5;
	v6 =	vand.u32 $0xFFFFFFF0, v6  }
0x1e7: {  	v5 =	vor.u32 v5, v6  }
0x1e8: {  	v6 =	vperm.xlane v5, v2;
	_ =	sdelay $0x1  }
0x1e9: {  	v5 =	vperm.xlane v5, v4;
	v6 =	vadd.s32 v3, v6;
	_ =	sdelay $0x1  }
0x1ea: {  	v5 =	vadd.s32 v3, v5;
	_ =	sdelay $0x1  }
0x1eb: {  	s12 =	simm.s32 $0x16300  }
0x1ec: {  	[tilespmem:s12], [sflag:$0x6] =	stream.indirect_vreg.gather [hbm4b:s0+s9], $0x80, v6, vm0, $0xb8;
	[tilespmem:$0x18880] =	vst v63  }
0x1ed: {  	s13 =	simm.s32 $0x16B00  }
0x1ee: {  	[tilespmem:s13], [sflag:$0x6] =	stream.indirect_vreg.gather [hbm4b:s0+s9], $0x80, v5, vm0, $0xb8;
	[tilespmem:$0x18880] =	vst v63  }
0x1ef: {  	v5 =	vld [tilespmem:$0x2B0];
	_ =	sdelay $0x4  }
0x1f0: {  	v6 =	vshll.u32 v5, $0x1  }
0x1f1: {  	v5 =	vand.u32 $0x7, v5;
	v6 =	vand.u32 $0xFFFFFFF0, v6  }
0x1f2: {  	v5 =	vor.u32 v5, v6  }
0x1f3: {  	v6 =	vperm.xlane v5, v2;
	_ =	sdelay $0x1  }
0x1f4: {  	v5 =	vperm.xlane v5, v4;
	v6 =	vadd.s32 v3, v6;
	_ =	sdelay $0x1  }
0x1f5: {  	v5 =	vadd.s32 v3, v5;
	_ =	sdelay $0x1  }
0x1f6: {  	s14 =	simm.s32 $0x17300  }
0x1f7: {  	[tilespmem:s14], [sflag:$0x6] =	stream.indirect_vreg.gather [hbm4b:s0+s9], $0x80, v6, vm0, $0xb8;
	[tilespmem:$0x18880] =	vst v63  }
0x1f8: {  	p2 =	sge.u32 s6, s15;
	s20 =	simm.s32 $0x17B00  }
0x1f9: {  	[tilespmem:s20], [sflag:$0x6] =	stream.indirect_vreg.gather [hbm4b:s0+s9], $0x80, v5, vm0, $0xb8;
	[tilespmem:$0x18880] =	vst v63  }
0x1fa: {  	s8 =	simm.s32 @p2 $0x40;
	s12 =	simm.s32 @p2 $0x100;
	s13 =	simm.s32 @p2 $0x18300  }
0x1fb: {  	[spmem:s7] =	stream.indirect.scatter.add.f32 @p2 [tilespmem:s13], [sflag:$0xE], $0x1, s12, s8, $0xb8;
	[tilespmem:$0x18880] =	vst v63  }
0x1fc: {  	s8 =	simm.s32 @p2 $0xE  }
0x1fd: {  	_ =	swait.ge @p2 [sflag:s8], $0x40  }
0x1fe: {  	s12 =	simm.s32 @!p2 $0x100;
	[sflag:s8] =	ssyncset.done @p2 $0x0  }
0x1ff: {  	s13 =	simm.s32 @!p2 $0x18300;
	[sflag:s8] =	ssyncadd.s32 @p2 $0xFFFFFFC0;
	s8 =	simm.s32 @!p2 $0x40  }
0x200: {  	[spmem:s7] =	stream.indirect.scatter.add.f32 @!p2 [tilespmem:s13], [sflag:$0xC], $0x1, s12, s8, $0xb8;
	[tilespmem:$0x18880] =	vst v63  }
.LBB2_11:
0x201: {  	_ =	swait.ge [sflag:s23], $0x4000  }
0x202: {  	[sflag:s23] =	ssyncset.done $0x0  }
0x203: {  	[sflag:s23] =	ssyncadd.s32 $0xFFFFC000  }
0x204: {  	s8 =	simm.s32 $0x0;
	_ =	swait.ge [sflag:s24], $0x4000  }
0x205: {  	s12 =	sand.u32 $0x3800, s8;
	s8 =	sand.u32 $0x380, s8;
	[sflag:s24] =	ssyncset.done $0x0  }
0x206: {  	s20 =	sor.u32 s8, s12;
	[sflag:s24] =	ssyncadd.s32 $0xFFFFC000  }
0x207: {  	v12 =	vld [tilespmem:s20+$0x10300]  }
0x208: {  	v13 =	vld [tilespmem:s20+$0x10310]  }
0x209: {  	v14 =	vld [tilespmem:s20+$0x10320]  }
0x20a: {  	v15 =	vld [tilespmem:s20+$0x10330]  }
0x20b: {  	v16 =	vld [tilespmem:s20+$0x10340]  }
0x20c: {  	v17 =	vld [tilespmem:s20+$0x10350]  }
0x20d: {  	v18 =	vld [tilespmem:s20+$0x10360]  }
0x20e: {  	v19 =	vld [tilespmem:s20+$0x10370]  }
0x20f: {  	v20 =	vld [tilespmem:s20+$0x10700]  }
0x210: {  	v11 =	vld [tilespmem:s20+$0x10710]  }
0x211: {  	v10 =	vld [tilespmem:s20+$0x10720]  }
0x212: {  	v9 =	vld [tilespmem:s20+$0x10730]  }
0x213: {  	v8 =	vld [tilespmem:s20+$0x10740]  }
0x214: {  	v7 =	vld [tilespmem:s20+$0x10750]  }
0x215: {  	v6 =	vld [tilespmem:s20+$0x10760]  }
0x216: {  	v5 =	vld [tilespmem:s20+$0x10770]  }
0x217: {  	v21 =	vld [tilespmem:s20+$0x4300]  }
0x218: {  	v22 =	vld [tilespmem:s20+$0x4310]  }
0x219: {  	v23 =	vld [tilespmem:s20+$0x4320]  }
0x21a: {  	v24 =	vld [tilespmem:s20+$0x4330]  }
0x21b: {  	v25 =	vld [tilespmem:s20+$0x4340]  }
0x21c: {  	v60 =	vld [tilespmem:s20+$0x4350];
	v12 =	vadd.f32 v12, v21  }
0x21d: {  	v61 =	vld [tilespmem:s20+$0x4360];
	v13 =	vadd.f32 v13, v22  }
0x21e: {  	v62 =	vld [tilespmem:s20+$0x4370];
	[tilespmem:s20+$0x4300] =	vst v12;
	v12 =	vadd.f32 v14, v23  }
0x21f: {  	v63 =	vld [tilespmem:s20+$0x4700];
	[tilespmem:s20+$0x4310] =	vst v13;
	v13 =	vadd.f32 v15, v24  }
0x220: {  	v15 =	vld [tilespmem:s20+$0x4710];
	[tilespmem:s20+$0x4320] =	vst v12;
	v12 =	vadd.f32 v16, v25  }
0x221: {  	v14 =	vld [tilespmem:s20+$0x4720];
	[tilespmem:s20+$0x4330] =	vst v13;
	v13 =	vadd.f32 v17, v60  }
0x222: {  	v16 =	vadd.f32 v18, v61;
	[tilespmem:s20+$0x4340] =	vst v12;
	v12 =	vld [tilespmem:s20+$0x4730]  }
0x223: {  	v18 =	vadd.f32 v19, v62;
	[tilespmem:s20+$0x4350] =	vst v13;
	v13 =	vld [tilespmem:s20+$0x4740]  }
0x224: {  	s8 =	simm.s32 $0x80;
	s12 =	simm.s32 $0x100;
	v17 =	vadd.f32 v20, v63;
	[tilespmem:s20+$0x4360] =	vst v16;
	v16 =	vld [tilespmem:s20+$0x4750]  }
.LBB2_12:
0x225: {  	s13 =	sand.u32 $0x3800, s12;
	s14 =	sand.u32 $0x380, s8;
	p2 =	sne.s32 s12, $0x3F00;
	[tilespmem:s20+$0x4370] =	vst v18;
	v11 =	vadd.f32 v11, v15;
	v15 =	vld [tilespmem:s20+$0x4760]  }
0x226: {  	s13 =	sor.u32 s14, s13;
	[tilespmem:s20+$0x4700] =	vst v17;
	v10 =	vadd.f32 v10, v14;
	v14 =	vld [tilespmem:s20+$0x4770]  }
0x227: {  	v17 =	vld [tilespmem:s13+$0x10300];
	[tilespmem:s20+$0x4710] =	vst v11;
	v9 =	vadd.f32 v9, v12  }
0x228: {  	v12 =	vld [tilespmem:s13+$0x10310];
	[tilespmem:s20+$0x4720] =	vst v10;
	v8 =	vadd.f32 v8, v13  }
0x229: {  	v13 =	vld [tilespmem:s13+$0x10320];
	[tilespmem:s20+$0x4730] =	vst v9;
	v7 =	vadd.f32 v7, v16  }
0x22a: {  	v16 =	vld [tilespmem:s13+$0x10330];
	[tilespmem:s20+$0x4740] =	vst v8;
	v6 =	vadd.f32 v6, v15  }
0x22b: {  	v15 =	vld [tilespmem:s13+$0x10340];
	[tilespmem:s20+$0x4750] =	vst v7;
	v5 =	vadd.f32 v5, v14  }
0x22c: {  	v14 =	vld [tilespmem:s13+$0x10350];
	[tilespmem:s20+$0x4760] =	vst v6  }
0x22d: {  	v18 =	vld [tilespmem:s13+$0x10360];
	[tilespmem:s20+$0x4770] =	vst v5;
	s20 =	smov.u32 s13  }
0x22e: {  	v19 =	vld [tilespmem:s20+$0x10370]  }
0x22f: {  	v20 =	vld [tilespmem:s20+$0x10700]  }
0x230: {  	v11 =	vld [tilespmem:s20+$0x10710]  }
0x231: {  	v10 =	vld [tilespmem:s20+$0x10720]  }
0x232: {  	v9 =	vld [tilespmem:s20+$0x10730]  }
0x233: {  	v8 =	vld [tilespmem:s20+$0x10740]  }
0x234: {  	v7 =	vld [tilespmem:s20+$0x10750]  }
0x235: {  	v6 =	vld [tilespmem:s20+$0x10760]  }
0x236: {  	v5 =	vld [tilespmem:s20+$0x10770]  }
0x237: {  	v21 =	vld [tilespmem:s20+$0x4300]  }
0x238: {  	v22 =	vld [tilespmem:s20+$0x4310]  }
0x239: {  	v23 =	vld [tilespmem:s20+$0x4320]  }
0x23a: {  	v24 =	vld [tilespmem:s20+$0x4330]  }
0x23b: {  	v25 =	vld [tilespmem:s20+$0x4340]  }
0x23c: {  	v17 =	vadd.f32 v17, v21;
	v21 =	vld [tilespmem:s20+$0x4350]  }
0x23d: {  	v12 =	vadd.f32 v12, v22;
	v22 =	vld [tilespmem:s20+$0x4360]  }
0x23e: {  	[tilespmem:s20+$0x4300] =	vst v17;
	v13 =	vadd.f32 v13, v23;
	v17 =	vld [tilespmem:s20+$0x4370]  }
0x23f: {  	[tilespmem:s20+$0x4310] =	vst v12;
	v12 =	vadd.f32 v16, v24;
	v16 =	vld [tilespmem:s20+$0x4700]  }
.Ltmp9:
0x240: {  	[tilespmem:s20+$0x4320] =	vst v13;
	v13 =	vadd.f32 v15, v25;
	v15 =	vld [tilespmem:s20+$0x4710];
	(pc) =	sbr.rel @p2 .LBB2_12-.Ltmp9, $4  }
0x241: {  	[tilespmem:s20+$0x4330] =	vst v12;
	v21 =	vadd.f32 v14, v21;
	v14 =	vld [tilespmem:s20+$0x4720]  }
0x242: {  	[tilespmem:s20+$0x4340] =	vst v13;
	v22 =	vadd.f32 v18, v22;
	v12 =	vld [tilespmem:s20+$0x4730]  }
0x243: {  	[tilespmem:s20+$0x4350] =	vst v21;
	v18 =	vadd.f32 v19, v17;
	v13 =	vld [tilespmem:s20+$0x4740]  }
0x244: {  	s8 =	sadd.s32 $0x80, s8;
	s12 =	sadd.s32 $0x100, s12;
	[tilespmem:s20+$0x4360] =	vst v22;
	v17 =	vadd.f32 v20, v16;
	v16 =	vld [tilespmem:s20+$0x4750]  }
0x245: {  	[tilespmem:s20+$0x4370] =	vst v18;
	v11 =	vadd.f32 v11, v15;
	v62 =	vld [tilespmem:s20+$0x4760]  }
0x246: {  	v63 =	vld [tilespmem:s20+$0x4770];
	[tilespmem:s20+$0x4700] =	vst v17;
	v10 =	vadd.f32 v10, v14  }
0x247: {  	[tilespmem:s20+$0x4710] =	vst v11;
	v9 =	vadd.f32 v9, v12  }
0x248: {  	[tilespmem:s20+$0x4720] =	vst v10;
	v8 =	vadd.f32 v8, v13  }
0x249: {  	p2 =	sge.u32 s5, s15;
	[tilespmem:s20+$0x4730] =	vst v9;
	v7 =	vadd.f32 v7, v16  }
0x24a: {  	s8 =	sshll.u32 @p2 s5, $0x13;
	[tilespmem:s20+$0x4740] =	vst v8;
	v6 =	vadd.f32 v6, v62  }
0x24b: {  	s8 =	sor.u32 @p2 s17, s8;
	v5 =	vadd.f32 v5, v63;
	[tilespmem:s20+$0x4750] =	vst v7  }
0x24c: {  	s12 =	simm.s32 @p2 $0x0;
	s8 =	sshrl.u32 @p2 s8, $0x3;
	[tilespmem:s20+$0x4760] =	vst v6  }
0x24d: {  	s13 =	simm.s32 @p2 $0x4300;
	s5 =	sshll.u32 @!p2 s5, $0x13;
	s8 =	sadd.s32 @p2 s4, s8;
	[tilespmem:s20+$0x4770] =	vst v5  }
0x24e: {  	[hbm4b:s8+s12] =	stream.linear.scatter @p2 [tilespmem:s13], [sflag:$0xE], $0x4000, $0x38;
	[tilespmem:$0x18880] =	vst v63  }
0x24f: {  	s5 =	sor.u32 @!p2 s17, s5;
	s8 =	simm.s32 @p2 $0xE  }
0x250: {  	s5 =	sshrl.u32 @!p2 s5, $0x3;
	_ =	swait.ge @p2 [sflag:s8], $0x4000  }
0x251: {  	s5 =	sadd.s32 @!p2 s4, s5;
	[sflag:s8] =	ssyncset.done @p2 $0x0  }
0x252: {  	s12 =	simm.s32 @!p2 $0x4300;
	[sflag:s8] =	ssyncadd.s32 @p2 $0xFFFFC000;
	s8 =	simm.s32 @!p2 $0x0  }
0x253: {  	[hbm4b:s5+s8] =	stream.linear.scatter @!p2 [tilespmem:s12], [sflag:$0x8], $0x4000, $0x38;
	[tilespmem:$0x18880] =	vst v63  }
.LBB2_14:
.Ltmp10:
0x254: {  	(pc) =	sbr.rel @p3 .LBB2_20-.Ltmp10, $1  }
0x255: {  	_ =	sdelay $0x3  }
0x256: {  	s2 =	sadd.s32 $0x3, s2  }
0x257: {  	p2 =	sge.u32 s2, s11  }
.Ltmp11:
0x258: {  	_ = 	snop;
	(pc) =	sbr.rel @p2 .LBB2_17-.Ltmp11, $1  }
0x259: {  	_ =	sdelay $0x3  }
0x25a: {  	_ =	swait.ge [sflag:s25], $0x4000  }
0x25b: {  	[sflag:s25] =	ssyncset.done $0x0  }
0x25c: {  	s5 =	sshll.u32 s2, $0xB;
	[sflag:s25] =	ssyncadd.s32 $0xFFFFC000  }
0x25d: {  	s5 =	sor.u32 s16, s5;
	_ =	swait.ge [sflag:s26], $0x40  }
0x25e: {  	s5 =	sshrl.u32 s5, $0x3;
	[sflag:s26] =	ssyncset.done $0x0  }
0x25f: {  	s8 =	sadd.s32 s1, s5;
	[sflag:s26] =	ssyncadd.s32 $0xFFFFFFC0  }
0x260: {  	[tilespmem:s9], [sflag:$0xE] =	stream.linear.gather [hbm4b:s8+s9], $0x40, $0x38;
	[tilespmem:$0x18880] =	vst v63  }
0x261: {  	_ =	swait.ge [sflag:s19], $0x40  }
0x262: {  	[sflag:s19] =	ssyncset.done $0x0  }
0x263: {  	s14 =	simm.s32 $0x180;
	s5 =	sadd.s32 s3, s5;
	[sflag:s19] =	ssyncadd.s32 $0xFFFFFFC0  }
0x264: {  	[tilespmem:s14], [sflag:$0xE] =	stream.linear.gather [hbm4b:s5+s9], $0x40, $0x38;
	[tilespmem:$0x18880] =	vst v63  }
0x265: {  	_ =	swait.ge [sflag:s19], $0x40  }
0x266: {  	[sflag:s19] =	ssyncset.done $0x0  }
0x267: {  	[sflag:s19] =	ssyncadd.s32 $0xFFFFFFC0  }
0x268: {  	v5 =	vld [tilespmem:$0x0];
	_ =	sdelay $0x4  }
0x269: {  	v6 =	vshll.u32 v5, $0x1  }
0x26a: {  	v5 =	vand.u32 $0x7, v5;
	v6 =	vand.u32 $0xFFFFFFF0, v6  }
0x26b: {  	v5 =	vor.u32 v5, v6  }
0x26c: {  	v6 =	vperm.xlane v5, v2;
	_ =	sdelay $0x1  }
0x26d: {  	v5 =	vperm.xlane v5, v4;
	v6 =	vadd.s32 v3, v6;
	_ =	sdelay $0x1  }
0x26e: {  	v5 =	vadd.s32 v3, v5;
	_ =	sdelay $0x1  }
0x26f: {  	s20 =	simm.s32 $0x300  }
0x270: {  	[tilespmem:s20], [sflag:$0x1] =	stream.indirect_vreg.gather [hbm4b:s0+s9], $0x80, v6, vm0, $0xb8;
	[tilespmem:$0x18880] =	vst v63  }
0x271: {  	s8 =	simm.s32 $0xB00  }
0x272: {  	[tilespmem:s8], [sflag:$0x1] =	stream.indirect_vreg.gather [hbm4b:s0+s9], $0x80, v5, vm0, $0xb8;
	[tilespmem:$0x18880] =	vst v63  }
0x273: {  	v5 =	vld [tilespmem:$0x10];
	_ =	sdelay $0x4  }
0x274: {  	v6 =	vshll.u32 v5, $0x1  }
0x275: {  	v5 =	vand.u32 $0x7, v5;
	v6 =	vand.u32 $0xFFFFFFF0, v6  }
0x276: {  	v5 =	vor.u32 v5, v6  }
0x277: {  	v6 =	vperm.xlane v5, v2;
	_ =	sdelay $0x1  }
0x278: {  	v5 =	vperm.xlane v5, v4;
	v6 =	vadd.s32 v3, v6;
	_ =	sdelay $0x1  }
0x279: {  	v5 =	vadd.s32 v3, v5;
	_ =	sdelay $0x1  }
0x27a: {  	s12 =	simm.s32 $0x1300  }
0x27b: {  	[tilespmem:s12], [sflag:$0x1] =	stream.indirect_vreg.gather [hbm4b:s0+s9], $0x80, v6, vm0, $0xb8;
	[tilespmem:$0x18880] =	vst v63  }
0x27c: {  	s13 =	simm.s32 $0x1B00  }
0x27d: {  	[tilespmem:s13], [sflag:$0x1] =	stream.indirect_vreg.gather [hbm4b:s0+s9], $0x80, v5, vm0, $0xb8;
	[tilespmem:$0x18880] =	vst v63  }
0x27e: {  	v5 =	vld [tilespmem:$0x20];
	_ =	sdelay $0x4  }
0x27f: {  	v6 =	vshll.u32 v5, $0x1  }
0x280: {  	v5 =	vand.u32 $0x7, v5;
	v6 =	vand.u32 $0xFFFFFFF0, v6  }
0x281: {  	v5 =	vor.u32 v5, v6  }
0x282: {  	v6 =	vperm.xlane v5, v2;
	_ =	sdelay $0x1  }
0x283: {  	v5 =	vperm.xlane v5, v4;
	v6 =	vadd.s32 v3, v6;
	_ =	sdelay $0x1  }
0x284: {  	v5 =	vadd.s32 v3, v5;
	_ =	sdelay $0x1  }
0x285: {  	s14 =	simm.s32 $0x2300  }
0x286: {  	[tilespmem:s14], [sflag:$0x1] =	stream.indirect_vreg.gather [hbm4b:s0+s9], $0x80, v6, vm0, $0xb8;
	[tilespmem:$0x18880] =	vst v63  }
0x287: {  	s20 =	simm.s32 $0x2B00  }
0x288: {  	[tilespmem:s20], [sflag:$0x1] =	stream.indirect_vreg.gather [hbm4b:s0+s9], $0x80, v5, vm0, $0xb8;
	[tilespmem:$0x18880] =	vst v63  }
0x289: {  	v5 =	vld [tilespmem:$0x30];
	_ =	sdelay $0x4  }
0x28a: {  	v6 =	vshll.u32 v5, $0x1  }
0x28b: {  	v5 =	vand.u32 $0x7, v5;
	v6 =	vand.u32 $0xFFFFFFF0, v6  }
0x28c: {  	v5 =	vor.u32 v5, v6  }
0x28d: {  	v6 =	vperm.xlane v5, v2;
	_ =	sdelay $0x1  }
0x28e: {  	v5 =	vperm.xlane v5, v4;
	v6 =	vadd.s32 v3, v6;
	_ =	sdelay $0x1  }
0x28f: {  	v5 =	vadd.s32 v3, v5;
	_ =	sdelay $0x1  }
0x290: {  	s8 =	simm.s32 $0x3300  }
0x291: {  	[tilespmem:s8], [sflag:$0x1] =	stream.indirect_vreg.gather [hbm4b:s0+s9], $0x80, v6, vm0, $0xb8;
	[tilespmem:$0x18880] =	vst v63  }
0x292: {  	s12 =	simm.s32 $0x3B00  }
0x293: {  	[tilespmem:s12], [sflag:$0x1] =	stream.indirect_vreg.gather [hbm4b:s0+s9], $0x80, v5, vm0, $0xb8;
	[tilespmem:$0x18880] =	vst v63  }
0x294: {  	v5 =	vld [tilespmem:$0x180];
	_ =	sdelay $0x4  }
0x295: {  	v6 =	vshll.u32 v5, $0x1  }
0x296: {  	v5 =	vand.u32 $0x7, v5;
	v6 =	vand.u32 $0xFFFFFFF0, v6  }
0x297: {  	v5 =	vor.u32 v5, v6  }
0x298: {  	v6 =	vperm.xlane v5, v2;
	_ =	sdelay $0x1  }
0x299: {  	v5 =	vperm.xlane v5, v4;
	v6 =	vadd.s32 v3, v6;
	_ =	sdelay $0x1  }
0x29a: {  	v5 =	vadd.s32 v3, v5;
	_ =	sdelay $0x1  }
0x29b: {  	s13 =	simm.s32 $0xC300  }
0x29c: {  	[tilespmem:s13], [sflag:$0x4] =	stream.indirect_vreg.gather [hbm4b:s0+s9], $0x80, v6, vm0, $0xb8;
	[tilespmem:$0x18880] =	vst v63  }
0x29d: {  	s14 =	simm.s32 $0xCB00  }
0x29e: {  	[tilespmem:s14], [sflag:$0x4] =	stream.indirect_vreg.gather [hbm4b:s0+s9], $0x80, v5, vm0, $0xb8;
	[tilespmem:$0x18880] =	vst v63  }
0x29f: {  	v5 =	vld [tilespmem:$0x190];
	_ =	sdelay $0x4  }
0x2a0: {  	v6 =	vshll.u32 v5, $0x1  }
0x2a1: {  	v5 =	vand.u32 $0x7, v5;
	v6 =	vand.u32 $0xFFFFFFF0, v6  }
0x2a2: {  	v5 =	vor.u32 v5, v6  }
0x2a3: {  	v6 =	vperm.xlane v5, v2;
	_ =	sdelay $0x1  }
0x2a4: {  	v5 =	vperm.xlane v5, v4;
	v6 =	vadd.s32 v3, v6;
	_ =	sdelay $0x1  }
0x2a5: {  	v5 =	vadd.s32 v3, v5;
	_ =	sdelay $0x1  }
0x2a6: {  	s20 =	simm.s32 $0xD300  }
0x2a7: {  	[tilespmem:s20], [sflag:$0x4] =	stream.indirect_vreg.gather [hbm4b:s0+s9], $0x80, v6, vm0, $0xb8;
	[tilespmem:$0x18880] =	vst v63  }
0x2a8: {  	s8 =	simm.s32 $0xDB00  }
0x2a9: {  	[tilespmem:s8], [sflag:$0x4] =	stream.indirect_vreg.gather [hbm4b:s0+s9], $0x80, v5, vm0, $0xb8;
	[tilespmem:$0x18880] =	vst v63  }
0x2aa: {  	v5 =	vld [tilespmem:$0x1A0];
	_ =	sdelay $0x4  }
0x2ab: {  	v6 =	vshll.u32 v5, $0x1  }
0x2ac: {  	v5 =	vand.u32 $0x7, v5;
	v6 =	vand.u32 $0xFFFFFFF0, v6  }
0x2ad: {  	v5 =	vor.u32 v5, v6  }
0x2ae: {  	v6 =	vperm.xlane v5, v2;
	_ =	sdelay $0x1  }
0x2af: {  	v5 =	vperm.xlane v5, v4;
	v6 =	vadd.s32 v3, v6;
	_ =	sdelay $0x1  }
0x2b0: {  	v5 =	vadd.s32 v3, v5;
	_ =	sdelay $0x1  }
0x2b1: {  	s12 =	simm.s32 $0xE300  }
0x2b2: {  	[tilespmem:s12], [sflag:$0x4] =	stream.indirect_vreg.gather [hbm4b:s0+s9], $0x80, v6, vm0, $0xb8;
	[tilespmem:$0x18880] =	vst v63  }
0x2b3: {  	s13 =	simm.s32 $0xEB00  }
0x2b4: {  	[tilespmem:s13], [sflag:$0x4] =	stream.indirect_vreg.gather [hbm4b:s0+s9], $0x80, v5, vm0, $0xb8;
	[tilespmem:$0x18880] =	vst v63  }
0x2b5: {  	v5 =	vld [tilespmem:$0x1B0];
	_ =	sdelay $0x4  }
0x2b6: {  	v6 =	vshll.u32 v5, $0x1  }
0x2b7: {  	v5 =	vand.u32 $0x7, v5;
	v6 =	vand.u32 $0xFFFFFFF0, v6  }
0x2b8: {  	v5 =	vor.u32 v5, v6  }
0x2b9: {  	v6 =	vperm.xlane v5, v2;
	_ =	sdelay $0x1  }
0x2ba: {  	v5 =	vperm.xlane v5, v4;
	v6 =	vadd.s32 v3, v6;
	_ =	sdelay $0x1  }
0x2bb: {  	v5 =	vadd.s32 v3, v5;
	_ =	sdelay $0x1  }
0x2bc: {  	s14 =	simm.s32 $0xF300  }
0x2bd: {  	[tilespmem:s14], [sflag:$0x4] =	stream.indirect_vreg.gather [hbm4b:s0+s9], $0x80, v6, vm0, $0xb8;
	[tilespmem:$0x18880] =	vst v63  }
0x2be: {  	p2 =	sge.u32 s2, s15;
	s20 =	simm.s32 $0xFB00  }
0x2bf: {  	[tilespmem:s20], [sflag:$0x4] =	stream.indirect_vreg.gather [hbm4b:s0+s9], $0x80, v5, vm0, $0xb8;
	[tilespmem:$0x18880] =	vst v63  }
0x2c0: {  	s2 =	simm.s32 @p2 $0x40;
	s5 =	simm.s32 @p2 $0x0;
	s8 =	simm.s32 @p2 $0x18300  }
0x2c1: {  	[spmem:s7] =	stream.indirect.scatter.add.f32 @p2 [tilespmem:s8], [sflag:$0xE], $0x1, s5, s2, $0xb8;
	[tilespmem:$0x18880] =	vst v63  }
0x2c2: {  	s2 =	simm.s32 @p2 $0xE  }
0x2c3: {  	_ =	swait.ge @p2 [sflag:s2], $0x40  }
0x2c4: {  	s5 =	simm.s32 @!p2 $0x0;
	[sflag:s2] =	ssyncset.done @p2 $0x0  }
0x2c5: {  	s8 =	simm.s32 @!p2 $0x18300;
	[sflag:s2] =	ssyncadd.s32 @p2 $0xFFFFFFC0;
	s2 =	simm.s32 @!p2 $0x40  }
0x2c6: {  	[spmem:s7] =	stream.indirect.scatter.add.f32 @!p2 [tilespmem:s8], [sflag:$0xA], $0x1, s5, s2, $0xb8;
	[tilespmem:$0x18880] =	vst v63  }
.LBB2_17:
0x2c7: {  	_ =	swait.ge [sflag:s28], $0x4000  }
0x2c8: {  	[sflag:s28] =	ssyncset.done $0x0  }
0x2c9: {  	[sflag:s28] =	ssyncadd.s32 $0xFFFFC000  }
0x2ca: {  	s2 =	simm.s32 $0x0;
	_ =	swait.ge [sflag:s29], $0x4000  }
0x2cb: {  	s5 =	sand.u32 $0x3800, s2;
	s2 =	sand.u32 $0x380, s2;
	[sflag:s29] =	ssyncset.done $0x0  }
0x2cc: {  	s2 =	sor.u32 s2, s5;
	[sflag:s29] =	ssyncadd.s32 $0xFFFFC000  }
0x2cd: {  	v12 =	vld [tilespmem:s2+$0x14300]  }
0x2ce: {  	v13 =	vld [tilespmem:s2+$0x14310]  }
0x2cf: {  	v14 =	vld [tilespmem:s2+$0x14320]  }
0x2d0: {  	v15 =	vld [tilespmem:s2+$0x14330]  }
0x2d1: {  	v16 =	vld [tilespmem:s2+$0x14340]  }
0x2d2: {  	v17 =	vld [tilespmem:s2+$0x14350]  }
0x2d3: {  	v18 =	vld [tilespmem:s2+$0x14360]  }
0x2d4: {  	v19 =	vld [tilespmem:s2+$0x14370]  }
0x2d5: {  	v20 =	vld [tilespmem:s2+$0x14700]  }
0x2d6: {  	v11 =	vld [tilespmem:s2+$0x14710]  }
0x2d7: {  	v10 =	vld [tilespmem:s2+$0x14720]  }
0x2d8: {  	v9 =	vld [tilespmem:s2+$0x14730]  }
0x2d9: {  	v8 =	vld [tilespmem:s2+$0x14740]  }
0x2da: {  	v7 =	vld [tilespmem:s2+$0x14750]  }
0x2db: {  	v6 =	vld [tilespmem:s2+$0x14760]  }
0x2dc: {  	v5 =	vld [tilespmem:s2+$0x14770]  }
0x2dd: {  	v21 =	vld [tilespmem:s2+$0x8300]  }
0x2de: {  	v22 =	vld [tilespmem:s2+$0x8310]  }
0x2df: {  	v23 =	vld [tilespmem:s2+$0x8320]  }
0x2e0: {  	v24 =	vld [tilespmem:s2+$0x8330]  }
0x2e1: {  	v25 =	vld [tilespmem:s2+$0x8340]  }
0x2e2: {  	v60 =	vld [tilespmem:s2+$0x8350];
	v12 =	vadd.f32 v12, v21  }
0x2e3: {  	v61 =	vld [tilespmem:s2+$0x8360];
	v13 =	vadd.f32 v13, v22  }
0x2e4: {  	v62 =	vld [tilespmem:s2+$0x8370];
	[tilespmem:s2+$0x8300] =	vst v12;
	v12 =	vadd.f32 v14, v23  }
0x2e5: {  	v63 =	vld [tilespmem:s2+$0x8700];
	[tilespmem:s2+$0x8310] =	vst v13;
	v13 =	vadd.f32 v15, v24  }
0x2e6: {  	v15 =	vld [tilespmem:s2+$0x8710];
	[tilespmem:s2+$0x8320] =	vst v12;
	v12 =	vadd.f32 v16, v25  }
0x2e7: {  	v14 =	vld [tilespmem:s2+$0x8720];
	[tilespmem:s2+$0x8330] =	vst v13;
	v13 =	vadd.f32 v17, v60  }
0x2e8: {  	v16 =	vadd.f32 v18, v61;
	[tilespmem:s2+$0x8340] =	vst v12;
	v12 =	vld [tilespmem:s2+$0x8730]  }
0x2e9: {  	v18 =	vadd.f32 v19, v62;
	[tilespmem:s2+$0x8350] =	vst v13;
	v13 =	vld [tilespmem:s2+$0x8740]  }
0x2ea: {  	s8 =	simm.s32 $0x100;
	s5 =	simm.s32 $0x80;
	v17 =	vadd.f32 v20, v63;
	[tilespmem:s2+$0x8360] =	vst v16;
	v16 =	vld [tilespmem:s2+$0x8750]  }
.LBB2_18:
0x2eb: {  	s12 =	sand.u32 $0x3800, s8;
	s13 =	sand.u32 $0x380, s5;
	p2 =	sne.s32 s8, $0x3F00;
	[tilespmem:s2+$0x8370] =	vst v18;
	v11 =	vadd.f32 v11, v15;
	v15 =	vld [tilespmem:s2+$0x8760]  }
0x2ec: {  	s12 =	sor.u32 s13, s12;
	[tilespmem:s2+$0x8700] =	vst v17;
	v10 =	vadd.f32 v10, v14;
	v14 =	vld [tilespmem:s2+$0x8770]  }
0x2ed: {  	v17 =	vld [tilespmem:s12+$0x14300];
	[tilespmem:s2+$0x8710] =	vst v11;
	v9 =	vadd.f32 v9, v12  }
0x2ee: {  	v12 =	vld [tilespmem:s12+$0x14310];
	[tilespmem:s2+$0x8720] =	vst v10;
	v8 =	vadd.f32 v8, v13  }
0x2ef: {  	v13 =	vld [tilespmem:s12+$0x14320];
	[tilespmem:s2+$0x8730] =	vst v9;
	v7 =	vadd.f32 v7, v16  }
0x2f0: {  	v16 =	vld [tilespmem:s12+$0x14330];
	[tilespmem:s2+$0x8740] =	vst v8;
	v6 =	vadd.f32 v6, v15  }
0x2f1: {  	v15 =	vld [tilespmem:s12+$0x14340];
	[tilespmem:s2+$0x8750] =	vst v7;
	v5 =	vadd.f32 v5, v14  }
0x2f2: {  	v14 =	vld [tilespmem:s12+$0x14350];
	[tilespmem:s2+$0x8760] =	vst v6  }
0x2f3: {  	v18 =	vld [tilespmem:s12+$0x14360];
	[tilespmem:s2+$0x8770] =	vst v5;
	s2 =	smov.u32 s12  }
0x2f4: {  	v19 =	vld [tilespmem:s2+$0x14370]  }
0x2f5: {  	v20 =	vld [tilespmem:s2+$0x14700]  }
0x2f6: {  	v11 =	vld [tilespmem:s2+$0x14710]  }
0x2f7: {  	v10 =	vld [tilespmem:s2+$0x14720]  }
0x2f8: {  	v9 =	vld [tilespmem:s2+$0x14730]  }
0x2f9: {  	v8 =	vld [tilespmem:s2+$0x14740]  }
0x2fa: {  	v7 =	vld [tilespmem:s2+$0x14750]  }
0x2fb: {  	v6 =	vld [tilespmem:s2+$0x14760]  }
0x2fc: {  	v5 =	vld [tilespmem:s2+$0x14770]  }
0x2fd: {  	v21 =	vld [tilespmem:s2+$0x8300]  }
0x2fe: {  	v22 =	vld [tilespmem:s2+$0x8310]  }
0x2ff: {  	v23 =	vld [tilespmem:s2+$0x8320]  }
0x300: {  	v24 =	vld [tilespmem:s2+$0x8330]  }
0x301: {  	v25 =	vld [tilespmem:s2+$0x8340]  }
0x302: {  	v17 =	vadd.f32 v17, v21;
	v21 =	vld [tilespmem:s2+$0x8350]  }
0x303: {  	v12 =	vadd.f32 v12, v22;
	v22 =	vld [tilespmem:s2+$0x8360]  }
0x304: {  	[tilespmem:s2+$0x8300] =	vst v17;
	v13 =	vadd.f32 v13, v23;
	v17 =	vld [tilespmem:s2+$0x8370]  }
0x305: {  	[tilespmem:s2+$0x8310] =	vst v12;
	v12 =	vadd.f32 v16, v24;
	v16 =	vld [tilespmem:s2+$0x8700]  }
.Ltmp12:
0x306: {  	[tilespmem:s2+$0x8320] =	vst v13;
	v13 =	vadd.f32 v15, v25;
	v15 =	vld [tilespmem:s2+$0x8710];
	(pc) =	sbr.rel @p2 .LBB2_18-.Ltmp12, $4  }
0x307: {  	[tilespmem:s2+$0x8330] =	vst v12;
	v21 =	vadd.f32 v14, v21;
	v14 =	vld [tilespmem:s2+$0x8720]  }
0x308: {  	[tilespmem:s2+$0x8340] =	vst v13;
	v22 =	vadd.f32 v18, v22;
	v12 =	vld [tilespmem:s2+$0x8730]  }
0x309: {  	[tilespmem:s2+$0x8350] =	vst v21;
	v18 =	vadd.f32 v19, v17;
	v13 =	vld [tilespmem:s2+$0x8740]  }
0x30a: {  	s5 =	sadd.s32 $0x80, s5;
	s8 =	sadd.s32 $0x100, s8;
	[tilespmem:s2+$0x8360] =	vst v22;
	v17 =	vadd.f32 v20, v16;
	v16 =	vld [tilespmem:s2+$0x8750]  }
0x30b: {  	[tilespmem:s2+$0x8370] =	vst v18;
	v11 =	vadd.f32 v11, v15;
	v62 =	vld [tilespmem:s2+$0x8760]  }
0x30c: {  	v63 =	vld [tilespmem:s2+$0x8770];
	[tilespmem:s2+$0x8700] =	vst v17;
	v10 =	vadd.f32 v10, v14  }
0x30d: {  	[tilespmem:s2+$0x8710] =	vst v11;
	v9 =	vadd.f32 v9, v12  }
0x30e: {  	[tilespmem:s2+$0x8720] =	vst v10;
	v8 =	vadd.f32 v8, v13  }
0x30f: {  	[tilespmem:s2+$0x8730] =	vst v9;
	v7 =	vadd.f32 v7, v16  }
0x310: {  	s5 =	sshll.u32 s6, $0x13;
	[tilespmem:s2+$0x8740] =	vst v8;
	v6 =	vadd.f32 v6, v62  }
0x311: {  	s5 =	sor.u32 s17, s5;
	v5 =	vadd.f32 v5, v63;
	[tilespmem:s2+$0x8750] =	vst v7  }
0x312: {  	p2 =	sge.u32 s6, s15;
	s5 =	sshrl.u32 s5, $0x3;
	[tilespmem:s2+$0x8760] =	vst v6  }
0x313: {  	s6 =	simm.s32 @p2 $0x8300;
	[tilespmem:s2+$0x8770] =	vst v5;
	s2 =	sadd.s32 s4, s5;
	s5 =	simm.s32 @p2 $0x0  }
0x314: {  	[hbm4b:s2+s5] =	stream.linear.scatter @p2 [tilespmem:s6], [sflag:$0xD], $0x4000, $0x38;
	[tilespmem:$0x18880] =	vst v63  }
.Ltmp13:
0x315: {  	s5 =	simm.s32 @p2 $0xD;
	(pc) =	sbr.rel .LBB2_20-.Ltmp13, $4  }
0x316: {  	_ =	swait.ge @p2 [sflag:s5], $0x4000  }
0x317: {  	[sflag:s5] =	ssyncset.done @p2 $0x0  }
0x318: {  	s6 =	simm.s32 @!p2 $0x8300;
	[sflag:s5] =	ssyncadd.s32 @p2 $0xFFFFC000;
	s5 =	simm.s32 @!p2 $0x0  }
0x319: {  	[hbm4b:s2+s5] =	stream.linear.scatter @!p2 [tilespmem:s6], [sflag:$0x9], $0x4000, $0x38;
	[tilespmem:$0x18880] =	vst v63  }
.LBB2_22:
0x31a: {  	_ =	sfence.sel $0x180000  }
0x31b: {  	[bflag:$0x0] =	sbarrier.arrive $0xFFFF  }
0x31c: {  	_ =	strace $0x90000047  }
0x31d: {  	s0 =	stileid.u32;
	[bflag:$0x2] =	sbarrier.arrive $0xFFFF  }
0x31e: {  	p0 =	sne.s32 s0, $0x0;
	s0 =	rddreg [dreg:$0x7]  }
0x31f: {  	s0 =	sadd.s32 @!p0 $0x100000, s0  }
0x320: {  	[sflag:s0] =	ssyncadd.tile.s32 @!p0 $0x1;
	_ =	shalt  }
.Lfunc_end2:
_tile_overlayer_lowered:
.L_overlay_start_2:
0x321: {  	(tag) =	ssettag $0x2  }
0x322: {  	s0 =	rddreg [dreg:$0x0];
	s2 =	stileid.u32  }
0x323: {  	s1 =	rddreg [dreg:$0x1];
	p0 =	sne.s32 s2, $0x0  }
0x324: {  	s3 =	rddreg [dreg:$0x2];
	[bflag:$0x3] =	sbarrier.arrive $0xFFFF;
	s2 =	simm.s32 @!p0 $0x1C0D  }
0x325: {  	[timem:s3], [sflag:s2] =	dma.local @!p0 [hbm:s0], s1  }
0x326: {  	s0 =	simm.s32 @!p0 $0xD  }
0x327: {  	_ =	swait.ge @!p0 [sflag:s0], s1  }
0x328: {  	s1 =	ssub.s32 @!p0 $0x0, s1;
	[sflag:s0] =	ssyncset.done @!p0 $0x0  }
0x329: {  	[sflag:s0] =	ssyncadd.s32 @!p0 s1  }
0x32a: {  	[bflag:$0x3] =	sbarrier.arrive $0xFFFF  }
0x32b: {  	_ =	shalt  }

</sc_bundles>
